<compile_context>
chip_gen: v7x
topology: tpu7x:2x2x1
jax: 0.10.2.dev20260603
libtpu: 0.0.44.dev20260713+nightly
codegen_flags: <defaults>
</compile_context>

<pallas_src>
import functools

import jax
import jax.numpy as jnp
from jax import lax
from jax.experimental import pallas as pl
from jax.experimental.pallas import tpu as pltpu
from jax.experimental.pallas import tpu_sc as plsc

D_MODEL = 64
N_BATCH = 4096
N_TIME = 200
LANES = 128
NUM_WORKERS = 32
VOCAB_ROWS = 1000000

TC_VBLK = 16384


def _eye(n):
    r = lax.broadcasted_iota(jnp.int32, (n, n), 0)
    c = lax.broadcasted_iota(jnp.int32, (n, n), 1)
    return (r == c).astype(jnp.float32)


def _t2_body(tt_ref, out_ref):
    out_ref[:, 0:D_MODEL] = lax.dot_general(
        tt_ref[...], _eye(D_MODEL), (((0,), (0,)), ((), ())),
        preferred_element_type=jnp.float32)


def _make_t2(table_t):
    grid = (VOCAB_ROWS + TC_VBLK - 1) // TC_VBLK
    return pl.pallas_call(
        _t2_body,
        grid=(grid,),
        in_specs=[pl.BlockSpec((D_MODEL, TC_VBLK), lambda i: (0, i))],
        out_specs=pl.BlockSpec((TC_VBLK, LANES), lambda i: (i, 0)),
        out_shape=jax.ShapeDtypeStruct((VOCAB_ROWS, LANES), jnp.float32),
    )(table_t)


T_BLK = 4


def _out_body(lin_ref, out_ref):
    eye = _eye(LANES)
    for tt in range(T_BLK):
        for c in range(N_BATCH // LANES):
            seg = lin_ref[tt, pl.ds(c * LANES, LANES), 0:D_MODEL]
            t = lax.dot_general(
                seg, eye, (((0,), (0,)), ((), ())),
                preferred_element_type=jnp.float32)
            out_ref[tt, :, c, :, :] = t.reshape(8, 8, LANES)


def _make_out5(out_lin):
    return pl.pallas_call(
        _out_body,
        grid=(N_TIME // T_BLK,),
        in_specs=[pl.BlockSpec(
            (T_BLK, N_BATCH, LANES), lambda t: (t, 0, 0))],
        out_specs=pl.BlockSpec(
            (T_BLK, D_MODEL // 8, N_BATCH // LANES, 8, LANES),
            lambda t: (t, 0, 0, 0, 0)),
        out_shape=jax.ShapeDtypeStruct(
            (N_TIME, D_MODEL // 8, N_BATCH // LANES, 8, LANES),
            jnp.float32),
    )(out_lin)


@functools.partial(
    pl.kernel,
    mesh=plsc.VectorSubcoreMesh(core_axis_name="c", subcore_axis_name="s"),
    out_type=jax.ShapeDtypeStruct((N_TIME, N_BATCH, LANES), jnp.float32),
    scratch_types=[
        pltpu.VMEM((N_TIME * LANES,), jnp.int32),
        pltpu.VMEM((2, LANES, LANES), jnp.float32),
        pltpu.SemaphoreType.DMA,
        pltpu.SemaphoreType.DMA,
        pltpu.SemaphoreType.DMA,
        pltpu.SemaphoreType.DMA,
        pltpu.SemaphoreType.DMA,
    ],
    compiler_params=pltpu.CompilerParams(needs_layout_passes=False),
)
def _gather(t2_hbm, xw_hbm, out_hbm,
            x_v, g_v, xsem, gsem0, gsem1, wsem0, wsem1):
    wid = lax.axis_index("s") * 2 + lax.axis_index("c")
    gsems = (gsem0, gsem1)
    wsems = (wsem0, wsem1)

    pltpu.make_async_copy(xw_hbm.at[wid], x_v, xsem).start()
    pltpu.make_async_copy(xw_hbm.at[wid], x_v, xsem).wait()

    def g_dma(t, s):
        return pltpu.make_async_copy(
            t2_hbm.at[x_v.at[pl.ds(t * LANES, LANES)]],
            g_v.at[s], gsems[s])

    def w_dma(t, s):
        return pltpu.make_async_copy(
            g_v.at[s],
            out_hbm.at[t, pl.ds(wid * LANES, LANES)], wsems[s])

    g_dma(0, 0).start()

    def body(k, carry):
        t0 = k * 2
        for b in range(2):
            t = t0 + b
            s = b

            g_dma(t, s).wait()
            w_dma(t, s).start()

            @pl.when(t >= 1)
            def _():
                w_dma(t - 1, 1 - s).wait()

            @pl.when(t + 1 < N_TIME)
            def _():
                g_dma(t + 1, 1 - s).start()
        return carry

    lax.fori_loop(0, N_TIME // 2, body, 0)
    w_dma(N_TIME - 1, 1).wait()


def kernel(x, table):
    t2 = _make_t2(table.T)
    xw = (
        x.astype(jnp.int32)
        .T.reshape(N_TIME, NUM_WORKERS, LANES)
        .transpose(1, 0, 2)
        .reshape(NUM_WORKERS, N_TIME * LANES)
    )
    out_lin = _gather(t2, xw)
    out5 = _make_out5(out_lin)
    return out5.transpose(2, 4, 0, 1, 3).reshape(N_BATCH, N_TIME, D_MODEL)

# --- scband reference (transcript-rebuilt; emitter-appended) ---
"""Pipeline reference for scband-token-embedding-20796231647505 (READ-ONLY COPY).

The authoritative reference and input builder live on the scoring server;
editing this copy changes nothing except your own understanding.
"""

import jax, jax.numpy as jnp
import numpy as np

VOCAB = 1000000
D_MODEL = 64
PADDING_IDX = 0

def setup_inputs(seed: int = 0) -> dict:
    key = jax.random.key(seed)
    k_idx, k_tab = jax.random.split(key)
    x = jax.random.randint(k_idx, (4096, 200), 0, VOCAB, dtype=jnp.int64)
    # nn.Embedding init: N(0,1); padding_idx row zeroed at init
    table = jax.random.normal(k_tab, (VOCAB, D_MODEL), dtype=jnp.float32)
    table = table.at[PADDING_IDX].set(0.0)
    return {"x": x, "table": table}

def reference(x, table):
    # nn.Embedding forward: row gather from the embedding table
    return jnp.take(table, x, axis=0)

if __name__ == "__main__":
    import jax
    _d = setup_inputs()
    print(jax.jit(kernel)(*tuple(_d.values())))

</pallas_src>

<mosaic_0001>
#map = affine_map<(d0, d1) -> (0, 0)>
#map1 = affine_map<(d0, d1) -> (0, 0, 0)>
module attributes {stable_mosaic.version = 14 : i64} {
  func.func @_gather(%arg0: i32, %arg1: i32, %arg2: memref<1000000x128xf32, #tpu.memory_space<hbm>>, %arg3: memref<32x25600xi32, #tpu.memory_space<hbm>>, %arg4: memref<200x4096x128xf32, #tpu.memory_space<hbm>>, %arg5: memref<25600xi32, #tpu.memory_space<vmem>>, %arg6: memref<2x128x128xf32, #tpu.memory_space<vmem>>, %arg7: memref<!tpu.dma_semaphore, #tpu.memory_space<semaphore_mem>>, %arg8: memref<!tpu.dma_semaphore, #tpu.memory_space<semaphore_mem>>, %arg9: memref<!tpu.dma_semaphore, #tpu.memory_space<semaphore_mem>>, %arg10: memref<!tpu.dma_semaphore, #tpu.memory_space<semaphore_mem>>, %arg11: memref<!tpu.dma_semaphore, #tpu.memory_space<semaphore_mem>>) attributes {dimension_semantics = [#tpu.dimension_semantics<core_parallel>, #tpu.dimension_semantics<subcore_parallel>], iteration_bounds = array<i64: 2, 16>, scalar_prefetch = 0 : i64, scratch_operands = 7 : i64, tpu.core_type = #tpu.core_type<sc_vector_subcore>, window_params = [{transform_indices = #map}, {transform_indices = #map}, {transform_indices = #map1}]} {
    %mul3A = arith.constant 2 : i32
    %mul3A_0 = arith.muli %arg1, %mul3A : i32
    %add3A = arith.addi %mul3A_0, %arg0 : i32
    %dma_start3A = arith.constant 0 : i32
    %dma_start3A_1 = tpu.memref_slice %arg3[%add3A, %dma_start3A] : memref<32x25600xi32, #tpu.memory_space<hbm>> -> memref<1x25600xi32, #tpu.memory_space<hbm>>
    %dma_start3A_2 = tpu.memref_squeeze %dma_start3A_1 : memref<1x25600xi32, #tpu.memory_space<hbm>> -> memref<25600xi32, #tpu.memory_space<hbm>>
    %dma_start3A_3 = arith.constant 0 : i32
    %dma_start3A_4 = tpu.memref_slice %arg3[%add3A, %dma_start3A_3] : memref<32x25600xi32, #tpu.memory_space<hbm>> -> memref<1x25600xi32, #tpu.memory_space<hbm>>
    %dma_start3A_5 = tpu.memref_squeeze %dma_start3A_4 : memref<1x25600xi32, #tpu.memory_space<hbm>> -> memref<25600xi32, #tpu.memory_space<hbm>>
    tpu.enqueue_dma source(%dma_start3A_5 : memref<25600xi32, #tpu.memory_space<hbm>>) target(%arg5 : memref<25600xi32, #tpu.memory_space<vmem>>) target_semaphore(%arg7 : memref<!tpu.dma_semaphore, #tpu.memory_space<semaphore_mem>>)
    %dma_wait3A = arith.constant 0 : i32
    %dma_wait3A_6 = tpu.memref_slice %arg3[%add3A, %dma_wait3A] : memref<32x25600xi32, #tpu.memory_space<hbm>> -> memref<1x25600xi32, #tpu.memory_space<hbm>>
    %dma_wait3A_7 = tpu.memref_squeeze %dma_wait3A_6 : memref<1x25600xi32, #tpu.memory_space<hbm>> -> memref<25600xi32, #tpu.memory_space<hbm>>
    %dma_wait3A_8 = arith.constant 0 : i32
    %dma_wait3A_9 = tpu.memref_slice %arg3[%add3A, %dma_wait3A_8] : memref<32x25600xi32, #tpu.memory_space<hbm>> -> memref<1x25600xi32, #tpu.memory_space<hbm>>
    %dma_wait3A_10 = tpu.memref_squeeze %dma_wait3A_9 : memref<1x25600xi32, #tpu.memory_space<hbm>> -> memref<25600xi32, #tpu.memory_space<hbm>>
    tpu.wait_dma2 semaphore(%arg7 : memref<!tpu.dma_semaphore, #tpu.memory_space<semaphore_mem>>) src(%dma_wait3A_10 : memref<25600xi32, #tpu.memory_space<hbm>>) dst(%arg5 : memref<25600xi32, #tpu.memory_space<vmem>>)
    %dma_start3A_11 = arith.constant 0 : i32
    %dma_start3A_12 = arith.constant 0 : i32
    %dma_start3A_13 = arith.constant 0 : i32
    %dma_start3A_14 = tpu.memref_slice %arg6[%dma_start3A_11, %dma_start3A_12, %dma_start3A_13] : memref<2x128x128xf32, #tpu.memory_space<vmem>> -> memref<1x128x128xf32, #tpu.memory_space<vmem>>
    %dma_start3A_15 = tpu.memref_squeeze %dma_start3A_14 : memref<1x128x128xf32, #tpu.memory_space<vmem>> -> memref<128x128xf32, #tpu.memory_space<vmem>>
    %dma_start3A_16 = arith.constant 0 : i32
    %dma_start3A_17 = tpu.memref_slice %arg5[%dma_start3A_16] : memref<25600xi32, #tpu.memory_space<vmem>> -> memref<128xi32, #tpu.memory_space<vmem>>
    %dma_start3A_18 = arith.constant 0 : i32
    %dma_start3A_19 = arith.constant 0 : i32
    %dma_start3A_20 = tpu.memref_slice %arg2[%dma_start3A_18, %dma_start3A_19] : memref<1000000x128xf32, #tpu.memory_space<hbm>> -> memref<1000000x128xf32, #tpu.memory_space<hbm>>
    tpu.enqueue_indirect_dma source(%dma_start3A_20 : memref<1000000x128xf32, #tpu.memory_space<hbm>>) target(%dma_start3A_15 : memref<128x128xf32, #tpu.memory_space<vmem>>) offsets(%dma_start3A_17 : memref<128xi32, #tpu.memory_space<vmem>>) semaphore(%arg8 : memref<!tpu.dma_semaphore, #tpu.memory_space<semaphore_mem>>)
    %scan3A = arith.constant 0 : i32
    %scan3A_21 = arith.constant 0 : i32
    %scan3A_22 = arith.constant 100 : i32
    %scan3A_23 = arith.addi %scan3A_21, %scan3A_22 : i32
    %scan3A_24 = arith.constant 1 : i32
    scf.for %scan3A_44 = %scan3A_21 to %scan3A_23 step %scan3A_24  : i32 {
      %mul3A_45 = arith.constant 2 : i32
      %mul3A_46 = arith.muli %scan3A_44, %mul3A_45 : i32
      %add3A_47 = arith.constant 0 : i32
      %add3A_48 = arith.addi %mul3A_46, %add3A_47 : i32
      %mul3A_49 = arith.constant 128 : i32
      %mul3A_50 = arith.muli %add3A_48, %mul3A_49 : i32
      %dma_wait3A_51 = arith.constant 0 : i32
      %dma_wait3A_52 = arith.constant 0 : i32
      %dma_wait3A_53 = arith.constant 0 : i32
      %dma_wait3A_54 = tpu.memref_slice %arg6[%dma_wait3A_51, %dma_wait3A_52, %dma_wait3A_53] : memref<2x128x128xf32, #tpu.memory_space<vmem>> -> memref<1x128x128xf32, #tpu.memory_space<vmem>>
      %dma_wait3A_55 = tpu.memref_squeeze %dma_wait3A_54 : memref<1x128x128xf32, #tpu.memory_space<vmem>> -> memref<128x128xf32, #tpu.memory_space<vmem>>
      %dma_wait3A_56 = tpu.memref_slice %arg5[%mul3A_50] : memref<25600xi32, #tpu.memory_space<vmem>> -> memref<128xi32, #tpu.memory_space<vmem>>
      %dma_wait3A_57 = arith.constant 0 : i32
      %dma_wait3A_58 = arith.constant 0 : i32
      %dma_wait3A_59 = tpu.memref_slice %arg2[%dma_wait3A_57, %dma_wait3A_58] : memref<1000000x128xf32, #tpu.memory_space<hbm>> -> memref<1000000x128xf32, #tpu.memory_space<hbm>>
      tpu.wait_indirect_dma semaphore(%arg8 : memref<!tpu.dma_semaphore, #tpu.memory_space<semaphore_mem>>) src(%dma_wait3A_59 : memref<1000000x128xf32, #tpu.memory_space<hbm>>) dst(%dma_wait3A_55 : memref<128x128xf32, #tpu.memory_space<vmem>>)
      %mul3A_60 = arith.constant 128 : i32
      %mul3A_61 = arith.muli %add3A, %mul3A_60 : i32
      %dma_start3A_62 = arith.constant 0 : i32
      %dma_start3A_63 = arith.constant 0 : i32
      %dma_start3A_64 = arith.constant 0 : i32
      %dma_start3A_65 = tpu.memref_slice %arg6[%dma_start3A_62, %dma_start3A_63, %dma_start3A_64] : memref<2x128x128xf32, #tpu.memory_space<vmem>> -> memref<1x128x128xf32, #tpu.memory_space<vmem>>
      %dma_start3A_66 = tpu.memref_squeeze %dma_start3A_65 : memref<1x128x128xf32, #tpu.memory_space<vmem>> -> memref<128x128xf32, #tpu.memory_space<vmem>>
      %dma_start3A_67 = arith.constant 0 : i32
      %dma_start3A_68 = tpu.memref_slice %arg4[%add3A_48, %mul3A_61, %dma_start3A_67] : memref<200x4096x128xf32, #tpu.memory_space<hbm>> -> memref<1x128x128xf32, #tpu.memory_space<hbm>>
      %dma_start3A_69 = tpu.memref_squeeze %dma_start3A_68 : memref<1x128x128xf32, #tpu.memory_space<hbm>> -> memref<128x128xf32, #tpu.memory_space<hbm>>
      %dma_start3A_70 = arith.constant 0 : i32
      %dma_start3A_71 = tpu.memref_slice %arg4[%add3A_48, %mul3A_61, %dma_start3A_70] : memref<200x4096x128xf32, #tpu.memory_space<hbm>> -> memref<1x128x128xf32, #tpu.memory_space<hbm>>
      %dma_start3A_72 = tpu.memref_squeeze %dma_start3A_71 : memref<1x128x128xf32, #tpu.memory_space<hbm>> -> memref<128x128xf32, #tpu.memory_space<hbm>>
      %dma_start3A_73 = arith.constant 0 : i32
      %dma_start3A_74 = arith.constant 0 : i32
      %dma_start3A_75 = tpu.memref_slice %arg6[%dma_start3A_62, %dma_start3A_73, %dma_start3A_74] : memref<2x128x128xf32, #tpu.memory_space<vmem>> -> memref<1x128x128xf32, #tpu.memory_space<vmem>>
      %dma_start3A_76 = tpu.memref_squeeze %dma_start3A_75 : memref<1x128x128xf32, #tpu.memory_space<vmem>> -> memref<128x128xf32, #tpu.memory_space<vmem>>
      tpu.enqueue_dma source(%dma_start3A_76 : memref<128x128xf32, #tpu.memory_space<vmem>>) target(%dma_start3A_72 : memref<128x128xf32, #tpu.memory_space<hbm>>) target_semaphore(%arg10 : memref<!tpu.dma_semaphore, #tpu.memory_space<semaphore_mem>>)
      %ge3A = arith.constant 1 : i32
      %ge3A_77 = arith.cmpi sge, %add3A_48, %ge3A : i32
      %convert_element_type3A = arith.extui %ge3A_77 : i1 to i32
      %cond3A = arith.constant 0 : i32
      %cond3A_78 = arith.cmpi ne, %convert_element_type3A, %cond3A : i32
      scf.if %cond3A_78 {
        %sub3A = arith.constant 1 : i32
        %sub3A_127 = arith.subi %add3A_48, %sub3A : i32
        %mul3A_128 = arith.constant 128 : i32
        %mul3A_129 = arith.muli %add3A, %mul3A_128 : i32
        %dma_wait3A_130 = arith.constant 1 : i32
        %dma_wait3A_131 = arith.constant 0 : i32
        %dma_wait3A_132 = arith.constant 0 : i32
        %dma_wait3A_133 = tpu.memref_slice %arg6[%dma_wait3A_130, %dma_wait3A_131, %dma_wait3A_132] : memref<2x128x128xf32, #tpu.memory_space<vmem>> -> memref<1x128x128xf32, #tpu.memory_space<vmem>>
        %dma_wait3A_134 = tpu.memref_squeeze %dma_wait3A_133 : memref<1x128x128xf32, #tpu.memory_space<vmem>> -> memref<128x128xf32, #tpu.memory_space<vmem>>
        %dma_wait3A_135 = arith.constant 0 : i32
        %dma_wait3A_136 = tpu.memref_slice %arg4[%sub3A_127, %mul3A_129, %dma_wait3A_135] : memref<200x4096x128xf32, #tpu.memory_space<hbm>> -> memref<1x128x128xf32, #tpu.memory_space<hbm>>
        %dma_wait3A_137 = tpu.memref_squeeze %dma_wait3A_136 : memref<1x128x128xf32, #tpu.memory_space<hbm>> -> memref<128x128xf32, #tpu.memory_space<hbm>>
        %dma_wait3A_138 = arith.constant 0 : i32
        %dma_wait3A_139 = tpu.memref_slice %arg4[%sub3A_127, %mul3A_129, %dma_wait3A_138] : memref<200x4096x128xf32, #tpu.memory_space<hbm>> -> memref<1x128x128xf32, #tpu.memory_space<hbm>>
        %dma_wait3A_140 = tpu.memref_squeeze %dma_wait3A_139 : memref<1x128x128xf32, #tpu.memory_space<hbm>> -> memref<128x128xf32, #tpu.memory_space<hbm>>
        %dma_wait3A_141 = arith.constant 0 : i32
        %dma_wait3A_142 = arith.constant 0 : i32
        %dma_wait3A_143 = tpu.memref_slice %arg6[%dma_wait3A_130, %dma_wait3A_141, %dma_wait3A_142] : memref<2x128x128xf32, #tpu.memory_space<vmem>> -> memref<1x128x128xf32, #tpu.memory_space<vmem>>
        %dma_wait3A_144 = tpu.memref_squeeze %dma_wait3A_143 : memref<1x128x128xf32, #tpu.memory_space<vmem>> -> memref<128x128xf32, #tpu.memory_space<vmem>>
        tpu.wait_dma2 semaphore(%arg11 : memref<!tpu.dma_semaphore, #tpu.memory_space<semaphore_mem>>) src(%dma_wait3A_144 : memref<128x128xf32, #tpu.memory_space<vmem>>) dst(%dma_wait3A_140 : memref<128x128xf32, #tpu.memory_space<hbm>>)
      } else {
      }
      %add3A_79 = arith.constant 1 : i32
      %add3A_80 = arith.addi %add3A_48, %add3A_79 : i32
      %lt3A = arith.constant 200 : i32
      %lt3A_81 = arith.cmpi slt, %add3A_80, %lt3A : i32
      %convert_element_type3A_82 = arith.extui %lt3A_81 : i1 to i32
      %cond3A_83 = arith.constant 0 : i32
      %cond3A_84 = arith.cmpi ne, %convert_element_type3A_82, %cond3A_83 : i32
      scf.if %cond3A_84 {
        %add3A_127 = arith.constant 1 : i32
        %add3A_128 = arith.addi %add3A_48, %add3A_127 : i32
        %mul3A_129 = arith.constant 128 : i32
        %mul3A_130 = arith.muli %add3A_128, %mul3A_129 : i32
        %dma_start3A_131 = arith.constant 1 : i32
        %dma_start3A_132 = arith.constant 0 : i32
        %dma_start3A_133 = arith.constant 0 : i32
        %dma_start3A_134 = tpu.memref_slice %arg6[%dma_start3A_131, %dma_start3A_132, %dma_start3A_133] : memref<2x128x128xf32, #tpu.memory_space<vmem>> -> memref<1x128x128xf32, #tpu.memory_space<vmem>>
        %dma_start3A_135 = tpu.memref_squeeze %dma_start3A_134 : memref<1x128x128xf32, #tpu.memory_space<vmem>> -> memref<128x128xf32, #tpu.memory_space<vmem>>
        %dma_start3A_136 = tpu.memref_slice %arg5[%mul3A_130] : memref<25600xi32, #tpu.memory_space<vmem>> -> memref<128xi32, #tpu.memory_space<vmem>>
        %dma_start3A_137 = arith.constant 0 : i32
        %dma_start3A_138 = arith.constant 0 : i32
        %dma_start3A_139 = tpu.memref_slice %arg2[%dma_start3A_137, %dma_start3A_138] : memref<1000000x128xf32, #tpu.memory_space<hbm>> -> memref<1000000x128xf32, #tpu.memory_space<hbm>>
        tpu.enqueue_indirect_dma source(%dma_start3A_139 : memref<1000000x128xf32, #tpu.memory_space<hbm>>) target(%dma_start3A_135 : memref<128x128xf32, #tpu.memory_space<vmem>>) offsets(%dma_start3A_136 : memref<128xi32, #tpu.memory_space<vmem>>) semaphore(%arg9 : memref<!tpu.dma_semaphore, #tpu.memory_space<semaphore_mem>>)
      } else {
      }
      %add3A_85 = arith.constant 1 : i32
      %add3A_86 = arith.addi %mul3A_46, %add3A_85 : i32
      %mul3A_87 = arith.constant 128 : i32
      %mul3A_88 = arith.muli %add3A_86, %mul3A_87 : i32
      %dma_wait3A_89 = arith.constant 1 : i32
      %dma_wait3A_90 = arith.constant 0 : i32
      %dma_wait3A_91 = arith.constant 0 : i32
      %dma_wait3A_92 = tpu.memref_slice %arg6[%dma_wait3A_89, %dma_wait3A_90, %dma_wait3A_91] : memref<2x128x128xf32, #tpu.memory_space<vmem>> -> memref<1x128x128xf32, #tpu.memory_space<vmem>>
      %dma_wait3A_93 = tpu.memref_squeeze %dma_wait3A_92 : memref<1x128x128xf32, #tpu.memory_space<vmem>> -> memref<128x128xf32, #tpu.memory_space<vmem>>
      %dma_wait3A_94 = tpu.memref_slice %arg5[%mul3A_88] : memref<25600xi32, #tpu.memory_space<vmem>> -> memref<128xi32, #tpu.memory_space<vmem>>
      %dma_wait3A_95 = arith.constant 0 : i32
      %dma_wait3A_96 = arith.constant 0 : i32
      %dma_wait3A_97 = tpu.memref_slice %arg2[%dma_wait3A_95, %dma_wait3A_96] : memref<1000000x128xf32, #tpu.memory_space<hbm>> -> memref<1000000x128xf32, #tpu.memory_space<hbm>>
      tpu.wait_indirect_dma semaphore(%arg9 : memref<!tpu.dma_semaphore, #tpu.memory_space<semaphore_mem>>) src(%dma_wait3A_97 : memref<1000000x128xf32, #tpu.memory_space<hbm>>) dst(%dma_wait3A_93 : memref<128x128xf32, #tpu.memory_space<vmem>>)
      %mul3A_98 = arith.constant 128 : i32
      %mul3A_99 = arith.muli %add3A, %mul3A_98 : i32
      %dma_start3A_100 = arith.constant 1 : i32
      %dma_start3A_101 = arith.constant 0 : i32
      %dma_start3A_102 = arith.constant 0 : i32
      %dma_start3A_103 = tpu.memref_slice %arg6[%dma_start3A_100, %dma_start3A_101, %dma_start3A_102] : memref<2x128x128xf32, #tpu.memory_space<vmem>> -> memref<1x128x128xf32, #tpu.memory_space<vmem>>
      %dma_start3A_104 = tpu.memref_squeeze %dma_start3A_103 : memref<1x128x128xf32, #tpu.memory_space<vmem>> -> memref<128x128xf32, #tpu.memory_space<vmem>>
      %dma_start3A_105 = arith.constant 0 : i32
      %dma_start3A_106 = tpu.memref_slice %arg4[%add3A_86, %mul3A_99, %dma_start3A_105] : memref<200x4096x128xf32, #tpu.memory_space<hbm>> -> memref<1x128x128xf32, #tpu.memory_space<hbm>>
      %dma_start3A_107 = tpu.memref_squeeze %dma_start3A_106 : memref<1x128x128xf32, #tpu.memory_space<hbm>> -> memref<128x128xf32, #tpu.memory_space<hbm>>
      %dma_start3A_108 = arith.constant 0 : i32
      %dma_start3A_109 = tpu.memref_slice %arg4[%add3A_86, %mul3A_99, %dma_start3A_108] : memref<200x4096x128xf32, #tpu.memory_space<hbm>> -> memref<1x128x128xf32, #tpu.memory_space<hbm>>
      %dma_start3A_110 = tpu.memref_squeeze %dma_start3A_109 : memref<1x128x128xf32, #tpu.memory_space<hbm>> -> memref<128x128xf32, #tpu.memory_space<hbm>>
      %dma_start3A_111 = arith.constant 0 : i32
      %dma_start3A_112 = arith.constant 0 : i32
      %dma_start3A_113 = tpu.memref_slice %arg6[%dma_start3A_100, %dma_start3A_111, %dma_start3A_112] : memref<2x128x128xf32, #tpu.memory_space<vmem>> -> memref<1x128x128xf32, #tpu.memory_space<vmem>>
      %dma_start3A_114 = tpu.memref_squeeze %dma_start3A_113 : memref<1x128x128xf32, #tpu.memory_space<vmem>> -> memref<128x128xf32, #tpu.memory_space<vmem>>
      tpu.enqueue_dma source(%dma_start3A_114 : memref<128x128xf32, #tpu.memory_space<vmem>>) target(%dma_start3A_110 : memref<128x128xf32, #tpu.memory_space<hbm>>) target_semaphore(%arg11 : memref<!tpu.dma_semaphore, #tpu.memory_space<semaphore_mem>>)
      %ge3A_115 = arith.constant 1 : i32
      %ge3A_116 = arith.cmpi sge, %add3A_86, %ge3A_115 : i32
      %convert_element_type3A_117 = arith.extui %ge3A_116 : i1 to i32
      %cond3A_118 = arith.constant 0 : i32
      %cond3A_119 = arith.cmpi ne, %convert_element_type3A_117, %cond3A_118 : i32
      scf.if %cond3A_119 {
        %sub3A = arith.constant 1 : i32
        %sub3A_127 = arith.subi %add3A_86, %sub3A : i32
        %mul3A_128 = arith.constant 128 : i32
        %mul3A_129 = arith.muli %add3A, %mul3A_128 : i32
        %dma_wait3A_130 = arith.constant 0 : i32
        %dma_wait3A_131 = arith.constant 0 : i32
        %dma_wait3A_132 = arith.constant 0 : i32
        %dma_wait3A_133 = tpu.memref_slice %arg6[%dma_wait3A_130, %dma_wait3A_131, %dma_wait3A_132] : memref<2x128x128xf32, #tpu.memory_space<vmem>> -> memref<1x128x128xf32, #tpu.memory_space<vmem>>
        %dma_wait3A_134 = tpu.memref_squeeze %dma_wait3A_133 : memref<1x128x128xf32, #tpu.memory_space<vmem>> -> memref<128x128xf32, #tpu.memory_space<vmem>>
        %dma_wait3A_135 = arith.constant 0 : i32
        %dma_wait3A_136 = tpu.memref_slice %arg4[%sub3A_127, %mul3A_129, %dma_wait3A_135] : memref<200x4096x128xf32, #tpu.memory_space<hbm>> -> memref<1x128x128xf32, #tpu.memory_space<hbm>>
        %dma_wait3A_137 = tpu.memref_squeeze %dma_wait3A_136 : memref<1x128x128xf32, #tpu.memory_space<hbm>> -> memref<128x128xf32, #tpu.memory_space<hbm>>
        %dma_wait3A_138 = arith.constant 0 : i32
        %dma_wait3A_139 = tpu.memref_slice %arg4[%sub3A_127, %mul3A_129, %dma_wait3A_138] : memref<200x4096x128xf32, #tpu.memory_space<hbm>> -> memref<1x128x128xf32, #tpu.memory_space<hbm>>
        %dma_wait3A_140 = tpu.memref_squeeze %dma_wait3A_139 : memref<1x128x128xf32, #tpu.memory_space<hbm>> -> memref<128x128xf32, #tpu.memory_space<hbm>>
        %dma_wait3A_141 = arith.constant 0 : i32
        %dma_wait3A_142 = arith.constant 0 : i32
        %dma_wait3A_143 = tpu.memref_slice %arg6[%dma_wait3A_130, %dma_wait3A_141, %dma_wait3A_142] : memref<2x128x128xf32, #tpu.memory_space<vmem>> -> memref<1x128x128xf32, #tpu.memory_space<vmem>>
        %dma_wait3A_144 = tpu.memref_squeeze %dma_wait3A_143 : memref<1x128x128xf32, #tpu.memory_space<vmem>> -> memref<128x128xf32, #tpu.memory_space<vmem>>
        tpu.wait_dma2 semaphore(%arg10 : memref<!tpu.dma_semaphore, #tpu.memory_space<semaphore_mem>>) src(%dma_wait3A_144 : memref<128x128xf32, #tpu.memory_space<vmem>>) dst(%dma_wait3A_140 : memref<128x128xf32, #tpu.memory_space<hbm>>)
      } else {
      }
      %add3A_120 = arith.constant 1 : i32
      %add3A_121 = arith.addi %add3A_86, %add3A_120 : i32
      %lt3A_122 = arith.constant 200 : i32
      %lt3A_123 = arith.cmpi slt, %add3A_121, %lt3A_122 : i32
      %convert_element_type3A_124 = arith.extui %lt3A_123 : i1 to i32
      %cond3A_125 = arith.constant 0 : i32
      %cond3A_126 = arith.cmpi ne, %convert_element_type3A_124, %cond3A_125 : i32
      scf.if %cond3A_126 {
        %add3A_127 = arith.constant 1 : i32
        %add3A_128 = arith.addi %add3A_86, %add3A_127 : i32
        %mul3A_129 = arith.constant 128 : i32
        %mul3A_130 = arith.muli %add3A_128, %mul3A_129 : i32
        %dma_start3A_131 = arith.constant 0 : i32
        %dma_start3A_132 = arith.constant 0 : i32
        %dma_start3A_133 = arith.constant 0 : i32
        %dma_start3A_134 = tpu.memref_slice %arg6[%dma_start3A_131, %dma_start3A_132, %dma_start3A_133] : memref<2x128x128xf32, #tpu.memory_space<vmem>> -> memref<1x128x128xf32, #tpu.memory_space<vmem>>
        %dma_start3A_135 = tpu.memref_squeeze %dma_start3A_134 : memref<1x128x128xf32, #tpu.memory_space<vmem>> -> memref<128x128xf32, #tpu.memory_space<vmem>>
        %dma_start3A_136 = tpu.memref_slice %arg5[%mul3A_130] : memref<25600xi32, #tpu.memory_space<vmem>> -> memref<128xi32, #tpu.memory_space<vmem>>
        %dma_start3A_137 = arith.constant 0 : i32
        %dma_start3A_138 = arith.constant 0 : i32
        %dma_start3A_139 = tpu.memref_slice %arg2[%dma_start3A_137, %dma_start3A_138] : memref<1000000x128xf32, #tpu.memory_space<hbm>> -> memref<1000000x128xf32, #tpu.memory_space<hbm>>
        tpu.enqueue_indirect_dma source(%dma_start3A_139 : memref<1000000x128xf32, #tpu.memory_space<hbm>>) target(%dma_start3A_135 : memref<128x128xf32, #tpu.memory_space<vmem>>) offsets(%dma_start3A_136 : memref<128xi32, #tpu.memory_space<vmem>>) semaphore(%arg8 : memref<!tpu.dma_semaphore, #tpu.memory_space<semaphore_mem>>)
      } else {
      }
    }
    %scan3A_25 = arith.constant 100 : i32
    %mul3A_26 = arith.constant 128 : i32
    %mul3A_27 = arith.muli %add3A, %mul3A_26 : i32
    %dma_wait3A_28 = arith.constant 1 : i32
    %dma_wait3A_29 = arith.constant 199 : i32
    %dma_wait3A_30 = arith.constant 0 : i32
    %dma_wait3A_31 = arith.constant 0 : i32
    %dma_wait3A_32 = tpu.memref_slice %arg6[%dma_wait3A_28, %dma_wait3A_30, %dma_wait3A_31] : memref<2x128x128xf32, #tpu.memory_space<vmem>> -> memref<1x128x128xf32, #tpu.memory_space<vmem>>
    %dma_wait3A_33 = tpu.memref_squeeze %dma_wait3A_32 : memref<1x128x128xf32, #tpu.memory_space<vmem>> -> memref<128x128xf32, #tpu.memory_space<vmem>>
    %dma_wait3A_34 = arith.constant 0 : i32
    %dma_wait3A_35 = tpu.memref_slice %arg4[%dma_wait3A_29, %mul3A_27, %dma_wait3A_34] : memref<200x4096x128xf32, #tpu.memory_space<hbm>> -> memref<1x128x128xf32, #tpu.memory_space<hbm>>
    %dma_wait3A_36 = tpu.memref_squeeze %dma_wait3A_35 : memref<1x128x128xf32, #tpu.memory_space<hbm>> -> memref<128x128xf32, #tpu.memory_space<hbm>>
    %dma_wait3A_37 = arith.constant 0 : i32
    %dma_wait3A_38 = tpu.memref_slice %arg4[%dma_wait3A_29, %mul3A_27, %dma_wait3A_37] : memref<200x4096x128xf32, #tpu.memory_space<hbm>> -> memref<1x128x128xf32, #tpu.memory_space<hbm>>
    %dma_wait3A_39 = tpu.memref_squeeze %dma_wait3A_38 : memref<1x128x128xf32, #tpu.memory_space<hbm>> -> memref<128x128xf32, #tpu.memory_space<hbm>>
    %dma_wait3A_40 = arith.constant 0 : i32
    %dma_wait3A_41 = arith.constant 0 : i32
    %dma_wait3A_42 = tpu.memref_slice %arg6[%dma_wait3A_28, %dma_wait3A_40, %dma_wait3A_41] : memref<2x128x128xf32, #tpu.memory_space<vmem>> -> memref<1x128x128xf32, #tpu.memory_space<vmem>>
    %dma_wait3A_43 = tpu.memref_squeeze %dma_wait3A_42 : memref<1x128x128xf32, #tpu.memory_space<vmem>> -> memref<128x128xf32, #tpu.memory_space<vmem>>
    tpu.wait_dma2 semaphore(%arg11 : memref<!tpu.dma_semaphore, #tpu.memory_space<semaphore_mem>>) src(%dma_wait3A_43 : memref<128x128xf32, #tpu.memory_space<vmem>>) dst(%dma_wait3A_39 : memref<128x128xf32, #tpu.memory_space<hbm>>)
    return
  }
}

module attributes {stable_mosaic.version = 14 : i64} {
  func.func @_t2_body(%arg0: i32, %arg1: memref<64x16384xf32, #tpu.memory_space<vmem>>, %arg2: memref<16384x128xf32, #tpu.memory_space<vmem>>) attributes {dimension_semantics = [#tpu.dimension_semantics<arbitrary>], iteration_bounds = array<i64: 62>, scalar_prefetch = 0 : i64, scratch_operands = 0 : i64, tpu.core_type = #tpu.core_type<tc>, window_params = [{transform_indices = @transform_0, window_bounds = array<i64: 64, 16384>}, {transform_indices = @transform_1, window_bounds = array<i64: 16384, 128>}]} {
    %get3A = arith.constant 0 : index
    %get3A_0 = arith.constant 0 : index
    %get3A_1 = vector.load %arg1[%get3A, %get3A_0] : memref<64x16384xf32, #tpu.memory_space<vmem>>, vector<64x16384xf32>
    %iota3A = tpu.iota {dimensions = array<i32: 0>} : vector<64x64xi32>
    %iota3A_2 = tpu.iota {dimensions = array<i32: 1>} : vector<64x64xi32>
    %eq3A = arith.cmpi eq, %iota3A, %iota3A_2 : vector<64x64xi32>
    %convert_element_type3A = arith.extui %eq3A : vector<64x64xi1> to vector<64x64xi32>
    %convert_element_type3A_3 = arith.sitofp %convert_element_type3A : vector<64x64xi32> to vector<64x64xf32>
    %dot_general3A = arith.constant dense<0.000000e+00> : vector<16384x64xf32>
    %dot_general3A_4 = tpu.matmul %get3A_1, %convert_element_type3A_3, %dot_general3A {dimension_numbers = #tpu.dot_dimension_numbers<[0], [0], [1], [1], [0, 1, 1, 1], [], []>, transpose_lhs_hint = false} : vector<64x16384xf32>, vector<64x64xf32>, vector<16384x64xf32> -> vector<16384x64xf32>
    %swap3A = arith.constant 0 : index
    %swap3A_5 = arith.constant 0 : index
    %swap3A_6 = vector.load %arg2[%swap3A, %swap3A_5] : memref<16384x128xf32, #tpu.memory_space<vmem>>, vector<16384x64xf32>
    tpu.vector_store %arg2[%swap3A, %swap3A_5], %dot_general3A_4 {strides = array<i32>} : memref<16384x128xf32, #tpu.memory_space<vmem>>, vector<16384x64xf32>,
    return
  }
  func.func @transform_0(%arg0: i32) -> (i32, i32) {
    %c0_i32 = arith.constant 0 : i32
    %c0_i32_0 = arith.constant 0 : i32
    return %c0_i32, %arg0 : i32, i32
  }
  func.func @transform_1(%arg0: i32) -> (i32, i32) {
    %c0_i32 = arith.constant 0 : i32
    %c0_i32_0 = arith.constant 0 : i32
    return %arg0, %c0_i32 : i32, i32
  }
}

module attributes {stable_mosaic.version = 14 : i64} {
  func.func @_out_body(%arg0: i32, %arg1: memref<4x4096x128xf32, #tpu.memory_space<vmem>>, %arg2: memref<4x8x32x8x128xf32, #tpu.memory_space<vmem>>) attributes {dimension_semantics = [#tpu.dimension_semantics<arbitrary>], iteration_bounds = array<i64: 50>, scalar_prefetch = 0 : i64, scratch_operands = 0 : i64, tpu.core_type = #tpu.core_type<tc>, window_params = [{transform_indices = @transform_0, window_bounds = array<i64: 4, 4096, 128>}, {transform_indices = @transform_1, window_bounds = array<i64: 4, 8, 32, 8, 128>}]} {
    %iota3A = tpu.iota {dimensions = array<i32: 0>} : vector<128x128xi32>
    %iota3A_0 = tpu.iota {dimensions = array<i32: 1>} : vector<128x128xi32>
    %eq3A = arith.cmpi eq, %iota3A, %iota3A_0 : vector<128x128xi32>
    %convert_element_type3A = arith.extui %eq3A : vector<128x128xi1> to vector<128x128xi32>
    %convert_element_type3A_1 = arith.sitofp %convert_element_type3A : vector<128x128xi32> to vector<128x128xf32>
    %get3A = arith.constant 0 : index
    %get3A_2 = arith.constant 0 : index
    %get3A_3 = arith.constant 0 : index
    %get3A_4 = vector.load %arg1[%get3A, %get3A_2, %get3A_3] : memref<4x4096x128xf32, #tpu.memory_space<vmem>>, vector<1x128x64xf32>
    %get3A_5 = vector.shape_cast %get3A_4 : vector<1x128x64xf32> to vector<128x64xf32>
    %dot_general3A = arith.constant dense<0.000000e+00> : vector<64x128xf32>
    %dot_general3A_6 = tpu.matmul %get3A_5, %convert_element_type3A_1, %dot_general3A {dimension_numbers = #tpu.dot_dimension_numbers<[0], [0], [1], [1], [0, 1, 1, 1], [], []>, transpose_lhs_hint = false} : vector<128x64xf32>, vector<128x128xf32>, vector<64x128xf32> -> vector<64x128xf32>
    %reshape3A = vector.shape_cast %dot_general3A_6 : vector<64x128xf32> to vector<8x8x128xf32>
    %swap3A = arith.constant 0 : index
    %swap3A_7 = arith.constant 0 : index
    %swap3A_8 = arith.constant 0 : index
    %swap3A_9 = arith.constant 0 : index
    %swap3A_10 = arith.constant 0 : index
    %swap3A_11 = vector.load %arg2[%swap3A, %swap3A_7, %swap3A_8, %swap3A_9, %swap3A_10] : memref<4x8x32x8x128xf32, #tpu.memory_space<vmem>>, vector<1x8x1x8x128xf32>
    %swap3A_12 = vector.shape_cast %swap3A_11 : vector<1x8x1x8x128xf32> to vector<8x8x128xf32>
    %swap3A_13 = vector.shape_cast %reshape3A : vector<8x8x128xf32> to vector<1x8x1x8x128xf32>
    tpu.vector_store %arg2[%swap3A, %swap3A_7, %swap3A_8, %swap3A_9, %swap3A_10], %swap3A_13 {strides = array<i32>} : memref<4x8x32x8x128xf32, #tpu.memory_space<vmem>>, vector<1x8x1x8x128xf32>,
    %get3A_14 = arith.constant 0 : index
    %get3A_15 = arith.constant 128 : index
    %get3A_16 = arith.constant 0 : index
    %get3A_17 = vector.load %arg1[%get3A_14, %get3A_15, %get3A_16] : memref<4x4096x128xf32, #tpu.memory_space<vmem>>, vector<1x128x64xf32>
    %get3A_18 = vector.shape_cast %get3A_17 : vector<1x128x64xf32> to vector<128x64xf32>
    %dot_general3A_19 = arith.constant dense<0.000000e+00> : vector<64x128xf32>
    %dot_general3A_20 = tpu.matmul %get3A_18, %convert_element_type3A_1, %dot_general3A_19 {dimension_numbers = #tpu.dot_dimension_numbers<[0], [0], [1], [1], [0, 1, 1, 1], [], []>, transpose_lhs_hint = false} : vector<128x64xf32>, vector<128x128xf32>, vector<64x128xf32> -> vector<64x128xf32>
    %reshape3A_21 = vector.shape_cast %dot_general3A_20 : vector<64x128xf32> to vector<8x8x128xf32>
    %swap3A_22 = arith.constant 0 : index
    %swap3A_23 = arith.constant 0 : index
    %swap3A_24 = arith.constant 1 : index
    %swap3A_25 = arith.constant 0 : index
    %swap3A_26 = arith.constant 0 : index
    %swap3A_27 = vector.load %arg2[%swap3A_22, %swap3A_23, %swap3A_24, %swap3A_25, %swap3A_26] : memref<4x8x32x8x128xf32, #tpu.memory_space<vmem>>, vector<1x8x1x8x128xf32>
    %swap3A_28 = vector.shape_cast %swap3A_27 : vector<1x8x1x8x128xf32> to vector<8x8x128xf32>
    %swap3A_29 = vector.shape_cast %reshape3A_21 : vector<8x8x128xf32> to vector<1x8x1x8x128xf32>
    tpu.vector_store %arg2[%swap3A_22, %swap3A_23, %swap3A_24, %swap3A_25, %swap3A_26], %swap3A_29 {strides = array<i32>} : memref<4x8x32x8x128xf32, #tpu.memory_space<vmem>>, vector<1x8x1x8x128xf32>,
    %get3A_30 = arith.constant 0 : index
    %get3A_31 = arith.constant 256 : index
    %get3A_32 = arith.constant 0 : index
    %get3A_33 = vector.load %arg1[%get3A_30, %get3A_31, %get3A_32] : memref<4x4096x128xf32, #tpu.memory_space<vmem>>, vector<1x128x64xf32>
    %get3A_34 = vector.shape_cast %get3A_33 : vector<1x128x64xf32> to vector<128x64xf32>
    %dot_general3A_35 = arith.constant dense<0.000000e+00> : vector<64x128xf32>
    %dot_general3A_36 = tpu.matmul %get3A_34, %convert_element_type3A_1, %dot_general3A_35 {dimension_numbers = #tpu.dot_dimension_numbers<[0], [0], [1], [1], [0, 1, 1, 1], [], []>, transpose_lhs_hint = false} : vector<128x64xf32>, vector<128x128xf32>, vector<64x128xf32> -> vector<64x128xf32>
    %reshape3A_37 = vector.shape_cast %dot_general3A_36 : vector<64x128xf32> to vector<8x8x128xf32>
    %swap3A_38 = arith.constant 0 : index
    %swap3A_39 = arith.constant 0 : index
    %swap3A_40 = arith.constant 2 : index
    %swap3A_41 = arith.constant 0 : index
    %swap3A_42 = arith.constant 0 : index
    %swap3A_43 = vector.load %arg2[%swap3A_38, %swap3A_39, %swap3A_40, %swap3A_41, %swap3A_42] : memref<4x8x32x8x128xf32, #tpu.memory_space<vmem>>, vector<1x8x1x8x128xf32>
    %swap3A_44 = vector.shape_cast %swap3A_43 : vector<1x8x1x8x128xf32> to vector<8x8x128xf32>
    %swap3A_45 = vector.shape_cast %reshape3A_37 : vector<8x8x128xf32> to vector<1x8x1x8x128xf32>
    tpu.vector_store %arg2[%swap3A_38, %swap3A_39, %swap3A_40, %swap3A_41, %swap3A_42], %swap3A_45 {strides = array<i32>} : memref<4x8x32x8x128xf32, #tpu.memory_space<vmem>>, vector<1x8x1x8x128xf32>,
    %get3A_46 = arith.constant 0 : index
    %get3A_47 = arith.constant 384 : index
    %get3A_48 = arith.constant 0 : index
    %get3A_49 = vector.load %arg1[%get3A_46, %get3A_47, %get3A_48] : memref<4x4096x128xf32, #tpu.memory_space<vmem>>, vector<1x128x64xf32>
    %get3A_50 = vector.shape_cast %get3A_49 : vector<1x128x64xf32> to vector<128x64xf32>
    %dot_general3A_51 = arith.constant dense<0.000000e+00> : vector<64x128xf32>
    %dot_general3A_52 = tpu.matmul %get3A_50, %convert_element_type3A_1, %dot_general3A_51 {dimension_numbers = #tpu.dot_dimension_numbers<[0], [0], [1], [1], [0, 1, 1, 1], [], []>, transpose_lhs_hint = false} : vector<128x64xf32>, vector<128x128xf32>, vector<64x128xf32> -> vector<64x128xf32>
    %reshape3A_53 = vector.shape_cast %dot_general3A_52 : vector<64x128xf32> to vector<8x8x128xf32>
    %swap3A_54 = arith.constant 0 : index
    %swap3A_55 = arith.constant 0 : index
    %swap3A_56 = arith.constant 3 : index
    %swap3A_57 = arith.constant 0 : index
    %swap3A_58 = arith.constant 0 : index
    %swap3A_59 = vector.load %arg2[%swap3A_54, %swap3A_55, %swap3A_56, %swap3A_57, %swap3A_58] : memref<4x8x32x8x128xf32, #tpu.memory_space<vmem>>, vector<1x8x1x8x128xf32>
    %swap3A_60 = vector.shape_cast %swap3A_59 : vector<1x8x1x8x128xf32> to vector<8x8x128xf32>
    %swap3A_61 = vector.shape_cast %reshape3A_53 : vector<8x8x128xf32> to vector<1x8x1x8x128xf32>
    tpu.vector_store %arg2[%swap3A_54, %swap3A_55, %swap3A_56, %swap3A_57, %swap3A_58], %swap3A_61 {strides = array<i32>} : memref<4x8x32x8x128xf32, #tpu.memory_space<vmem>>, vector<1x8x1x8x128xf32>,
    %get3A_62 = arith.constant 0 : index
    %get3A_63 = arith.constant 512 : index
    %get3A_64 = arith.constant 0 : index
    %get3A_65 = vector.load %arg1[%get3A_62, %get3A_63, %get3A_64] : memref<4x4096x128xf32, #tpu.memory_space<vmem>>, vector<1x128x64xf32>
    %get3A_66 = vector.shape_cast %get3A_65 : vector<1x128x64xf32> to vector<128x64xf32>
    %dot_general3A_67 = arith.constant dense<0.000000e+00> : vector<64x128xf32>
    %dot_general3A_68 = tpu.matmul %get3A_66, %convert_element_type3A_1, %dot_general3A_67 {dimension_numbers = #tpu.dot_dimension_numbers<[0], [0], [1], [1], [0, 1, 1, 1], [], []>, transpose_lhs_hint = false} : vector<128x64xf32>, vector<128x128xf32>, vector<64x128xf32> -> vector<64x128xf32>
    %reshape3A_69 = vector.shape_cast %dot_general3A_68 : vector<64x128xf32> to vector<8x8x128xf32>
    %swap3A_70 = arith.constant 0 : index
    %swap3A_71 = arith.constant 0 : index
    %swap3A_72 = arith.constant 4 : index
    %swap3A_73 = arith.constant 0 : index
    %swap3A_74 = arith.constant 0 : index
    %swap3A_75 = vector.load %arg2[%swap3A_70, %swap3A_71, %swap3A_72, %swap3A_73, %swap3A_74] : memref<4x8x32x8x128xf32, #tpu.memory_space<vmem>>, vector<1x8x1x8x128xf32>
    %swap3A_76 = vector.shape_cast %swap3A_75 : vector<1x8x1x8x128xf32> to vector<8x8x128xf32>
    %swap3A_77 = vector.shape_cast %reshape3A_69 : vector<8x8x128xf32> to vector<1x8x1x8x128xf32>
    tpu.vector_store %arg2[%swap3A_70, %swap3A_71, %swap3A_72, %swap3A_73, %swap3A_74], %swap3A_77 {strides = array<i32>} : memref<4x8x32x8x128xf32, #tpu.memory_space<vmem>>, vector<1x8x1x8x128xf32>,
    %get3A_78 = arith.constant 0 : index
    %get3A_79 = arith.constant 640 : index
    %get3A_80 = arith.constant 0 : index
    %get3A_81 = vector.load %arg1[%get3A_78, %get3A_79, %get3A_80] : memref<4x4096x128xf32, #tpu.memory_space<vmem>>, vector<1x128x64xf32>
    %get3A_82 = vector.shape_cast %get3A_81 : vector<1x128x64xf32> to vector<128x64xf32>
    %dot_general3A_83 = arith.constant dense<0.000000e+00> : vector<64x128xf32>
    %dot_general3A_84 = tpu.matmul %get3A_82, %convert_element_type3A_1, %dot_general3A_83 {dimension_numbers = #tpu.dot_dimension_numbers<[0], [0], [1], [1], [0, 1, 1, 1], [], []>, transpose_lhs_hint = false} : vector<128x64xf32>, vector<128x128xf32>, vector<64x128xf32> -> vector<64x128xf32>
    %reshape3A_85 = vector.shape_cast %dot_general3A_84 : vector<64x128xf32> to vector<8x8x128xf32>
    %swap3A_86 = arith.constant 0 : index
    %swap3A_87 = arith.constant 0 : index
    %swap3A_88 = arith.constant 5 : index
    %swap3A_89 = arith.constant 0 : index
    %swap3A_90 = arith.constant 0 : index
    %swap3A_91 = vector.load %arg2[%swap3A_86, %swap3A_87, %swap3A_88, %swap3A_89, %swap3A_90] : memref<4x8x32x8x128xf32, #tpu.memory_space<vmem>>, vector<1x8x1x8x128xf32>
    %swap3A_92 = vector.shape_cast %swap3A_91 : vector<1x8x1x8x128xf32> to vector<8x8x128xf32>
    %swap3A_93 = vector.shape_cast %reshape3A_85 : vector<8x8x128xf32> to vector<1x8x1x8x128xf32>
    tpu.vector_store %arg2[%swap3A_86, %swap3A_87, %swap3A_88, %swap3A_89, %swap3A_90], %swap3A_93 {strides = array<i32>} : memref<4x8x32x8x128xf32, #tpu.memory_space<vmem>>, vector<1x8x1x8x128xf32>,
    %get3A_94 = arith.constant 0 : index
    %get3A_95 = arith.constant 768 : index
    %get3A_96 = arith.constant 0 : index
    %get3A_97 = vector.load %arg1[%get3A_94, %get3A_95, %get3A_96] : memref<4x4096x128xf32, #tpu.memory_space<vmem>>, vector<1x128x64xf32>
    %get3A_98 = vector.shape_cast %get3A_97 : vector<1x128x64xf32> to vector<128x64xf32>
    %dot_general3A_99 = arith.constant dense<0.000000e+00> : vector<64x128xf32>
    %dot_general3A_100 = tpu.matmul %get3A_98, %convert_element_type3A_1, %dot_general3A_99 {dimension_numbers = #tpu.dot_dimension_numbers<[0], [0], [1], [1], [0, 1, 1, 1], [], []>, transpose_lhs_hint = false} : vector<128x64xf32>, vector<128x128xf32>, vector<64x128xf32> -> vector<64x128xf32>
    %reshape3A_101 = vector.shape_cast %dot_general3A_100 : vector<64x128xf32> to vector<8x8x128xf32>
    %swap3A_102 = arith.constant 0 : index
    %swap3A_103 = arith.constant 0 : index
    %swap3A_104 = arith.constant 6 : index
    %swap3A_105 = arith.constant 0 : index
    %swap3A_106 = arith.constant 0 : index
    %swap3A_107 = vector.load %arg2[%swap3A_102, %swap3A_103, %swap3A_104, %swap3A_105, %swap3A_106] : memref<4x8x32x8x128xf32, #tpu.memory_space<vmem>>, vector<1x8x1x8x128xf32>
    %swap3A_108 = vector.shape_cast %swap3A_107 : vector<1x8x1x8x128xf32> to vector<8x8x128xf32>
    %swap3A_109 = vector.shape_cast %reshape3A_101 : vector<8x8x128xf32> to vector<1x8x1x8x128xf32>
    tpu.vector_store %arg2[%swap3A_102, %swap3A_103, %swap3A_104, %swap3A_105, %swap3A_106], %swap3A_109 {strides = array<i32>} : memref<4x8x32x8x128xf32, #tpu.memory_space<vmem>>, vector<1x8x1x8x128xf32>,
    %get3A_110 = arith.constant 0 : index
    %get3A_111 = arith.constant 896 : index
    %get3A_112 = arith.constant 0 : index
    %get3A_113 = vector.load %arg1[%get3A_110, %get3A_111, %get3A_112] : memref<4x4096x128xf32, #tpu.memory_space<vmem>>, vector<1x128x64xf32>
    %get3A_114 = vector.shape_cast %get3A_113 : vector<1x128x64xf32> to vector<128x64xf32>
    %dot_general3A_115 = arith.constant dense<0.000000e+00> : vector<64x128xf32>
    %dot_general3A_116 = tpu.matmul %get3A_114, %convert_element_type3A_1, %dot_general3A_115 {dimension_numbers = #tpu.dot_dimension_numbers<[0], [0], [1], [1], [0, 1, 1, 1], [], []>, transpose_lhs_hint = false} : vector<128x64xf32>, vector<128x128xf32>, vector<64x128xf32> -> vector<64x128xf32>
    %reshape3A_117 = vector.shape_cast %dot_general3A_116 : vector<64x128xf32> to vector<8x8x128xf32>
    %swap3A_118 = arith.constant 0 : index
    %swap3A_119 = arith.constant 0 : index
    %swap3A_120 = arith.constant 7 : index
    %swap3A_121 = arith.constant 0 : index
    %swap3A_122 = arith.constant 0 : index
    %swap3A_123 = vector.load %arg2[%swap3A_118, %swap3A_119, %swap3A_120, %swap3A_121, %swap3A_122] : memref<4x8x32x8x128xf32, #tpu.memory_space<vmem>>, vector<1x8x1x8x128xf32>
    %swap3A_124 = vector.shape_cast %swap3A_123 : vector<1x8x1x8x128xf32> to vector<8x8x128xf32>
    %swap3A_125 = vector.shape_cast %reshape3A_117 : vector<8x8x128xf32> to vector<1x8x1x8x128xf32>
    tpu.vector_store %arg2[%swap3A_118, %swap3A_119, %swap3A_120, %swap3A_121, %swap3A_122], %swap3A_125 {strides = array<i32>} : memref<4x8x32x8x128xf32, #tpu.memory_space<vmem>>, vector<1x8x1x8x128xf32>,
    %get3A_126 = arith.constant 0 : index
    %get3A_127 = arith.constant 1024 : index
    %get3A_128 = arith.constant 0 : index
    %get3A_129 = vector.load %arg1[%get3A_126, %get3A_127, %get3A_128] : memref<4x4096x128xf32, #tpu.memory_space<vmem>>, vector<1x128x64xf32>
    %get3A_130 = vector.shape_cast %get3A_129 : vector<1x128x64xf32> to vector<128x64xf32>
    %dot_general3A_131 = arith.constant dense<0.000000e+00> : vector<64x128xf32>
    %dot_general3A_132 = tpu.matmul %get3A_130, %convert_element_type3A_1, %dot_general3A_131 {dimension_numbers = #tpu.dot_dimension_numbers<[0], [0], [1], [1], [0, 1, 1, 1], [], []>, transpose_lhs_hint = false} : vector<128x64xf32>, vector<128x128xf32>, vector<64x128xf32> -> vector<64x128xf32>
    %reshape3A_133 = vector.shape_cast %dot_general3A_132 : vector<64x128xf32> to vector<8x8x128xf32>
    %swap3A_134 = arith.constant 0 : index
    %swap3A_135 = arith.constant 0 : index
    %swap3A_136 = arith.constant 8 : index
    %swap3A_137 = arith.constant 0 : index
    %swap3A_138 = arith.constant 0 : index
    %swap3A_139 = vector.load %arg2[%swap3A_134, %swap3A_135, %swap3A_136, %swap3A_137, %swap3A_138] : memref<4x8x32x8x128xf32, #tpu.memory_space<vmem>>, vector<1x8x1x8x128xf32>
    %swap3A_140 = vector.shape_cast %swap3A_139 : vector<1x8x1x8x128xf32> to vector<8x8x128xf32>
    %swap3A_141 = vector.shape_cast %reshape3A_133 : vector<8x8x128xf32> to vector<1x8x1x8x128xf32>
    tpu.vector_store %arg2[%swap3A_134, %swap3A_135, %swap3A_136, %swap3A_137, %swap3A_138], %swap3A_141 {strides = array<i32>} : memref<4x8x32x8x128xf32, #tpu.memory_space<vmem>>, vector<1x8x1x8x128xf32>,
    %get3A_142 = arith.constant 0 : index
    %get3A_143 = arith.constant 1152 : index
    %get3A_144 = arith.constant 0 : index
    %get3A_145 = vector.load %arg1[%get3A_142, %get3A_143, %get3A_144] : memref<4x4096x128xf32, #tpu.memory_space<vmem>>, vector<1x128x64xf32>
    %get3A_146 = vector.shape_cast %get3A_145 : vector<1x128x64xf32> to vector<128x64xf32>
    %dot_general3A_147 = arith.constant dense<0.000000e+00> : vector<64x128xf32>
    %dot_general3A_148 = tpu.matmul %get3A_146, %convert_element_type3A_1, %dot_general3A_147 {dimension_numbers = #tpu.dot_dimension_numbers<[0], [0], [1], [1], [0, 1, 1, 1], [], []>, transpose_lhs_hint = false} : vector<128x64xf32>, vector<128x128xf32>, vector<64x128xf32> -> vector<64x128xf32>
    %reshape3A_149 = vector.shape_cast %dot_general3A_148 : vector<64x128xf32> to vector<8x8x128xf32>
    %swap3A_150 = arith.constant 0 : index
    %swap3A_151 = arith.constant 0 : index
    %swap3A_152 = arith.constant 9 : index
    %swap3A_153 = arith.constant 0 : index
    %swap3A_154 = arith.constant 0 : index
    %swap3A_155 = vector.load %arg2[%swap3A_150, %swap3A_151, %swap3A_152, %swap3A_153, %swap3A_154] : memref<4x8x32x8x128xf32, #tpu.memory_space<vmem>>, vector<1x8x1x8x128xf32>
    %swap3A_156 = vector.shape_cast %swap3A_155 : vector<1x8x1x8x128xf32> to vector<8x8x128xf32>
    %swap3A_157 = vector.shape_cast %reshape3A_149 : vector<8x8x128xf32> to vector<1x8x1x8x128xf32>
    tpu.vector_store %arg2[%swap3A_150, %swap3A_151, %swap3A_152, %swap3A_153, %swap3A_154], %swap3A_157 {strides = array<i32>} : memref<4x8x32x8x128xf32, #tpu.memory_space<vmem>>, vector<1x8x1x8x128xf32>,
    %get3A_158 = arith.constant 0 : index
    %get3A_159 = arith.constant 1280 : index
    %get3A_160 = arith.constant 0 : index
    %get3A_161 = vector.load %arg1[%get3A_158, %get3A_159, %get3A_160] : memref<4x4096x128xf32, #tpu.memory_space<vmem>>, vector<1x128x64xf32>
    %get3A_162 = vector.shape_cast %get3A_161 : vector<1x128x64xf32> to vector<128x64xf32>
    %dot_general3A_163 = arith.constant dense<0.000000e+00> : vector<64x128xf32>
    %dot_general3A_164 = tpu.matmul %get3A_162, %convert_element_type3A_1, %dot_general3A_163 {dimension_numbers = #tpu.dot_dimension_numbers<[0], [0], [1], [1], [0, 1, 1, 1], [], []>, transpose_lhs_hint = false} : vector<128x64xf32>, vector<128x128xf32>, vector<64x128xf32> -> vector<64x128xf32>
    %reshape3A_165 = vector.shape_cast %dot_general3A_164 : vector<64x128xf32> to vector<8x8x128xf32>
    %swap3A_166 = arith.constant 0 : index
    %swap3A_167 = arith.constant 0 : index
    %swap3A_168 = arith.constant 10 : index
    %swap3A_169 = arith.constant 0 : index
    %swap3A_170 = arith.constant 0 : index
    %swap3A_171 = vector.load %arg2[%swap3A_166, %swap3A_167, %swap3A_168, %swap3A_169, %swap3A_170] : memref<4x8x32x8x128xf32, #tpu.memory_space<vmem>>, vector<1x8x1x8x128xf32>
    %swap3A_172 = vector.shape_cast %swap3A_171 : vector<1x8x1x8x128xf32> to vector<8x8x128xf32>
    %swap3A_173 = vector.shape_cast %reshape3A_165 : vector<8x8x128xf32> to vector<1x8x1x8x128xf32>
    tpu.vector_store %arg2[%swap3A_166, %swap3A_167, %swap3A_168, %swap3A_169, %swap3A_170], %swap3A_173 {strides = array<i32>} : memref<4x8x32x8x128xf32, #tpu.memory_space<vmem>>, vector<1x8x1x8x128xf32>,
    %get3A_174 = arith.constant 0 : index
    %get3A_175 = arith.constant 1408 : index
    %get3A_176 = arith.constant 0 : index
    %get3A_177 = vector.load %arg1[%get3A_174, %get3A_175, %get3A_176] : memref<4x4096x128xf32, #tpu.memory_space<vmem>>, vector<1x128x64xf32>
    %get3A_178 = vector.shape_cast %get3A_177 : vector<1x128x64xf32> to vector<128x64xf32>
    %dot_general3A_179 = arith.constant dense<0.000000e+00> : vector<64x128xf32>
    %dot_general3A_180 = tpu.matmul %get3A_178, %convert_element_type3A_1, %dot_general3A_179 {dimension_numbers = #tpu.dot_dimension_numbers<[0], [0], [1], [1], [0, 1, 1, 1], [], []>, transpose_lhs_hint = false} : vector<128x64xf32>, vector<128x128xf32>, vector<64x128xf32> -> vector<64x128xf32>
    %reshape3A_181 = vector.shape_cast %dot_general3A_180 : vector<64x128xf32> to vector<8x8x128xf32>
    %swap3A_182 = arith.constant 0 : index
    %swap3A_183 = arith.constant 0 : index
    %swap3A_184 = arith.constant 11 : index
    %swap3A_185 = arith.constant 0 : index
    %swap3A_186 = arith.constant 0 : index
    %swap3A_187 = vector.load %arg2[%swap3A_182, %swap3A_183, %swap3A_184, %swap3A_185, %swap3A_186] : memref<4x8x32x8x128xf32, #tpu.memory_space<vmem>>, vector<1x8x1x8x128xf32>
    %swap3A_188 = vector.shape_cast %swap3A_187 : vector<1x8x1x8x128xf32> to vector<8x8x128xf32>
    %swap3A_189 = vector.shape_cast %reshape3A_181 : vector<8x8x128xf32> to vector<1x8x1x8x128xf32>
    tpu.vector_store %arg2[%swap3A_182, %swap3A_183, %swap3A_184, %swap3A_185, %swap3A_186], %swap3A_189 {strides = array<i32>} : memref<4x8x32x8x128xf32, #tpu.memory_space<vmem>>, vector<1x8x1x8x128xf32>,
    %get3A_190 = arith.constant 0 : index
    %get3A_191 = arith.constant 1536 : index
    %get3A_192 = arith.constant 0 : index
    %get3A_193 = vector.load %arg1[%get3A_190, %get3A_191, %get3A_192] : memref<4x4096x128xf32, #tpu.memory_space<vmem>>, vector<1x128x64xf32>
    %get3A_194 = vector.shape_cast %get3A_193 : vector<1x128x64xf32> to vector<128x64xf32>
    %dot_general3A_195 = arith.constant dense<0.000000e+00> : vector<64x128xf32>
    %dot_general3A_196 = tpu.matmul %get3A_194, %convert_element_type3A_1, %dot_general3A_195 {dimension_numbers = #tpu.dot_dimension_numbers<[0], [0], [1], [1], [0, 1, 1, 1], [], []>, transpose_lhs_hint = false} : vector<128x64xf32>, vector<128x128xf32>, vector<64x128xf32> -> vector<64x128xf32>
    %reshape3A_197 = vector.shape_cast %dot_general3A_196 : vector<64x128xf32> to vector<8x8x128xf32>
    %swap3A_198 = arith.constant 0 : index
    %swap3A_199 = arith.constant 0 : index
    %swap3A_200 = arith.constant 12 : index
    %swap3A_201 = arith.constant 0 : index
    %swap3A_202 = arith.constant 0 : index
    %swap3A_203 = vector.load %arg2[%swap3A_198, %swap3A_199, %swap3A_200, %swap3A_201, %swap3A_202] : memref<4x8x32x8x128xf32, #tpu.memory_space<vmem>>, vector<1x8x1x8x128xf32>
    %swap3A_204 = vector.shape_cast %swap3A_203 : vector<1x8x1x8x128xf32> to vector<8x8x128xf32>
    %swap3A_205 = vector.shape_cast %reshape3A_197 : vector<8x8x128xf32> to vector<1x8x1x8x128xf32>
    tpu.vector_store %arg2[%swap3A_198, %swap3A_199, %swap3A_200, %swap3A_201, %swap3A_202], %swap3A_205 {strides = array<i32>} : memref<4x8x32x8x128xf32, #tpu.memory_space<vmem>>, vector<1x8x1x8x128xf32>,
    %get3A_206 = arith.constant 0 : index
    %get3A_207 = arith.constant 1664 : index
    %get3A_208 = arith.constant 0 : index
    %get3A_209 = vector.load %arg1[%get3A_206, %get3A_207, %get3A_208] : memref<4x4096x128xf32, #tpu.memory_space<vmem>>, vector<1x128x64xf32>
    %get3A_210 = vector.shape_cast %get3A_209 : vector<1x128x64xf32> to vector<128x64xf32>
    %dot_general3A_211 = arith.constant dense<0.000000e+00> : vector<64x128xf32>
    %dot_general3A_212 = tpu.matmul %get3A_210, %convert_element_type3A_1, %dot_general3A_211 {dimension_numbers = #tpu.dot_dimension_numbers<[0], [0], [1], [1], [0, 1, 1, 1], [], []>, transpose_lhs_hint = false} : vector<128x64xf32>, vector<128x128xf32>, vector<64x128xf32> -> vector<64x128xf32>
    %reshape3A_213 = vector.shape_cast %dot_general3A_212 : vector<64x128xf32> to vector<8x8x128xf32>
    %swap3A_214 = arith.constant 0 : index
    %swap3A_215 = arith.constant 0 : index
    %swap3A_216 = arith.constant 13 : index
    %swap3A_217 = arith.constant 0 : index
    %swap3A_218 = arith.constant 0 : index
    %swap3A_219 = vector.load %arg2[%swap3A_214, %swap3A_215, %swap3A_216, %swap3A_217, %swap3A_218] : memref<4x8x32x8x128xf32, #tpu.memory_space<vmem>>, vector<1x8x1x8x128xf32>
    %swap3A_220 = vector.shape_cast %swap3A_219 : vector<1x8x1x8x128xf32> to vector<8x8x128xf32>
    %swap3A_221 = vector.shape_cast %reshape3A_213 : vector<8x8x128xf32> to vector<1x8x1x8x128xf32>
    tpu.vector_store %arg2[%swap3A_214, %swap3A_215, %swap3A_216, %swap3A_217, %swap3A_218], %swap3A_221 {strides = array<i32>} : memref<4x8x32x8x128xf32, #tpu.memory_space<vmem>>, vector<1x8x1x8x128xf32>,
    %get3A_222 = arith.constant 0 : index
    %get3A_223 = arith.constant 1792 : index
    %get3A_224 = arith.constant 0 : index
    %get3A_225 = vector.load %arg1[%get3A_222, %get3A_223, %get3A_224] : memref<4x4096x128xf32, #tpu.memory_space<vmem>>, vector<1x128x64xf32>
    %get3A_226 = vector.shape_cast %get3A_225 : vector<1x128x64xf32> to vector<128x64xf32>
    %dot_general3A_227 = arith.constant dense<0.000000e+00> : vector<64x128xf32>
    %dot_general3A_228 = tpu.matmul %get3A_226, %convert_element_type3A_1, %dot_general3A_227 {dimension_numbers = #tpu.dot_dimension_numbers<[0], [0], [1], [1], [0, 1, 1, 1], [], []>, transpose_lhs_hint = false} : vector<128x64xf32>, vector<128x128xf32>, vector<64x128xf32> -> vector<64x128xf32>
    %reshape3A_229 = vector.shape_cast %dot_general3A_228 : vector<64x128xf32> to vector<8x8x128xf32>
    %swap3A_230 = arith.constant 0 : index
    %swap3A_231 = arith.constant 0 : index
    %swap3A_232 = arith.constant 14 : index
    %swap3A_233 = arith.constant 0 : index
    %swap3A_234 = arith.constant 0 : index
    %swap3A_235 = vector.load %arg2[%swap3A_230, %swap3A_231, %swap3A_232, %swap3A_233, %swap3A_234] : memref<4x8x32x8x128xf32, #tpu.memory_space<vmem>>, vector<1x8x1x8x128xf32>
    %swap3A_236 = vector.shape_cast %swap3A_235 : vector<1x8x1x8x128xf32> to vector<8x8x128xf32>
    %swap3A_237 = vector.shape_cast %reshape3A_229 : vector<8x8x128xf32> to vector<1x8x1x8x128xf32>
    tpu.vector_store %arg2[%swap3A_230, %swap3A_231, %swap3A_232, %swap3A_233, %swap3A_234], %swap3A_237 {strides = array<i32>} : memref<4x8x32x8x128xf32, #tpu.memory_space<vmem>>, vector<1x8x1x8x128xf32>,
    %get3A_238 = arith.constant 0 : index
    %get3A_239 = arith.constant 1920 : index
    %get3A_240 = arith.constant 0 : index
    %get3A_241 = vector.load %arg1[%get3A_238, %get3A_239, %get3A_240] : memref<4x4096x128xf32, #tpu.memory_space<vmem>>, vector<1x128x64xf32>
    %get3A_242 = vector.shape_cast %get3A_241 : vector<1x128x64xf32> to vector<128x64xf32>
    %dot_general3A_243 = arith.constant dense<0.000000e+00> : vector<64x128xf32>
    %dot_general3A_244 = tpu.matmul %get3A_242, %convert_element_type3A_1, %dot_general3A_243 {dimension_numbers = #tpu.dot_dimension_numbers<[0], [0], [1], [1], [0, 1, 1, 1], [], []>, transpose_lhs_hint = false} : vector<128x64xf32>, vector<128x128xf32>, vector<64x128xf32> -> vector<64x128xf32>
    %reshape3A_245 = vector.shape_cast %dot_general3A_244 : vector<64x128xf32> to vector<8x8x128xf32>
    %swap3A_246 = arith.constant 0 : index
    %swap3A_247 = arith.constant 0 : index
    %swap3A_248 = arith.constant 15 : index
    %swap3A_249 = arith.constant 0 : index
    %swap3A_250 = arith.constant 0 : index
    %swap3A_251 = vector.load %arg2[%swap3A_246, %swap3A_247, %swap3A_248, %swap3A_249, %swap3A_250] : memref<4x8x32x8x128xf32, #tpu.memory_space<vmem>>, vector<1x8x1x8x128xf32>
    %swap3A_252 = vector.shape_cast %swap3A_251 : vector<1x8x1x8x128xf32> to vector<8x8x128xf32>
    %swap3A_253 = vector.shape_cast %reshape3A_245 : vector<8x8x128xf32> to vector<1x8x1x8x128xf32>
    tpu.vector_store %arg2[%swap3A_246, %swap3A_247, %swap3A_248, %swap3A_249, %swap3A_250], %swap3A_253 {strides = array<i32>} : memref<4x8x32x8x128xf32, #tpu.memory_space<vmem>>, vector<1x8x1x8x128xf32>,
    %get3A_254 = arith.constant 0 : index
    %get3A_255 = arith.constant 2048 : index
    %get3A_256 = arith.constant 0 : index
    %get3A_257 = vector.load %arg1[%get3A_254, %get3A_255, %get3A_256] : memref<4x4096x128xf32, #tpu.memory_space<vmem>>, vector<1x128x64xf32>
    %get3A_258 = vector.shape_cast %get3A_257 : vector<1x128x64xf32> to vector<128x64xf32>
    %dot_general3A_259 = arith.constant dense<0.000000e+00> : vector<64x128xf32>
    %dot_general3A_260 = tpu.matmul %get3A_258, %convert_element_type3A_1, %dot_general3A_259 {dimension_numbers = #tpu.dot_dimension_numbers<[0], [0], [1], [1], [0, 1, 1, 1], [], []>, transpose_lhs_hint = false} : vector<128x64xf32>, vector<128x128xf32>, vector<64x128xf32> -> vector<64x128xf32>
    %reshape3A_261 = vector.shape_cast %dot_general3A_260 : vector<64x128xf32> to vector<8x8x128xf32>
    %swap3A_262 = arith.constant 0 : index
    %swap3A_263 = arith.constant 0 : index
    %swap3A_264 = arith.constant 16 : index
    %swap3A_265 = arith.constant 0 : index
    %swap3A_266 = arith.constant 0 : index
    %swap3A_267 = vector.load %arg2[%swap3A_262, %swap3A_263, %swap3A_264, %swap3A_265, %swap3A_266] : memref<4x8x32x8x128xf32, #tpu.memory_space<vmem>>, vector<1x8x1x8x128xf32>
    %swap3A_268 = vector.shape_cast %swap3A_267 : vector<1x8x1x8x128xf32> to vector<8x8x128xf32>
    %swap3A_269 = vector.shape_cast %reshape3A_261 : vector<8x8x128xf32> to vector<1x8x1x8x128xf32>
    tpu.vector_store %arg2[%swap3A_262, %swap3A_263, %swap3A_264, %swap3A_265, %swap3A_266], %swap3A_269 {strides = array<i32>} : memref<4x8x32x8x128xf32, #tpu.memory_space<vmem>>, vector<1x8x1x8x128xf32>,
    %get3A_270 = arith.constant 0 : index
    %get3A_271 = arith.constant 2176 : index
    %get3A_272 = arith.constant 0 : index
    %get3A_273 = vector.load %arg1[%get3A_270, %get3A_271, %get3A_272] : memref<4x4096x128xf32, #tpu.memory_space<vmem>>, vector<1x128x64xf32>
    %get3A_274 = vector.shape_cast %get3A_273 : vector<1x128x64xf32> to vector<128x64xf32>
    %dot_general3A_275 = arith.constant dense<0.000000e+00> : vector<64x128xf32>
    %dot_general3A_276 = tpu.matmul %get3A_274, %convert_element_type3A_1, %dot_general3A_275 {dimension_numbers = #tpu.dot_dimension_numbers<[0], [0], [1], [1], [0, 1, 1, 1], [], []>, transpose_lhs_hint = false} : vector<128x64xf32>, vector<128x128xf32>, vector<64x128xf32> -> vector<64x128xf32>
    %reshape3A_277 = vector.shape_cast %dot_general3A_276 : vector<64x128xf32> to vector<8x8x128xf32>
    %swap3A_278 = arith.constant 0 : index
    %swap3A_279 = arith.constant 0 : index
    %swap3A_280 = arith.constant 17 : index
    %swap3A_281 = arith.constant 0 : index
    %swap3A_282 = arith.constant 0 : index
    %swap3A_283 = vector.load %arg2[%swap3A_278, %swap3A_279, %swap3A_280, %swap3A_281, %swap3A_282] : memref<4x8x32x8x128xf32, #tpu.memory_space<vmem>>, vector<1x8x1x8x128xf32>
    %swap3A_284 = vector.shape_cast %swap3A_283 : vector<1x8x1x8x128xf32> to vector<8x8x128xf32>
    %swap3A_285 = vector.shape_cast %reshape3A_277 : vector<8x8x128xf32> to vector<1x8x1x8x128xf32>
    tpu.vector_store %arg2[%swap3A_278, %swap3A_279, %swap3A_280, %swap3A_281, %swap3A_282], %swap3A_285 {strides = array<i32>} : memref<4x8x32x8x128xf32, #tpu.memory_space<vmem>>, vector<1x8x1x8x128xf32>,
    %get3A_286 = arith.constant 0 : index
    %get3A_287 = arith.constant 2304 : index
    %get3A_288 = arith.constant 0 : index
    %get3A_289 = vector.load %arg1[%get3A_286, %get3A_287, %get3A_288] : memref<4x4096x128xf32, #tpu.memory_space<vmem>>, vector<1x128x64xf32>
    %get3A_290 = vector.shape_cast %get3A_289 : vector<1x128x64xf32> to vector<128x64xf32>
    %dot_general3A_291 = arith.constant dense<0.000000e+00> : vector<64x128xf32>
    %dot_general3A_292 = tpu.matmul %get3A_290, %convert_element_type3A_1, %dot_general3A_291 {dimension_numbers = #tpu.dot_dimension_numbers<[0], [0], [1], [1], [0, 1, 1, 1], [], []>, transpose_lhs_hint = false} : vector<128x64xf32>, vector<128x128xf32>, vector<64x128xf32> -> vector<64x128xf32>
    %reshape3A_293 = vector.shape_cast %dot_general3A_292 : vector<64x128xf32> to vector<8x8x128xf32>
    %swap3A_294 = arith.constant 0 : index
    %swap3A_295 = arith.constant 0 : index
    %swap3A_296 = arith.constant 18 : index
    %swap3A_297 = arith.constant 0 : index
    %swap3A_298 = arith.constant 0 : index
    %swap3A_299 = vector.load %arg2[%swap3A_294, %swap3A_295, %swap3A_296, %swap3A_297, %swap3A_298] : memref<4x8x32x8x128xf32, #tpu.memory_space<vmem>>, vector<1x8x1x8x128xf32>
    %swap3A_300 = vector.shape_cast %swap3A_299 : vector<1x8x1x8x128xf32> to vector<8x8x128xf32>
    %swap3A_301 = vector.shape_cast %reshape3A_293 : vector<8x8x128xf32> to vector<1x8x1x8x128xf32>
    tpu.vector_store %arg2[%swap3A_294, %swap3A_295, %swap3A_296, %swap3A_297, %swap3A_298], %swap3A_301 {strides = array<i32>} : memref<4x8x32x8x128xf32, #tpu.memory_space<vmem>>, vector<1x8x1x8x128xf32>,
    %get3A_302 = arith.constant 0 : index
    %get3A_303 = arith.constant 2432 : index
    %get3A_304 = arith.constant 0 : index
    %get3A_305 = vector.load %arg1[%get3A_302, %get3A_303, %get3A_304] : memref<4x4096x128xf32, #tpu.memory_space<vmem>>, vector<1x128x64xf32>
    %get3A_306 = vector.shape_cast %get3A_305 : vector<1x128x64xf32> to vector<128x64xf32>
    %dot_general3A_307 = arith.constant dense<0.000000e+00> : vector<64x128xf32>
    %dot_general3A_308 = tpu.matmul %get3A_306, %convert_element_type3A_1, %dot_general3A_307 {dimension_numbers = #tpu.dot_dimension_numbers<[0], [0], [1], [1], [0, 1, 1, 1], [], []>, transpose_lhs_hint = false} : vector<128x64xf32>, vector<128x128xf32>, vector<64x128xf32> -> vector<64x128xf32>
    %reshape3A_309 = vector.shape_cast %dot_general3A_308 : vector<64x128xf32> to vector<8x8x128xf32>
    %swap3A_310 = arith.constant 0 : index
    %swap3A_311 = arith.constant 0 : index
    %swap3A_312 = arith.constant 19 : index
    %swap3A_313 = arith.constant 0 : index
    %swap3A_314 = arith.constant 0 : index
    %swap3A_315 = vector.load %arg2[%swap3A_310, %swap3A_311, %swap3A_312, %swap3A_313, %swap3A_314] : memref<4x8x32x8x128xf32, #tpu.memory_space<vmem>>, vector<1x8x1x8x128xf32>
    %swap3A_316 = vector.shape_cast %swap3A_315 : vector<1x8x1x8x128xf32> to vector<8x8x128xf32>
    %swap3A_317 = vector.shape_cast %reshape3A_309 : vector<8x8x128xf32> to vector<1x8x1x8x128xf32>
    tpu.vector_store %arg2[%swap3A_310, %swap3A_311, %swap3A_312, %swap3A_313, %swap3A_314], %swap3A_317 {strides = array<i32>} : memref<4x8x32x8x128xf32, #tpu.memory_space<vmem>>, vector<1x8x1x8x128xf32>,
    %get3A_318 = arith.constant 0 : index
    %get3A_319 = arith.constant 2560 : index
    %get3A_320 = arith.constant 0 : index
    %get3A_321 = vector.load %arg1[%get3A_318, %get3A_319, %get3A_320] : memref<4x4096x128xf32, #tpu.memory_space<vmem>>, vector<1x128x64xf32>
    %get3A_322 = vector.shape_cast %get3A_321 : vector<1x128x64xf32> to vector<128x64xf32>
    %dot_general3A_323 = arith.constant dense<0.000000e+00> : vector<64x128xf32>
    %dot_general3A_324 = tpu.matmul %get3A_322, %convert_element_type3A_1, %dot_general3A_323 {dimension_numbers = #tpu.dot_dimension_numbers<[0], [0], [1], [1], [0, 1, 1, 1], [], []>, transpose_lhs_hint = false} : vector<128x64xf32>, vector<128x128xf32>, vector<64x128xf32> -> vector<64x128xf32>
    %reshape3A_325 = vector.shape_cast %dot_general3A_324 : vector<64x128xf32> to vector<8x8x128xf32>
    %swap3A_326 = arith.constant 0 : index
    %swap3A_327 = arith.constant 0 : index
    %swap3A_328 = arith.constant 20 : index
    %swap3A_329 = arith.constant 0 : index
    %swap3A_330 = arith.constant 0 : index
    %swap3A_331 = vector.load %arg2[%swap3A_326, %swap3A_327, %swap3A_328, %swap3A_329, %swap3A_330] : memref<4x8x32x8x128xf32, #tpu.memory_space<vmem>>, vector<1x8x1x8x128xf32>
    %swap3A_332 = vector.shape_cast %swap3A_331 : vector<1x8x1x8x128xf32> to vector<8x8x128xf32>
    %swap3A_333 = vector.shape_cast %reshape3A_325 : vector<8x8x128xf32> to vector<1x8x1x8x128xf32>
    tpu.vector_store %arg2[%swap3A_326, %swap3A_327, %swap3A_328, %swap3A_329, %swap3A_330], %swap3A_333 {strides = array<i32>} : memref<4x8x32x8x128xf32, #tpu.memory_space<vmem>>, vector<1x8x1x8x128xf32>,
    %get3A_334 = arith.constant 0 : index
    %get3A_335 = arith.constant 2688 : index
    %get3A_336 = arith.constant 0 : index
    %get3A_337 = vector.load %arg1[%get3A_334, %get3A_335, %get3A_336] : memref<4x4096x128xf32, #tpu.memory_space<vmem>>, vector<1x128x64xf32>
    %get3A_338 = vector.shape_cast %get3A_337 : vector<1x128x64xf32> to vector<128x64xf32>
    %dot_general3A_339 = arith.constant dense<0.000000e+00> : vector<64x128xf32>
    %dot_general3A_340 = tpu.matmul %get3A_338, %convert_element_type3A_1, %dot_general3A_339 {dimension_numbers = #tpu.dot_dimension_numbers<[0], [0], [1], [1], [0, 1, 1, 1], [], []>, transpose_lhs_hint = false} : vector<128x64xf32>, vector<128x128xf32>, vector<64x128xf32> -> vector<64x128xf32>
    %reshape3A_341 = vector.shape_cast %dot_general3A_340 : vector<64x128xf32> to vector<8x8x128xf32>
    %swap3A_342 = arith.constant 0 : index
    %swap3A_343 = arith.constant 0 : index
    %swap3A_344 = arith.constant 21 : index
    %swap3A_345 = arith.constant 0 : index
    %swap3A_346 = arith.constant 0 : index
    %swap3A_347 = vector.load %arg2[%swap3A_342, %swap3A_343, %swap3A_344, %swap3A_345, %swap3A_346] : memref<4x8x32x8x128xf32, #tpu.memory_space<vmem>>, vector<1x8x1x8x128xf32>
    %swap3A_348 = vector.shape_cast %swap3A_347 : vector<1x8x1x8x128xf32> to vector<8x8x128xf32>
    %swap3A_349 = vector.shape_cast %reshape3A_341 : vector<8x8x128xf32> to vector<1x8x1x8x128xf32>
    tpu.vector_store %arg2[%swap3A_342, %swap3A_343, %swap3A_344, %swap3A_345, %swap3A_346], %swap3A_349 {strides = array<i32>} : memref<4x8x32x8x128xf32, #tpu.memory_space<vmem>>, vector<1x8x1x8x128xf32>,
    %get3A_350 = arith.constant 0 : index
    %get3A_351 = arith.constant 2816 : index
    %get3A_352 = arith.constant 0 : index
    %get3A_353 = vector.load %arg1[%get3A_350, %get3A_351, %get3A_352] : memref<4x4096x128xf32, #tpu.memory_space<vmem>>, vector<1x128x64xf32>
    %get3A_354 = vector.shape_cast %get3A_353 : vector<1x128x64xf32> to vector<128x64xf32>
    %dot_general3A_355 = arith.constant dense<0.000000e+00> : vector<64x128xf32>
    %dot_general3A_356 = tpu.matmul %get3A_354, %convert_element_type3A_1, %dot_general3A_355 {dimension_numbers = #tpu.dot_dimension_numbers<[0], [0], [1], [1], [0, 1, 1, 1], [], []>, transpose_lhs_hint = false} : vector<128x64xf32>, vector<128x128xf32>, vector<64x128xf32> -> vector<64x128xf32>
    %reshape3A_357 = vector.shape_cast %dot_general3A_356 : vector<64x128xf32> to vector<8x8x128xf32>
    %swap3A_358 = arith.constant 0 : index
    %swap3A_359 = arith.constant 0 : index
    %swap3A_360 = arith.constant 22 : index
    %swap3A_361 = arith.constant 0 : index
    %swap3A_362 = arith.constant 0 : index
    %swap3A_363 = vector.load %arg2[%swap3A_358, %swap3A_359, %swap3A_360, %swap3A_361, %swap3A_362] : memref<4x8x32x8x128xf32, #tpu.memory_space<vmem>>, vector<1x8x1x8x128xf32>
    %swap3A_364 = vector.shape_cast %swap3A_363 : vector<1x8x1x8x128xf32> to vector<8x8x128xf32>
    %swap3A_365 = vector.shape_cast %reshape3A_357 : vector<8x8x128xf32> to vector<1x8x1x8x128xf32>
    tpu.vector_store %arg2[%swap3A_358, %swap3A_359, %swap3A_360, %swap3A_361, %swap3A_362], %swap3A_365 {strides = array<i32>} : memref<4x8x32x8x128xf32, #tpu.memory_space<vmem>>, vector<1x8x1x8x128xf32>,
    %get3A_366 = arith.constant 0 : index
    %get3A_367 = arith.constant 2944 : index
    %get3A_368 = arith.constant 0 : index
    %get3A_369 = vector.load %arg1[%get3A_366, %get3A_367, %get3A_368] : memref<4x4096x128xf32, #tpu.memory_space<vmem>>, vector<1x128x64xf32>
    %get3A_370 = vector.shape_cast %get3A_369 : vector<1x128x64xf32> to vector<128x64xf32>
    %dot_general3A_371 = arith.constant dense<0.000000e+00> : vector<64x128xf32>
    %dot_general3A_372 = tpu.matmul %get3A_370, %convert_element_type3A_1, %dot_general3A_371 {dimension_numbers = #tpu.dot_dimension_numbers<[0], [0], [1], [1], [0, 1, 1, 1], [], []>, transpose_lhs_hint = false} : vector<128x64xf32>, vector<128x128xf32>, vector<64x128xf32> -> vector<64x128xf32>
    %reshape3A_373 = vector.shape_cast %dot_general3A_372 : vector<64x128xf32> to vector<8x8x128xf32>
    %swap3A_374 = arith.constant 0 : index
    %swap3A_375 = arith.constant 0 : index
    %swap3A_376 = arith.constant 23 : index
    %swap3A_377 = arith.constant 0 : index
    %swap3A_378 = arith.constant 0 : index
    %swap3A_379 = vector.load %arg2[%swap3A_374, %swap3A_375, %swap3A_376, %swap3A_377, %swap3A_378] : memref<4x8x32x8x128xf32, #tpu.memory_space<vmem>>, vector<1x8x1x8x128xf32>
    %swap3A_380 = vector.shape_cast %swap3A_379 : vector<1x8x1x8x128xf32> to vector<8x8x128xf32>
    %swap3A_381 = vector.shape_cast %reshape3A_373 : vector<8x8x128xf32> to vector<1x8x1x8x128xf32>
    tpu.vector_store %arg2[%swap3A_374, %swap3A_375, %swap3A_376, %swap3A_377, %swap3A_378], %swap3A_381 {strides = array<i32>} : memref<4x8x32x8x128xf32, #tpu.memory_space<vmem>>, vector<1x8x1x8x128xf32>,
    %get3A_382 = arith.constant 0 : index
    %get3A_383 = arith.constant 3072 : index
    %get3A_384 = arith.constant 0 : index
    %get3A_385 = vector.load %arg1[%get3A_382, %get3A_383, %get3A_384] : memref<4x4096x128xf32, #tpu.memory_space<vmem>>, vector<1x128x64xf32>
    %get3A_386 = vector.shape_cast %get3A_385 : vector<1x128x64xf32> to vector<128x64xf32>
    %dot_general3A_387 = arith.constant dense<0.000000e+00> : vector<64x128xf32>
    %dot_general3A_388 = tpu.matmul %get3A_386, %convert_element_type3A_1, %dot_general3A_387 {dimension_numbers = #tpu.dot_dimension_numbers<[0], [0], [1], [1], [0, 1, 1, 1], [], []>, transpose_lhs_hint = false} : vector<128x64xf32>, vector<128x128xf32>, vector<64x128xf32> -> vector<64x128xf32>
    %reshape3A_389 = vector.shape_cast %dot_general3A_388 : vector<64x128xf32> to vector<8x8x128xf32>
    %swap3A_390 = arith.constant 0 : index
    %swap3A_391 = arith.constant 0 : index
    %swap3A_392 = arith.constant 24 : index
    %swap3A_393 = arith.constant 0 : index
    %swap3A_394 = arith.constant 0 : index
    %swap3A_395 = vector.load %arg2[%swap3A_390, %swap3A_391, %swap3A_392, %swap3A_393, %swap3A_394] : memref<4x8x32x8x128xf32, #tpu.memory_space<vmem>>, vector<1x8x1x8x128xf32>
    %swap3A_396 = vector.shape_cast %swap3A_395 : vector<1x8x1x8x128xf32> to vector<8x8x128xf32>
    %swap3A_397 = vector.shape_cast %reshape3A_389 : vector<8x8x128xf32> to vector<1x8x1x8x128xf32>
    tpu.vector_store %arg2[%swap3A_390, %swap3A_391, %swap3A_392, %swap3A_393, %swap3A_394], %swap3A_397 {strides = array<i32>} : memref<4x8x32x8x128xf32, #tpu.memory_space<vmem>>, vector<1x8x1x8x128xf32>,
    %get3A_398 = arith.constant 0 : index
    %get3A_399 = arith.constant 3200 : index
    %get3A_400 = arith.constant 0 : index
    %get3A_401 = vector.load %arg1[%get3A_398, %get3A_399, %get3A_400] : memref<4x4096x128xf32, #tpu.memory_space<vmem>>, vector<1x128x64xf32>
    %get3A_402 = vector.shape_cast %get3A_401 : vector<1x128x64xf32> to vector<128x64xf32>
    %dot_general3A_403 = arith.constant dense<0.000000e+00> : vector<64x128xf32>
    %dot_general3A_404 = tpu.matmul %get3A_402, %convert_element_type3A_1, %dot_general3A_403 {dimension_numbers = #tpu.dot_dimension_numbers<[0], [0], [1], [1], [0, 1, 1, 1], [], []>, transpose_lhs_hint = false} : vector<128x64xf32>, vector<128x128xf32>, vector<64x128xf32> -> vector<64x128xf32>
    %reshape3A_405 = vector.shape_cast %dot_general3A_404 : vector<64x128xf32> to vector<8x8x128xf32>
    %swap3A_406 = arith.constant 0 : index
    %swap3A_407 = arith.constant 0 : index
    %swap3A_408 = arith.constant 25 : index
    %swap3A_409 = arith.constant 0 : index
    %swap3A_410 = arith.constant 0 : index
    %swap3A_411 = vector.load %arg2[%swap3A_406, %swap3A_407, %swap3A_408, %swap3A_409, %swap3A_410] : memref<4x8x32x8x128xf32, #tpu.memory_space<vmem>>, vector<1x8x1x8x128xf32>
    %swap3A_412 = vector.shape_cast %swap3A_411 : vector<1x8x1x8x128xf32> to vector<8x8x128xf32>
    %swap3A_413 = vector.shape_cast %reshape3A_405 : vector<8x8x128xf32> to vector<1x8x1x8x128xf32>
    tpu.vector_store %arg2[%swap3A_406, %swap3A_407, %swap3A_408, %swap3A_409, %swap3A_410], %swap3A_413 {strides = array<i32>} : memref<4x8x32x8x128xf32, #tpu.memory_space<vmem>>, vector<1x8x1x8x128xf32>,
    %get3A_414 = arith.constant 0 : index
    %get3A_415 = arith.constant 3328 : index
    %get3A_416 = arith.constant 0 : index
    %get3A_417 = vector.load %arg1[%get3A_414, %get3A_415, %get3A_416] : memref<4x4096x128xf32, #tpu.memory_space<vmem>>, vector<1x128x64xf32>
    %get3A_418 = vector.shape_cast %get3A_417 : vector<1x128x64xf32> to vector<128x64xf32>
    %dot_general3A_419 = arith.constant dense<0.000000e+00> : vector<64x128xf32>
    %dot_general3A_420 = tpu.matmul %get3A_418, %convert_element_type3A_1, %dot_general3A_419 {dimension_numbers = #tpu.dot_dimension_numbers<[0], [0], [1], [1], [0, 1, 1, 1], [], []>, transpose_lhs_hint = false} : vector<128x64xf32>, vector<128x128xf32>, vector<64x128xf32> -> vector<64x128xf32>
    %reshape3A_421 = vector.shape_cast %dot_general3A_420 : vector<64x128xf32> to vector<8x8x128xf32>
    %swap3A_422 = arith.constant 0 : index
    %swap3A_423 = arith.constant 0 : index
    %swap3A_424 = arith.constant 26 : index
    %swap3A_425 = arith.constant 0 : index
    %swap3A_426 = arith.constant 0 : index
    %swap3A_427 = vector.load %arg2[%swap3A_422, %swap3A_423, %swap3A_424, %swap3A_425, %swap3A_426] : memref<4x8x32x8x128xf32, #tpu.memory_space<vmem>>, vector<1x8x1x8x128xf32>
    %swap3A_428 = vector.shape_cast %swap3A_427 : vector<1x8x1x8x128xf32> to vector<8x8x128xf32>
    %swap3A_429 = vector.shape_cast %reshape3A_421 : vector<8x8x128xf32> to vector<1x8x1x8x128xf32>
    tpu.vector_store %arg2[%swap3A_422, %swap3A_423, %swap3A_424, %swap3A_425, %swap3A_426], %swap3A_429 {strides = array<i32>} : memref<4x8x32x8x128xf32, #tpu.memory_space<vmem>>, vector<1x8x1x8x128xf32>,
    %get3A_430 = arith.constant 0 : index
    %get3A_431 = arith.constant 3456 : index
    %get3A_432 = arith.constant 0 : index
    %get3A_433 = vector.load %arg1[%get3A_430, %get3A_431, %get3A_432] : memref<4x4096x128xf32, #tpu.memory_space<vmem>>, vector<1x128x64xf32>
    %get3A_434 = vector.shape_cast %get3A_433 : vector<1x128x64xf32> to vector<128x64xf32>
    %dot_general3A_435 = arith.constant dense<0.000000e+00> : vector<64x128xf32>
    %dot_general3A_436 = tpu.matmul %get3A_434, %convert_element_type3A_1, %dot_general3A_435 {dimension_numbers = #tpu.dot_dimension_numbers<[0], [0], [1], [1], [0, 1, 1, 1], [], []>, transpose_lhs_hint = false} : vector<128x64xf32>, vector<128x128xf32>, vector<64x128xf32> -> vector<64x128xf32>
    %reshape3A_437 = vector.shape_cast %dot_general3A_436 : vector<64x128xf32> to vector<8x8x128xf32>
    %swap3A_438 = arith.constant 0 : index
    %swap3A_439 = arith.constant 0 : index
    %swap3A_440 = arith.constant 27 : index
    %swap3A_441 = arith.constant 0 : index
    %swap3A_442 = arith.constant 0 : index
    %swap3A_443 = vector.load %arg2[%swap3A_438, %swap3A_439, %swap3A_440, %swap3A_441, %swap3A_442] : memref<4x8x32x8x128xf32, #tpu.memory_space<vmem>>, vector<1x8x1x8x128xf32>
    %swap3A_444 = vector.shape_cast %swap3A_443 : vector<1x8x1x8x128xf32> to vector<8x8x128xf32>
    %swap3A_445 = vector.shape_cast %reshape3A_437 : vector<8x8x128xf32> to vector<1x8x1x8x128xf32>
    tpu.vector_store %arg2[%swap3A_438, %swap3A_439, %swap3A_440, %swap3A_441, %swap3A_442], %swap3A_445 {strides = array<i32>} : memref<4x8x32x8x128xf32, #tpu.memory_space<vmem>>, vector<1x8x1x8x128xf32>,
    %get3A_446 = arith.constant 0 : index
    %get3A_447 = arith.constant 3584 : index
    %get3A_448 = arith.constant 0 : index
    %get3A_449 = vector.load %arg1[%get3A_446, %get3A_447, %get3A_448] : memref<4x4096x128xf32, #tpu.memory_space<vmem>>, vector<1x128x64xf32>
    %get3A_450 = vector.shape_cast %get3A_449 : vector<1x128x64xf32> to vector<128x64xf32>
    %dot_general3A_451 = arith.constant dense<0.000000e+00> : vector<64x128xf32>
    %dot_general3A_452 = tpu.matmul %get3A_450, %convert_element_type3A_1, %dot_general3A_451 {dimension_numbers = #tpu.dot_dimension_numbers<[0], [0], [1], [1], [0, 1, 1, 1], [], []>, transpose_lhs_hint = false} : vector<128x64xf32>, vector<128x128xf32>, vector<64x128xf32> -> vector<64x128xf32>
    %reshape3A_453 = vector.shape_cast %dot_general3A_452 : vector<64x128xf32> to vector<8x8x128xf32>
    %swap3A_454 = arith.constant 0 : index
    %swap3A_455 = arith.constant 0 : index
    %swap3A_456 = arith.constant 28 : index
    %swap3A_457 = arith.constant 0 : index
    %swap3A_458 = arith.constant 0 : index
    %swap3A_459 = vector.load %arg2[%swap3A_454, %swap3A_455, %swap3A_456, %swap3A_457, %swap3A_458] : memref<4x8x32x8x128xf32, #tpu.memory_space<vmem>>, vector<1x8x1x8x128xf32>
    %swap3A_460 = vector.shape_cast %swap3A_459 : vector<1x8x1x8x128xf32> to vector<8x8x128xf32>
    %swap3A_461 = vector.shape_cast %reshape3A_453 : vector<8x8x128xf32> to vector<1x8x1x8x128xf32>
    tpu.vector_store %arg2[%swap3A_454, %swap3A_455, %swap3A_456, %swap3A_457, %swap3A_458], %swap3A_461 {strides = array<i32>} : memref<4x8x32x8x128xf32, #tpu.memory_space<vmem>>, vector<1x8x1x8x128xf32>,
    %get3A_462 = arith.constant 0 : index
    %get3A_463 = arith.constant 3712 : index
    %get3A_464 = arith.constant 0 : index
    %get3A_465 = vector.load %arg1[%get3A_462, %get3A_463, %get3A_464] : memref<4x4096x128xf32, #tpu.memory_space<vmem>>, vector<1x128x64xf32>
    %get3A_466 = vector.shape_cast %get3A_465 : vector<1x128x64xf32> to vector<128x64xf32>
    %dot_general3A_467 = arith.constant dense<0.000000e+00> : vector<64x128xf32>
    %dot_general3A_468 = tpu.matmul %get3A_466, %convert_element_type3A_1, %dot_general3A_467 {dimension_numbers = #tpu.dot_dimension_numbers<[0], [0], [1], [1], [0, 1, 1, 1], [], []>, transpose_lhs_hint = false} : vector<128x64xf32>, vector<128x128xf32>, vector<64x128xf32> -> vector<64x128xf32>
    %reshape3A_469 = vector.shape_cast %dot_general3A_468 : vector<64x128xf32> to vector<8x8x128xf32>
    %swap3A_470 = arith.constant 0 : index
    %swap3A_471 = arith.constant 0 : index
    %swap3A_472 = arith.constant 29 : index
    %swap3A_473 = arith.constant 0 : index
    %swap3A_474 = arith.constant 0 : index
    %swap3A_475 = vector.load %arg2[%swap3A_470, %swap3A_471, %swap3A_472, %swap3A_473, %swap3A_474] : memref<4x8x32x8x128xf32, #tpu.memory_space<vmem>>, vector<1x8x1x8x128xf32>
    %swap3A_476 = vector.shape_cast %swap3A_475 : vector<1x8x1x8x128xf32> to vector<8x8x128xf32>
    %swap3A_477 = vector.shape_cast %reshape3A_469 : vector<8x8x128xf32> to vector<1x8x1x8x128xf32>
    tpu.vector_store %arg2[%swap3A_470, %swap3A_471, %swap3A_472, %swap3A_473, %swap3A_474], %swap3A_477 {strides = array<i32>} : memref<4x8x32x8x128xf32, #tpu.memory_space<vmem>>, vector<1x8x1x8x128xf32>,
    %get3A_478 = arith.constant 0 : index
    %get3A_479 = arith.constant 3840 : index
    %get3A_480 = arith.constant 0 : index
    %get3A_481 = vector.load %arg1[%get3A_478, %get3A_479, %get3A_480] : memref<4x4096x128xf32, #tpu.memory_space<vmem>>, vector<1x128x64xf32>
    %get3A_482 = vector.shape_cast %get3A_481 : vector<1x128x64xf32> to vector<128x64xf32>
    %dot_general3A_483 = arith.constant dense<0.000000e+00> : vector<64x128xf32>
    %dot_general3A_484 = tpu.matmul %get3A_482, %convert_element_type3A_1, %dot_general3A_483 {dimension_numbers = #tpu.dot_dimension_numbers<[0], [0], [1], [1], [0, 1, 1, 1], [], []>, transpose_lhs_hint = false} : vector<128x64xf32>, vector<128x128xf32>, vector<64x128xf32> -> vector<64x128xf32>
    %reshape3A_485 = vector.shape_cast %dot_general3A_484 : vector<64x128xf32> to vector<8x8x128xf32>
    %swap3A_486 = arith.constant 0 : index
    %swap3A_487 = arith.constant 0 : index
    %swap3A_488 = arith.constant 30 : index
    %swap3A_489 = arith.constant 0 : index
    %swap3A_490 = arith.constant 0 : index
    %swap3A_491 = vector.load %arg2[%swap3A_486, %swap3A_487, %swap3A_488, %swap3A_489, %swap3A_490] : memref<4x8x32x8x128xf32, #tpu.memory_space<vmem>>, vector<1x8x1x8x128xf32>
    %swap3A_492 = vector.shape_cast %swap3A_491 : vector<1x8x1x8x128xf32> to vector<8x8x128xf32>
    %swap3A_493 = vector.shape_cast %reshape3A_485 : vector<8x8x128xf32> to vector<1x8x1x8x128xf32>
    tpu.vector_store %arg2[%swap3A_486, %swap3A_487, %swap3A_488, %swap3A_489, %swap3A_490], %swap3A_493 {strides = array<i32>} : memref<4x8x32x8x128xf32, #tpu.memory_space<vmem>>, vector<1x8x1x8x128xf32>,
    %get3A_494 = arith.constant 0 : index
    %get3A_495 = arith.constant 3968 : index
    %get3A_496 = arith.constant 0 : index
    %get3A_497 = vector.load %arg1[%get3A_494, %get3A_495, %get3A_496] : memref<4x4096x128xf32, #tpu.memory_space<vmem>>, vector<1x128x64xf32>
    %get3A_498 = vector.shape_cast %get3A_497 : vector<1x128x64xf32> to vector<128x64xf32>
    %dot_general3A_499 = arith.constant dense<0.000000e+00> : vector<64x128xf32>
    %dot_general3A_500 = tpu.matmul %get3A_498, %convert_element_type3A_1, %dot_general3A_499 {dimension_numbers = #tpu.dot_dimension_numbers<[0], [0], [1], [1], [0, 1, 1, 1], [], []>, transpose_lhs_hint = false} : vector<128x64xf32>, vector<128x128xf32>, vector<64x128xf32> -> vector<64x128xf32>
    %reshape3A_501 = vector.shape_cast %dot_general3A_500 : vector<64x128xf32> to vector<8x8x128xf32>
    %swap3A_502 = arith.constant 0 : index
    %swap3A_503 = arith.constant 0 : index
    %swap3A_504 = arith.constant 31 : index
    %swap3A_505 = arith.constant 0 : index
    %swap3A_506 = arith.constant 0 : index
    %swap3A_507 = vector.load %arg2[%swap3A_502, %swap3A_503, %swap3A_504, %swap3A_505, %swap3A_506] : memref<4x8x32x8x128xf32, #tpu.memory_space<vmem>>, vector<1x8x1x8x128xf32>
    %swap3A_508 = vector.shape_cast %swap3A_507 : vector<1x8x1x8x128xf32> to vector<8x8x128xf32>
    %swap3A_509 = vector.shape_cast %reshape3A_501 : vector<8x8x128xf32> to vector<1x8x1x8x128xf32>
    tpu.vector_store %arg2[%swap3A_502, %swap3A_503, %swap3A_504, %swap3A_505, %swap3A_506], %swap3A_509 {strides = array<i32>} : memref<4x8x32x8x128xf32, #tpu.memory_space<vmem>>, vector<1x8x1x8x128xf32>,
    %get3A_510 = arith.constant 1 : index
    %get3A_511 = arith.constant 0 : index
    %get3A_512 = arith.constant 0 : index
    %get3A_513 = vector.load %arg1[%get3A_510, %get3A_511, %get3A_512] : memref<4x4096x128xf32, #tpu.memory_space<vmem>>, vector<1x128x64xf32>
    %get3A_514 = vector.shape_cast %get3A_513 : vector<1x128x64xf32> to vector<128x64xf32>
    %dot_general3A_515 = arith.constant dense<0.000000e+00> : vector<64x128xf32>
    %dot_general3A_516 = tpu.matmul %get3A_514, %convert_element_type3A_1, %dot_general3A_515 {dimension_numbers = #tpu.dot_dimension_numbers<[0], [0], [1], [1], [0, 1, 1, 1], [], []>, transpose_lhs_hint = false} : vector<128x64xf32>, vector<128x128xf32>, vector<64x128xf32> -> vector<64x128xf32>
    %reshape3A_517 = vector.shape_cast %dot_general3A_516 : vector<64x128xf32> to vector<8x8x128xf32>
    %swap3A_518 = arith.constant 1 : index
    %swap3A_519 = arith.constant 0 : index
    %swap3A_520 = arith.constant 0 : index
    %swap3A_521 = arith.constant 0 : index
    %swap3A_522 = arith.constant 0 : index
    %swap3A_523 = vector.load %arg2[%swap3A_518, %swap3A_519, %swap3A_520, %swap3A_521, %swap3A_522] : memref<4x8x32x8x128xf32, #tpu.memory_space<vmem>>, vector<1x8x1x8x128xf32>
    %swap3A_524 = vector.shape_cast %swap3A_523 : vector<1x8x1x8x128xf32> to vector<8x8x128xf32>
    %swap3A_525 = vector.shape_cast %reshape3A_517 : vector<8x8x128xf32> to vector<1x8x1x8x128xf32>
    tpu.vector_store %arg2[%swap3A_518, %swap3A_519, %swap3A_520, %swap3A_521, %swap3A_522], %swap3A_525 {strides = array<i32>} : memref<4x8x32x8x128xf32, #tpu.memory_space<vmem>>, vector<1x8x1x8x128xf32>,
    %get3A_526 = arith.constant 1 : index
    %get3A_527 = arith.constant 128 : index
    %get3A_528 = arith.constant 0 : index
    %get3A_529 = vector.load %arg1[%get3A_526, %get3A_527, %get3A_528] : memref<4x4096x128xf32, #tpu.memory_space<vmem>>, vector<1x128x64xf32>
    %get3A_530 = vector.shape_cast %get3A_529 : vector<1x128x64xf32> to vector<128x64xf32>
    %dot_general3A_531 = arith.constant dense<0.000000e+00> : vector<64x128xf32>
    %dot_general3A_532 = tpu.matmul %get3A_530, %convert_element_type3A_1, %dot_general3A_531 {dimension_numbers = #tpu.dot_dimension_numbers<[0], [0], [1], [1], [0, 1, 1, 1], [], []>, transpose_lhs_hint = false} : vector<128x64xf32>, vector<128x128xf32>, vector<64x128xf32> -> vector<64x128xf32>
    %reshape3A_533 = vector.shape_cast %dot_general3A_532 : vector<64x128xf32> to vector<8x8x128xf32>
    %swap3A_534 = arith.constant 1 : index
    %swap3A_535 = arith.constant 0 : index
    %swap3A_536 = arith.constant 1 : index
    %swap3A_537 = arith.constant 0 : index
    %swap3A_538 = arith.constant 0 : index
    %swap3A_539 = vector.load %arg2[%swap3A_534, %swap3A_535, %swap3A_536, %swap3A_537, %swap3A_538] : memref<4x8x32x8x128xf32, #tpu.memory_space<vmem>>, vector<1x8x1x8x128xf32>
    %swap3A_540 = vector.shape_cast %swap3A_539 : vector<1x8x1x8x128xf32> to vector<8x8x128xf32>
    %swap3A_541 = vector.shape_cast %reshape3A_533 : vector<8x8x128xf32> to vector<1x8x1x8x128xf32>
    tpu.vector_store %arg2[%swap3A_534, %swap3A_535, %swap3A_536, %swap3A_537, %swap3A_538], %swap3A_541 {strides = array<i32>} : memref<4x8x32x8x128xf32, #tpu.memory_space<vmem>>, vector<1x8x1x8x128xf32>,
    %get3A_542 = arith.constant 1 : index
    %get3A_543 = arith.constant 256 : index
    %get3A_544 = arith.constant 0 : index
    %get3A_545 = vector.load %arg1[%get3A_542, %get3A_543, %get3A_544] : memref<4x4096x128xf32, #tpu.memory_space<vmem>>, vector<1x128x64xf32>
    %get3A_546 = vector.shape_cast %get3A_545 : vector<1x128x64xf32> to vector<128x64xf32>
    %dot_general3A_547 = arith.constant dense<0.000000e+00> : vector<64x128xf32>
    %dot_general3A_548 = tpu.matmul %get3A_546, %convert_element_type3A_1, %dot_general3A_547 {dimension_numbers = #tpu.dot_dimension_numbers<[0], [0], [1], [1], [0, 1, 1, 1], [], []>, transpose_lhs_hint = false} : vector<128x64xf32>, vector<128x128xf32>, vector<64x128xf32> -> vector<64x128xf32>
    %reshape3A_549 = vector.shape_cast %dot_general3A_548 : vector<64x128xf32> to vector<8x8x128xf32>
    %swap3A_550 = arith.constant 1 : index
    %swap3A_551 = arith.constant 0 : index
    %swap3A_552 = arith.constant 2 : index
    %swap3A_553 = arith.constant 0 : index
    %swap3A_554 = arith.constant 0 : index
    %swap3A_555 = vector.load %arg2[%swap3A_550, %swap3A_551, %swap3A_552, %swap3A_553, %swap3A_554] : memref<4x8x32x8x128xf32, #tpu.memory_space<vmem>>, vector<1x8x1x8x128xf32>
    %swap3A_556 = vector.shape_cast %swap3A_555 : vector<1x8x1x8x128xf32> to vector<8x8x128xf32>
    %swap3A_557 = vector.shape_cast %reshape3A_549 : vector<8x8x128xf32> to vector<1x8x1x8x128xf32>
    tpu.vector_store %arg2[%swap3A_550, %swap3A_551, %swap3A_552, %swap3A_553, %swap3A_554], %swap3A_557 {strides = array<i32>} : memref<4x8x32x8x128xf32, #tpu.memory_space<vmem>>, vector<1x8x1x8x128xf32>,
    %get3A_558 = arith.constant 1 : index
    %get3A_559 = arith.constant 384 : index
    %get3A_560 = arith.constant 0 : index
    %get3A_561 = vector.load %arg1[%get3A_558, %get3A_559, %get3A_560] : memref<4x4096x128xf32, #tpu.memory_space<vmem>>, vector<1x128x64xf32>
    %get3A_562 = vector.shape_cast %get3A_561 : vector<1x128x64xf32> to vector<128x64xf32>
    %dot_general3A_563 = arith.constant dense<0.000000e+00> : vector<64x128xf32>
    %dot_general3A_564 = tpu.matmul %get3A_562, %convert_element_type3A_1, %dot_general3A_563 {dimension_numbers = #tpu.dot_dimension_numbers<[0], [0], [1], [1], [0, 1, 1, 1], [], []>, transpose_lhs_hint = false} : vector<128x64xf32>, vector<128x128xf32>, vector<64x128xf32> -> vector<64x128xf32>
    %reshape3A_565 = vector.shape_cast %dot_general3A_564 : vector<64x128xf32> to vector<8x8x128xf32>
    %swap3A_566 = arith.constant 1 : index
    %swap3A_567 = arith.constant 0 : index
    %swap3A_568 = arith.constant 3 : index
    %swap3A_569 = arith.constant 0 : index
    %swap3A_570 = arith.constant 0 : index
    %swap3A_571 = vector.load %arg2[%swap3A_566, %swap3A_567, %swap3A_568, %swap3A_569, %swap3A_570] : memref<4x8x32x8x128xf32, #tpu.memory_space<vmem>>, vector<1x8x1x8x128xf32>
    %swap3A_572 = vector.shape_cast %swap3A_571 : vector<1x8x1x8x128xf32> to vector<8x8x128xf32>
    %swap3A_573 = vector.shape_cast %reshape3A_565 : vector<8x8x128xf32> to vector<1x8x1x8x128xf32>
    tpu.vector_store %arg2[%swap3A_566, %swap3A_567, %swap3A_568, %swap3A_569, %swap3A_570], %swap3A_573 {strides = array<i32>} : memref<4x8x32x8x128xf32, #tpu.memory_space<vmem>>, vector<1x8x1x8x128xf32>,
    %get3A_574 = arith.constant 1 : index
    %get3A_575 = arith.constant 512 : index
    %get3A_576 = arith.constant 0 : index
    %get3A_577 = vector.load %arg1[%get3A_574, %get3A_575, %get3A_576] : memref<4x4096x128xf32, #tpu.memory_space<vmem>>, vector<1x128x64xf32>
    %get3A_578 = vector.shape_cast %get3A_577 : vector<1x128x64xf32> to vector<128x64xf32>
    %dot_general3A_579 = arith.constant dense<0.000000e+00> : vector<64x128xf32>
    %dot_general3A_580 = tpu.matmul %get3A_578, %convert_element_type3A_1, %dot_general3A_579 {dimension_numbers = #tpu.dot_dimension_numbers<[0], [0], [1], [1], [0, 1, 1, 1], [], []>, transpose_lhs_hint = false} : vector<128x64xf32>, vector<128x128xf32>, vector<64x128xf32> -> vector<64x128xf32>
    %reshape3A_581 = vector.shape_cast %dot_general3A_580 : vector<64x128xf32> to vector<8x8x128xf32>
    %swap3A_582 = arith.constant 1 : index
    %swap3A_583 = arith.constant 0 : index
    %swap3A_584 = arith.constant 4 : index
    %swap3A_585 = arith.constant 0 : index
    %swap3A_586 = arith.constant 0 : index
    %swap3A_587 = vector.load %arg2[%swap3A_582, %swap3A_583, %swap3A_584, %swap3A_585, %swap3A_586] : memref<4x8x32x8x128xf32, #tpu.memory_space<vmem>>, vector<1x8x1x8x128xf32>
    %swap3A_588 = vector.shape_cast %swap3A_587 : vector<1x8x1x8x128xf32> to vector<8x8x128xf32>
    %swap3A_589 = vector.shape_cast %reshape3A_581 : vector<8x8x128xf32> to vector<1x8x1x8x128xf32>
    tpu.vector_store %arg2[%swap3A_582, %swap3A_583, %swap3A_584, %swap3A_585, %swap3A_586], %swap3A_589 {strides = array<i32>} : memref<4x8x32x8x128xf32, #tpu.memory_space<vmem>>, vector<1x8x1x8x128xf32>,
    %get3A_590 = arith.constant 1 : index
    %get3A_591 = arith.constant 640 : index
    %get3A_592 = arith.constant 0 : index
    %get3A_593 = vector.load %arg1[%get3A_590, %get3A_591, %get3A_592] : memref<4x4096x128xf32, #tpu.memory_space<vmem>>, vector<1x128x64xf32>
    %get3A_594 = vector.shape_cast %get3A_593 : vector<1x128x64xf32> to vector<128x64xf32>
    %dot_general3A_595 = arith.constant dense<0.000000e+00> : vector<64x128xf32>
    %dot_general3A_596 = tpu.matmul %get3A_594, %convert_element_type3A_1, %dot_general3A_595 {dimension_numbers = #tpu.dot_dimension_numbers<[0], [0], [1], [1], [0, 1, 1, 1], [], []>, transpose_lhs_hint = false} : vector<128x64xf32>, vector<128x128xf32>, vector<64x128xf32> -> vector<64x128xf32>
    %reshape3A_597 = vector.shape_cast %dot_general3A_596 : vector<64x128xf32> to vector<8x8x128xf32>
    %swap3A_598 = arith.constant 1 : index
    %swap3A_599 = arith.constant 0 : index
    %swap3A_600 = arith.constant 5 : index
    %swap3A_601 = arith.constant 0 : index
    %swap3A_602 = arith.constant 0 : index
    %swap3A_603 = vector.load %arg2[%swap3A_598, %swap3A_599, %swap3A_600, %swap3A_601, %swap3A_602] : memref<4x8x32x8x128xf32, #tpu.memory_space<vmem>>, vector<1x8x1x8x128xf32>
    %swap3A_604 = vector.shape_cast %swap3A_603 : vector<1x8x1x8x128xf32> to vector<8x8x128xf32>
    %swap3A_605 = vector.shape_cast %reshape3A_597 : vector<8x8x128xf32> to vector<1x8x1x8x128xf32>
    tpu.vector_store %arg2[%swap3A_598, %swap3A_599, %swap3A_600, %swap3A_601, %swap3A_602], %swap3A_605 {strides = array<i32>} : memref<4x8x32x8x128xf32, #tpu.memory_space<vmem>>, vector<1x8x1x8x128xf32>,
    %get3A_606 = arith.constant 1 : index
    %get3A_607 = arith.constant 768 : index
    %get3A_608 = arith.constant 0 : index
    %get3A_609 = vector.load %arg1[%get3A_606, %get3A_607, %get3A_608] : memref<4x4096x128xf32, #tpu.memory_space<vmem>>, vector<1x128x64xf32>
    %get3A_610 = vector.shape_cast %get3A_609 : vector<1x128x64xf32> to vector<128x64xf32>
    %dot_general3A_611 = arith.constant dense<0.000000e+00> : vector<64x128xf32>
    %dot_general3A_612 = tpu.matmul %get3A_610, %convert_element_type3A_1, %dot_general3A_611 {dimension_numbers = #tpu.dot_dimension_numbers<[0], [0], [1], [1], [0, 1, 1, 1], [], []>, transpose_lhs_hint = false} : vector<128x64xf32>, vector<128x128xf32>, vector<64x128xf32> -> vector<64x128xf32>
    %reshape3A_613 = vector.shape_cast %dot_general3A_612 : vector<64x128xf32> to vector<8x8x128xf32>
    %swap3A_614 = arith.constant 1 : index
    %swap3A_615 = arith.constant 0 : index
    %swap3A_616 = arith.constant 6 : index
    %swap3A_617 = arith.constant 0 : index
    %swap3A_618 = arith.constant 0 : index
    %swap3A_619 = vector.load %arg2[%swap3A_614, %swap3A_615, %swap3A_616, %swap3A_617, %swap3A_618] : memref<4x8x32x8x128xf32, #tpu.memory_space<vmem>>, vector<1x8x1x8x128xf32>
    %swap3A_620 = vector.shape_cast %swap3A_619 : vector<1x8x1x8x128xf32> to vector<8x8x128xf32>
    %swap3A_621 = vector.shape_cast %reshape3A_613 : vector<8x8x128xf32> to vector<1x8x1x8x128xf32>
    tpu.vector_store %arg2[%swap3A_614, %swap3A_615, %swap3A_616, %swap3A_617, %swap3A_618], %swap3A_621 {strides = array<i32>} : memref<4x8x32x8x128xf32, #tpu.memory_space<vmem>>, vector<1x8x1x8x128xf32>,
    %get3A_622 = arith.constant 1 : index
    %get3A_623 = arith.constant 896 : index
    %get3A_624 = arith.constant 0 : index
    %get3A_625 = vector.load %arg1[%get3A_622, %get3A_623, %get3A_624] : memref<4x4096x128xf32, #tpu.memory_space<vmem>>, vector<1x128x64xf32>
    %get3A_626 = vector.shape_cast %get3A_625 : vector<1x128x64xf32> to vector<128x64xf32>
    %dot_general3A_627 = arith.constant dense<0.000000e+00> : vector<64x128xf32>
    %dot_general3A_628 = tpu.matmul %get3A_626, %convert_element_type3A_1, %dot_general3A_627 {dimension_numbers = #tpu.dot_dimension_numbers<[0], [0], [1], [1], [0, 1, 1, 1], [], []>, transpose_lhs_hint = false} : vector<128x64xf32>, vector<128x128xf32>, vector<64x128xf32> -> vector<64x128xf32>
    %reshape3A_629 = vector.shape_cast %dot_general3A_628 : vector<64x128xf32> to vector<8x8x128xf32>
    %swap3A_630 = arith.constant 1 : index
    %swap3A_631 = arith.constant 0 : index
    %swap3A_632 = arith.constant 7 : index
    %swap3A_633 = arith.constant 0 : index
    %swap3A_634 = arith.constant 0 : index
    %swap3A_635 = vector.load %arg2[%swap3A_630, %swap3A_631, %swap3A_632, %swap3A_633, %swap3A_634] : memref<4x8x32x8x128xf32, #tpu.memory_space<vmem>>, vector<1x8x1x8x128xf32>
    %swap3A_636 = vector.shape_cast %swap3A_635 : vector<1x8x1x8x128xf32> to vector<8x8x128xf32>
    %swap3A_637 = vector.shape_cast %reshape3A_629 : vector<8x8x128xf32> to vector<1x8x1x8x128xf32>
    tpu.vector_store %arg2[%swap3A_630, %swap3A_631, %swap3A_632, %swap3A_633, %swap3A_634], %swap3A_637 {strides = array<i32>} : memref<4x8x32x8x128xf32, #tpu.memory_space<vmem>>, vector<1x8x1x8x128xf32>,
    %get3A_638 = arith.constant 1 : index
    %get3A_639 = arith.constant 1024 : index
    %get3A_640 = arith.constant 0 : index
    %get3A_641 = vector.load %arg1[%get3A_638, %get3A_639, %get3A_640] : memref<4x4096x128xf32, #tpu.memory_space<vmem>>, vector<1x128x64xf32>
    %get3A_642 = vector.shape_cast %get3A_641 : vector<1x128x64xf32> to vector<128x64xf32>
    %dot_general3A_643 = arith.constant dense<0.000000e+00> : vector<64x128xf32>
    %dot_general3A_644 = tpu.matmul %get3A_642, %convert_element_type3A_1, %dot_general3A_643 {dimension_numbers = #tpu.dot_dimension_numbers<[0], [0], [1], [1], [0, 1, 1, 1], [], []>, transpose_lhs_hint = false} : vector<128x64xf32>, vector<128x128xf32>, vector<64x128xf32> -> vector<64x128xf32>
    %reshape3A_645 = vector.shape_cast %dot_general3A_644 : vector<64x128xf32> to vector<8x8x128xf32>
    %swap3A_646 = arith.constant 1 : index
    %swap3A_647 = arith.constant 0 : index
    %swap3A_648 = arith.constant 8 : index
    %swap3A_649 = arith.constant 0 : index
    %swap3A_650 = arith.constant 0 : index
    %swap3A_651 = vector.load %arg2[%swap3A_646, %swap3A_647, %swap3A_648, %swap3A_649, %swap3A_650] : memref<4x8x32x8x128xf32, #tpu.memory_space<vmem>>, vector<1x8x1x8x128xf32>
    %swap3A_652 = vector.shape_cast %swap3A_651 : vector<1x8x1x8x128xf32> to vector<8x8x128xf32>
    %swap3A_653 = vector.shape_cast %reshape3A_645 : vector<8x8x128xf32> to vector<1x8x1x8x128xf32>
    tpu.vector_store %arg2[%swap3A_646, %swap3A_647, %swap3A_648, %swap3A_649, %swap3A_650], %swap3A_653 {strides = array<i32>} : memref<4x8x32x8x128xf32, #tpu.memory_space<vmem>>, vector<1x8x1x8x128xf32>,
    %get3A_654 = arith.constant 1 : index
    %get3A_655 = arith.constant 1152 : index
    %get3A_656 = arith.constant 0 : index
    %get3A_657 = vector.load %arg1[%get3A_654, %get3A_655, %get3A_656] : memref<4x4096x128xf32, #tpu.memory_space<vmem>>, vector<1x128x64xf32>
    %get3A_658 = vector.shape_cast %get3A_657 : vector<1x128x64xf32> to vector<128x64xf32>
    %dot_general3A_659 = arith.constant dense<0.000000e+00> : vector<64x128xf32>
    %dot_general3A_660 = tpu.matmul %get3A_658, %convert_element_type3A_1, %dot_general3A_659 {dimension_numbers = #tpu.dot_dimension_numbers<[0], [0], [1], [1], [0, 1, 1, 1], [], []>, transpose_lhs_hint = false} : vector<128x64xf32>, vector<128x128xf32>, vector<64x128xf32> -> vector<64x128xf32>
    %reshape3A_661 = vector.shape_cast %dot_general3A_660 : vector<64x128xf32> to vector<8x8x128xf32>
    %swap3A_662 = arith.constant 1 : index
    %swap3A_663 = arith.constant 0 : index
    %swap3A_664 = arith.constant 9 : index
    %swap3A_665 = arith.constant 0 : index
    %swap3A_666 = arith.constant 0 : index
    %swap3A_667 = vector.load %arg2[%swap3A_662, %swap3A_663, %swap3A_664, %swap3A_665, %swap3A_666] : memref<4x8x32x8x128xf32, #tpu.memory_space<vmem>>, vector<1x8x1x8x128xf32>
    %swap3A_668 = vector.shape_cast %swap3A_667 : vector<1x8x1x8x128xf32> to vector<8x8x128xf32>
    %swap3A_669 = vector.shape_cast %reshape3A_661 : vector<8x8x128xf32> to vector<1x8x1x8x128xf32>
    tpu.vector_store %arg2[%swap3A_662, %swap3A_663, %swap3A_664, %swap3A_665, %swap3A_666], %swap3A_669 {strides = array<i32>} : memref<4x8x32x8x128xf32, #tpu.memory_space<vmem>>, vector<1x8x1x8x128xf32>,
    %get3A_670 = arith.constant 1 : index
    %get3A_671 = arith.constant 1280 : index
    %get3A_672 = arith.constant 0 : index
    %get3A_673 = vector.load %arg1[%get3A_670, %get3A_671, %get3A_672] : memref<4x4096x128xf32, #tpu.memory_space<vmem>>, vector<1x128x64xf32>
    %get3A_674 = vector.shape_cast %get3A_673 : vector<1x128x64xf32> to vector<128x64xf32>
    %dot_general3A_675 = arith.constant dense<0.000000e+00> : vector<64x128xf32>
    %dot_general3A_676 = tpu.matmul %get3A_674, %convert_element_type3A_1, %dot_general3A_675 {dimension_numbers = #tpu.dot_dimension_numbers<[0], [0], [1], [1], [0, 1, 1, 1], [], []>, transpose_lhs_hint = false} : vector<128x64xf32>, vector<128x128xf32>, vector<64x128xf32> -> vector<64x128xf32>
    %reshape3A_677 = vector.shape_cast %dot_general3A_676 : vector<64x128xf32> to vector<8x8x128xf32>
    %swap3A_678 = arith.constant 1 : index
    %swap3A_679 = arith.constant 0 : index
    %swap3A_680 = arith.constant 10 : index
    %swap3A_681 = arith.constant 0 : index
    %swap3A_682 = arith.constant 0 : index
    %swap3A_683 = vector.load %arg2[%swap3A_678, %swap3A_679, %swap3A_680, %swap3A_681, %swap3A_682] : memref<4x8x32x8x128xf32, #tpu.memory_space<vmem>>, vector<1x8x1x8x128xf32>
    %swap3A_684 = vector.shape_cast %swap3A_683 : vector<1x8x1x8x128xf32> to vector<8x8x128xf32>
    %swap3A_685 = vector.shape_cast %reshape3A_677 : vector<8x8x128xf32> to vector<1x8x1x8x128xf32>
    tpu.vector_store %arg2[%swap3A_678, %swap3A_679, %swap3A_680, %swap3A_681, %swap3A_682], %swap3A_685 {strides = array<i32>} : memref<4x8x32x8x128xf32, #tpu.memory_space<vmem>>, vector<1x8x1x8x128xf32>,
    %get3A_686 = arith.constant 1 : index
    %get3A_687 = arith.constant 1408 : index
    %get3A_688 = arith.constant 0 : index
    %get3A_689 = vector.load %arg1[%get3A_686, %get3A_687, %get3A_688] : memref<4x4096x128xf32, #tpu.memory_space<vmem>>, vector<1x128x64xf32>
    %get3A_690 = vector.shape_cast %get3A_689 : vector<1x128x64xf32> to vector<128x64xf32>
    %dot_general3A_691 = arith.constant dense<0.000000e+00> : vector<64x128xf32>
    %dot_general3A_692 = tpu.matmul %get3A_690, %convert_element_type3A_1, %dot_general3A_691 {dimension_numbers = #tpu.dot_dimension_numbers<[0], [0], [1], [1], [0, 1, 1, 1], [], []>, transpose_lhs_hint = false} : vector<128x64xf32>, vector<128x128xf32>, vector<64x128xf32> -> vector<64x128xf32>
    %reshape3A_693 = vector.shape_cast %dot_general3A_692 : vector<64x128xf32> to vector<8x8x128xf32>
    %swap3A_694 = arith.constant 1 : index
    %swap3A_695 = arith.constant 0 : index
    %swap3A_696 = arith.constant 11 : index
    %swap3A_697 = arith.constant 0 : index
    %swap3A_698 = arith.constant 0 : index
    %swap3A_699 = vector.load %arg2[%swap3A_694, %swap3A_695, %swap3A_696, %swap3A_697, %swap3A_698] : memref<4x8x32x8x128xf32, #tpu.memory_space<vmem>>, vector<1x8x1x8x128xf32>
    %swap3A_700 = vector.shape_cast %swap3A_699 : vector<1x8x1x8x128xf32> to vector<8x8x128xf32>
    %swap3A_701 = vector.shape_cast %reshape3A_693 : vector<8x8x128xf32> to vector<1x8x1x8x128xf32>
    tpu.vector_store %arg2[%swap3A_694, %swap3A_695, %swap3A_696, %swap3A_697, %swap3A_698], %swap3A_701 {strides = array<i32>} : memref<4x8x32x8x128xf32, #tpu.memory_space<vmem>>, vector<1x8x1x8x128xf32>,
    %get3A_702 = arith.constant 1 : index
    %get3A_703 = arith.constant 1536 : index
    %get3A_704 = arith.constant 0 : index
    %get3A_705 = vector.load %arg1[%get3A_702, %get3A_703, %get3A_704] : memref<4x4096x128xf32, #tpu.memory_space<vmem>>, vector<1x128x64xf32>
    %get3A_706 = vector.shape_cast %get3A_705 : vector<1x128x64xf32> to vector<128x64xf32>
    %dot_general3A_707 = arith.constant dense<0.000000e+00> : vector<64x128xf32>
    %dot_general3A_708 = tpu.matmul %get3A_706, %convert_element_type3A_1, %dot_general3A_707 {dimension_numbers = #tpu.dot_dimension_numbers<[0], [0], [1], [1], [0, 1, 1, 1], [], []>, transpose_lhs_hint = false} : vector<128x64xf32>, vector<128x128xf32>, vector<64x128xf32> -> vector<64x128xf32>
    %reshape3A_709 = vector.shape_cast %dot_general3A_708 : vector<64x128xf32> to vector<8x8x128xf32>
    %swap3A_710 = arith.constant 1 : index
    %swap3A_711 = arith.constant 0 : index
    %swap3A_712 = arith.constant 12 : index
    %swap3A_713 = arith.constant 0 : index
    %swap3A_714 = arith.constant 0 : index
    %swap3A_715 = vector.load %arg2[%swap3A_710, %swap3A_711, %swap3A_712, %swap3A_713, %swap3A_714] : memref<4x8x32x8x128xf32, #tpu.memory_space<vmem>>, vector<1x8x1x8x128xf32>
    %swap3A_716 = vector.shape_cast %swap3A_715 : vector<1x8x1x8x128xf32> to vector<8x8x128xf32>
    %swap3A_717 = vector.shape_cast %reshape3A_709 : vector<8x8x128xf32> to vector<1x8x1x8x128xf32>
    tpu.vector_store %arg2[%swap3A_710, %swap3A_711, %swap3A_712, %swap3A_713, %swap3A_714], %swap3A_717 {strides = array<i32>} : memref<4x8x32x8x128xf32, #tpu.memory_space<vmem>>, vector<1x8x1x8x128xf32>,
    %get3A_718 = arith.constant 1 : index
    %get3A_719 = arith.constant 1664 : index
    %get3A_720 = arith.constant 0 : index
    %get3A_721 = vector.load %arg1[%get3A_718, %get3A_719, %get3A_720] : memref<4x4096x128xf32, #tpu.memory_space<vmem>>, vector<1x128x64xf32>
    %get3A_722 = vector.shape_cast %get3A_721 : vector<1x128x64xf32> to vector<128x64xf32>
    %dot_general3A_723 = arith.constant dense<0.000000e+00> : vector<64x128xf32>
    %dot_general3A_724 = tpu.matmul %get3A_722, %convert_element_type3A_1, %dot_general3A_723 {dimension_numbers = #tpu.dot_dimension_numbers<[0], [0], [1], [1], [0, 1, 1, 1], [], []>, transpose_lhs_hint = false} : vector<128x64xf32>, vector<128x128xf32>, vector<64x128xf32> -> vector<64x128xf32>
    %reshape3A_725 = vector.shape_cast %dot_general3A_724 : vector<64x128xf32> to vector<8x8x128xf32>
    %swap3A_726 = arith.constant 1 : index
    %swap3A_727 = arith.constant 0 : index
    %swap3A_728 = arith.constant 13 : index
    %swap3A_729 = arith.constant 0 : index
    %swap3A_730 = arith.constant 0 : index
    %swap3A_731 = vector.load %arg2[%swap3A_726, %swap3A_727, %swap3A_728, %swap3A_729, %swap3A_730] : memref<4x8x32x8x128xf32, #tpu.memory_space<vmem>>, vector<1x8x1x8x128xf32>
    %swap3A_732 = vector.shape_cast %swap3A_731 : vector<1x8x1x8x128xf32> to vector<8x8x128xf32>
    %swap3A_733 = vector.shape_cast %reshape3A_725 : vector<8x8x128xf32> to vector<1x8x1x8x128xf32>
    tpu.vector_store %arg2[%swap3A_726, %swap3A_727, %swap3A_728, %swap3A_729, %swap3A_730], %swap3A_733 {strides = array<i32>} : memref<4x8x32x8x128xf32, #tpu.memory_space<vmem>>, vector<1x8x1x8x128xf32>,
    %get3A_734 = arith.constant 1 : index
    %get3A_735 = arith.constant 1792 : index
    %get3A_736 = arith.constant 0 : index
    %get3A_737 = vector.load %arg1[%get3A_734, %get3A_735, %get3A_736] : memref<4x4096x128xf32, #tpu.memory_space<vmem>>, vector<1x128x64xf32>
    %get3A_738 = vector.shape_cast %get3A_737 : vector<1x128x64xf32> to vector<128x64xf32>
    %dot_general3A_739 = arith.constant dense<0.000000e+00> : vector<64x128xf32>
    %dot_general3A_740 = tpu.matmul %get3A_738, %convert_element_type3A_1, %dot_general3A_739 {dimension_numbers = #tpu.dot_dimension_numbers<[0], [0], [1], [1], [0, 1, 1, 1], [], []>, transpose_lhs_hint = false} : vector<128x64xf32>, vector<128x128xf32>, vector<64x128xf32> -> vector<64x128xf32>
    %reshape3A_741 = vector.shape_cast %dot_general3A_740 : vector<64x128xf32> to vector<8x8x128xf32>
    %swap3A_742 = arith.constant 1 : index
    %swap3A_743 = arith.constant 0 : index
    %swap3A_744 = arith.constant 14 : index
    %swap3A_745 = arith.constant 0 : index
    %swap3A_746 = arith.constant 0 : index
    %swap3A_747 = vector.load %arg2[%swap3A_742, %swap3A_743, %swap3A_744, %swap3A_745, %swap3A_746] : memref<4x8x32x8x128xf32, #tpu.memory_space<vmem>>, vector<1x8x1x8x128xf32>
    %swap3A_748 = vector.shape_cast %swap3A_747 : vector<1x8x1x8x128xf32> to vector<8x8x128xf32>
    %swap3A_749 = vector.shape_cast %reshape3A_741 : vector<8x8x128xf32> to vector<1x8x1x8x128xf32>
    tpu.vector_store %arg2[%swap3A_742, %swap3A_743, %swap3A_744, %swap3A_745, %swap3A_746], %swap3A_749 {strides = array<i32>} : memref<4x8x32x8x128xf32, #tpu.memory_space<vmem>>, vector<1x8x1x8x128xf32>,
    %get3A_750 = arith.constant 1 : index
    %get3A_751 = arith.constant 1920 : index
    %get3A_752 = arith.constant 0 : index
    %get3A_753 = vector.load %arg1[%get3A_750, %get3A_751, %get3A_752] : memref<4x4096x128xf32, #tpu.memory_space<vmem>>, vector<1x128x64xf32>
    %get3A_754 = vector.shape_cast %get3A_753 : vector<1x128x64xf32> to vector<128x64xf32>
    %dot_general3A_755 = arith.constant dense<0.000000e+00> : vector<64x128xf32>
    %dot_general3A_756 = tpu.matmul %get3A_754, %convert_element_type3A_1, %dot_general3A_755 {dimension_numbers = #tpu.dot_dimension_numbers<[0], [0], [1], [1], [0, 1, 1, 1], [], []>, transpose_lhs_hint = false} : vector<128x64xf32>, vector<128x128xf32>, vector<64x128xf32> -> vector<64x128xf32>
    %reshape3A_757 = vector.shape_cast %dot_general3A_756 : vector<64x128xf32> to vector<8x8x128xf32>
    %swap3A_758 = arith.constant 1 : index
    %swap3A_759 = arith.constant 0 : index
    %swap3A_760 = arith.constant 15 : index
    %swap3A_761 = arith.constant 0 : index
    %swap3A_762 = arith.constant 0 : index
    %swap3A_763 = vector.load %arg2[%swap3A_758, %swap3A_759, %swap3A_760, %swap3A_761, %swap3A_762] : memref<4x8x32x8x128xf32, #tpu.memory_space<vmem>>, vector<1x8x1x8x128xf32>
    %swap3A_764 = vector.shape_cast %swap3A_763 : vector<1x8x1x8x128xf32> to vector<8x8x128xf32>
    %swap3A_765 = vector.shape_cast %reshape3A_757 : vector<8x8x128xf32> to vector<1x8x1x8x128xf32>
    tpu.vector_store %arg2[%swap3A_758, %swap3A_759, %swap3A_760, %swap3A_761, %swap3A_762], %swap3A_765 {strides = array<i32>} : memref<4x8x32x8x128xf32, #tpu.memory_space<vmem>>, vector<1x8x1x8x128xf32>,
    %get3A_766 = arith.constant 1 : index
    %get3A_767 = arith.constant 2048 : index
    %get3A_768 = arith.constant 0 : index
    %get3A_769 = vector.load %arg1[%get3A_766, %get3A_767, %get3A_768] : memref<4x4096x128xf32, #tpu.memory_space<vmem>>, vector<1x128x64xf32>
    %get3A_770 = vector.shape_cast %get3A_769 : vector<1x128x64xf32> to vector<128x64xf32>
    %dot_general3A_771 = arith.constant dense<0.000000e+00> : vector<64x128xf32>
    %dot_general3A_772 = tpu.matmul %get3A_770, %convert_element_type3A_1, %dot_general3A_771 {dimension_numbers = #tpu.dot_dimension_numbers<[0], [0], [1], [1], [0, 1, 1, 1], [], []>, transpose_lhs_hint = false} : vector<128x64xf32>, vector<128x128xf32>, vector<64x128xf32> -> vector<64x128xf32>
    %reshape3A_773 = vector.shape_cast %dot_general3A_772 : vector<64x128xf32> to vector<8x8x128xf32>
    %swap3A_774 = arith.constant 1 : index
    %swap3A_775 = arith.constant 0 : index
    %swap3A_776 = arith.constant 16 : index
    %swap3A_777 = arith.constant 0 : index
    %swap3A_778 = arith.constant 0 : index
    %swap3A_779 = vector.load %arg2[%swap3A_774, %swap3A_775, %swap3A_776, %swap3A_777, %swap3A_778] : memref<4x8x32x8x128xf32, #tpu.memory_space<vmem>>, vector<1x8x1x8x128xf32>
    %swap3A_780 = vector.shape_cast %swap3A_779 : vector<1x8x1x8x128xf32> to vector<8x8x128xf32>
    %swap3A_781 = vector.shape_cast %reshape3A_773 : vector<8x8x128xf32> to vector<1x8x1x8x128xf32>
    tpu.vector_store %arg2[%swap3A_774, %swap3A_775, %swap3A_776, %swap3A_777, %swap3A_778], %swap3A_781 {strides = array<i32>} : memref<4x8x32x8x128xf32, #tpu.memory_space<vmem>>, vector<1x8x1x8x128xf32>,
    %get3A_782 = arith.constant 1 : index
    %get3A_783 = arith.constant 2176 : index
    %get3A_784 = arith.constant 0 : index
    %get3A_785 = vector.load %arg1[%get3A_782, %get3A_783, %get3A_784] : memref<4x4096x128xf32, #tpu.memory_space<vmem>>, vector<1x128x64xf32>
    %get3A_786 = vector.shape_cast %get3A_785 : vector<1x128x64xf32> to vector<128x64xf32>
    %dot_general3A_787 = arith.constant dense<0.000000e+00> : vector<64x128xf32>
    %dot_general3A_788 = tpu.matmul %get3A_786, %convert_element_type3A_1, %dot_general3A_787 {dimension_numbers = #tpu.dot_dimension_numbers<[0], [0], [1], [1], [0, 1, 1, 1], [], []>, transpose_lhs_hint = false} : vector<128x64xf32>, vector<128x128xf32>, vector<64x128xf32> -> vector<64x128xf32>
    %reshape3A_789 = vector.shape_cast %dot_general3A_788 : vector<64x128xf32> to vector<8x8x128xf32>
    %swap3A_790 = arith.constant 1 : index
    %swap3A_791 = arith.constant 0 : index
    %swap3A_792 = arith.constant 17 : index
    %swap3A_793 = arith.constant 0 : index
    %swap3A_794 = arith.constant 0 : index
    %swap3A_795 = vector.load %arg2[%swap3A_790, %swap3A_791, %swap3A_792, %swap3A_793, %swap3A_794] : memref<4x8x32x8x128xf32, #tpu.memory_space<vmem>>, vector<1x8x1x8x128xf32>
    %swap3A_796 = vector.shape_cast %swap3A_795 : vector<1x8x1x8x128xf32> to vector<8x8x128xf32>
    %swap3A_797 = vector.shape_cast %reshape3A_789 : vector<8x8x128xf32> to vector<1x8x1x8x128xf32>
    tpu.vector_store %arg2[%swap3A_790, %swap3A_791, %swap3A_792, %swap3A_793, %swap3A_794], %swap3A_797 {strides = array<i32>} : memref<4x8x32x8x128xf32, #tpu.memory_space<vmem>>, vector<1x8x1x8x128xf32>,
    %get3A_798 = arith.constant 1 : index
    %get3A_799 = arith.constant 2304 : index
    %get3A_800 = arith.constant 0 : index
    %get3A_801 = vector.load %arg1[%get3A_798, %get3A_799, %get3A_800] : memref<4x4096x128xf32, #tpu.memory_space<vmem>>, vector<1x128x64xf32>
    %get3A_802 = vector.shape_cast %get3A_801 : vector<1x128x64xf32> to vector<128x64xf32>
    %dot_general3A_803 = arith.constant dense<0.000000e+00> : vector<64x128xf32>
    %dot_general3A_804 = tpu.matmul %get3A_802, %convert_element_type3A_1, %dot_general3A_803 {dimension_numbers = #tpu.dot_dimension_numbers<[0], [0], [1], [1], [0, 1, 1, 1], [], []>, transpose_lhs_hint = false} : vector<128x64xf32>, vector<128x128xf32>, vector<64x128xf32> -> vector<64x128xf32>
    %reshape3A_805 = vector.shape_cast %dot_general3A_804 : vector<64x128xf32> to vector<8x8x128xf32>
    %swap3A_806 = arith.constant 1 : index
    %swap3A_807 = arith.constant 0 : index
    %swap3A_808 = arith.constant 18 : index
    %swap3A_809 = arith.constant 0 : index
    %swap3A_810 = arith.constant 0 : index
    %swap3A_811 = vector.load %arg2[%swap3A_806, %swap3A_807, %swap3A_808, %swap3A_809, %swap3A_810] : memref<4x8x32x8x128xf32, #tpu.memory_space<vmem>>, vector<1x8x1x8x128xf32>
    %swap3A_812 = vector.shape_cast %swap3A_811 : vector<1x8x1x8x128xf32> to vector<8x8x128xf32>
    %swap3A_813 = vector.shape_cast %reshape3A_805 : vector<8x8x128xf32> to vector<1x8x1x8x128xf32>
    tpu.vector_store %arg2[%swap3A_806, %swap3A_807, %swap3A_808, %swap3A_809, %swap3A_810], %swap3A_813 {strides = array<i32>} : memref<4x8x32x8x128xf32, #tpu.memory_space<vmem>>, vector<1x8x1x8x128xf32>,
    %get3A_814 = arith.constant 1 : index
    %get3A_815 = arith.constant 2432 : index
    %get3A_816 = arith.constant 0 : index
    %get3A_817 = vector.load %arg1[%get3A_814, %get3A_815, %get3A_816] : memref<4x4096x128xf32, #tpu.memory_space<vmem>>, vector<1x128x64xf32>
    %get3A_818 = vector.shape_cast %get3A_817 : vector<1x128x64xf32> to vector<128x64xf32>
    %dot_general3A_819 = arith.constant dense<0.000000e+00> : vector<64x128xf32>
    %dot_general3A_820 = tpu.matmul %get3A_818, %convert_element_type3A_1, %dot_general3A_819 {dimension_numbers = #tpu.dot_dimension_numbers<[0], [0], [1], [1], [0, 1, 1, 1], [], []>, transpose_lhs_hint = false} : vector<128x64xf32>, vector<128x128xf32>, vector<64x128xf32> -> vector<64x128xf32>
    %reshape3A_821 = vector.shape_cast %dot_general3A_820 : vector<64x128xf32> to vector<8x8x128xf32>
    %swap3A_822 = arith.constant 1 : index
    %swap3A_823 = arith.constant 0 : index
    %swap3A_824 = arith.constant 19 : index
    %swap3A_825 = arith.constant 0 : index
    %swap3A_826 = arith.constant 0 : index
    %swap3A_827 = vector.load %arg2[%swap3A_822, %swap3A_823, %swap3A_824, %swap3A_825, %swap3A_826] : memref<4x8x32x8x128xf32, #tpu.memory_space<vmem>>, vector<1x8x1x8x128xf32>
    %swap3A_828 = vector.shape_cast %swap3A_827 : vector<1x8x1x8x128xf32> to vector<8x8x128xf32>
    %swap3A_829 = vector.shape_cast %reshape3A_821 : vector<8x8x128xf32> to vector<1x8x1x8x128xf32>
    tpu.vector_store %arg2[%swap3A_822, %swap3A_823, %swap3A_824, %swap3A_825, %swap3A_826], %swap3A_829 {strides = array<i32>} : memref<4x8x32x8x128xf32, #tpu.memory_space<vmem>>, vector<1x8x1x8x128xf32>,
    %get3A_830 = arith.constant 1 : index
    %get3A_831 = arith.constant 2560 : index
    %get3A_832 = arith.constant 0 : index
    %get3A_833 = vector.load %arg1[%get3A_830, %get3A_831, %get3A_832] : memref<4x4096x128xf32, #tpu.memory_space<vmem>>, vector<1x128x64xf32>
    %get3A_834 = vector.shape_cast %get3A_833 : vector<1x128x64xf32> to vector<128x64xf32>
    %dot_general3A_835 = arith.constant dense<0.000000e+00> : vector<64x128xf32>
    %dot_general3A_836 = tpu.matmul %get3A_834, %convert_element_type3A_1, %dot_general3A_835 {dimension_numbers = #tpu.dot_dimension_numbers<[0], [0], [1], [1], [0, 1, 1, 1], [], []>, transpose_lhs_hint = false} : vector<128x64xf32>, vector<128x128xf32>, vector<64x128xf32> -> vector<64x128xf32>
    %reshape3A_837 = vector.shape_cast %dot_general3A_836 : vector<64x128xf32> to vector<8x8x128xf32>
    %swap3A_838 = arith.constant 1 : index
    %swap3A_839 = arith.constant 0 : index
    %swap3A_840 = arith.constant 20 : index
    %swap3A_841 = arith.constant 0 : index
    %swap3A_842 = arith.constant 0 : index
    %swap3A_843 = vector.load %arg2[%swap3A_838, %swap3A_839, %swap3A_840, %swap3A_841, %swap3A_842] : memref<4x8x32x8x128xf32, #tpu.memory_space<vmem>>, vector<1x8x1x8x128xf32>
    %swap3A_844 = vector.shape_cast %swap3A_843 : vector<1x8x1x8x128xf32> to vector<8x8x128xf32>
    %swap3A_845 = vector.shape_cast %reshape3A_837 : vector<8x8x128xf32> to vector<1x8x1x8x128xf32>
    tpu.vector_store %arg2[%swap3A_838, %swap3A_839, %swap3A_840, %swap3A_841, %swap3A_842], %swap3A_845 {strides = array<i32>} : memref<4x8x32x8x128xf32, #tpu.memory_space<vmem>>, vector<1x8x1x8x128xf32>,
    %get3A_846 = arith.constant 1 : index
    %get3A_847 = arith.constant 2688 : index
    %get3A_848 = arith.constant 0 : index
    %get3A_849 = vector.load %arg1[%get3A_846, %get3A_847, %get3A_848] : memref<4x4096x128xf32, #tpu.memory_space<vmem>>, vector<1x128x64xf32>
    %get3A_850 = vector.shape_cast %get3A_849 : vector<1x128x64xf32> to vector<128x64xf32>
    %dot_general3A_851 = arith.constant dense<0.000000e+00> : vector<64x128xf32>
    %dot_general3A_852 = tpu.matmul %get3A_850, %convert_element_type3A_1, %dot_general3A_851 {dimension_numbers = #tpu.dot_dimension_numbers<[0], [0], [1], [1], [0, 1, 1, 1], [], []>, transpose_lhs_hint = false} : vector<128x64xf32>, vector<128x128xf32>, vector<64x128xf32> -> vector<64x128xf32>
    %reshape3A_853 = vector.shape_cast %dot_general3A_852 : vector<64x128xf32> to vector<8x8x128xf32>
    %swap3A_854 = arith.constant 1 : index
    %swap3A_855 = arith.constant 0 : index
    %swap3A_856 = arith.constant 21 : index
    %swap3A_857 = arith.constant 0 : index
    %swap3A_858 = arith.constant 0 : index
    %swap3A_859 = vector.load %arg2[%swap3A_854, %swap3A_855, %swap3A_856, %swap3A_857, %swap3A_858] : memref<4x8x32x8x128xf32, #tpu.memory_space<vmem>>, vector<1x8x1x8x128xf32>
    %swap3A_860 = vector.shape_cast %swap3A_859 : vector<1x8x1x8x128xf32> to vector<8x8x128xf32>
    %swap3A_861 = vector.shape_cast %reshape3A_853 : vector<8x8x128xf32> to vector<1x8x1x8x128xf32>
    tpu.vector_store %arg2[%swap3A_854, %swap3A_855, %swap3A_856, %swap3A_857, %swap3A_858], %swap3A_861 {strides = array<i32>} : memref<4x8x32x8x128xf32, #tpu.memory_space<vmem>>, vector<1x8x1x8x128xf32>,
    %get3A_862 = arith.constant 1 : index
    %get3A_863 = arith.constant 2816 : index
    %get3A_864 = arith.constant 0 : index
    %get3A_865 = vector.load %arg1[%get3A_862, %get3A_863, %get3A_864] : memref<4x4096x128xf32, #tpu.memory_space<vmem>>, vector<1x128x64xf32>
    %get3A_866 = vector.shape_cast %get3A_865 : vector<1x128x64xf32> to vector<128x64xf32>
    %dot_general3A_867 = arith.constant dense<0.000000e+00> : vector<64x128xf32>
    %dot_general3A_868 = tpu.matmul %get3A_866, %convert_element_type3A_1, %dot_general3A_867 {dimension_numbers = #tpu.dot_dimension_numbers<[0], [0], [1], [1], [0, 1, 1, 1], [], []>, transpose_lhs_hint = false} : vector<128x64xf32>, vector<128x128xf32>, vector<64x128xf32> -> vector<64x128xf32>
    %reshape3A_869 = vector.shape_cast %dot_general3A_868 : vector<64x128xf32> to vector<8x8x128xf32>
    %swap3A_870 = arith.constant 1 : index
    %swap3A_871 = arith.constant 0 : index
    %swap3A_872 = arith.constant 22 : index
    %swap3A_873 = arith.constant 0 : index
    %swap3A_874 = arith.constant 0 : index
    %swap3A_875 = vector.load %arg2[%swap3A_870, %swap3A_871, %swap3A_872, %swap3A_873, %swap3A_874] : memref<4x8x32x8x128xf32, #tpu.memory_space<vmem>>, vector<1x8x1x8x128xf32>
    %swap3A_876 = vector.shape_cast %swap3A_875 : vector<1x8x1x8x128xf32> to vector<8x8x128xf32>
    %swap3A_877 = vector.shape_cast %reshape3A_869 : vector<8x8x128xf32> to vector<1x8x1x8x128xf32>
    tpu.vector_store %arg2[%swap3A_870, %swap3A_871, %swap3A_872, %swap3A_873, %swap3A_874], %swap3A_877 {strides = array<i32>} : memref<4x8x32x8x128xf32, #tpu.memory_space<vmem>>, vector<1x8x1x8x128xf32>,
    %get3A_878 = arith.constant 1 : index
    %get3A_879 = arith.constant 2944 : index
    %get3A_880 = arith.constant 0 : index
    %get3A_881 = vector.load %arg1[%get3A_878, %get3A_879, %get3A_880] : memref<4x4096x128xf32, #tpu.memory_space<vmem>>, vector<1x128x64xf32>
    %get3A_882 = vector.shape_cast %get3A_881 : vector<1x128x64xf32> to vector<128x64xf32>
    %dot_general3A_883 = arith.constant dense<0.000000e+00> : vector<64x128xf32>
    %dot_general3A_884 = tpu.matmul %get3A_882, %convert_element_type3A_1, %dot_general3A_883 {dimension_numbers = #tpu.dot_dimension_numbers<[0], [0], [1], [1], [0, 1, 1, 1], [], []>, transpose_lhs_hint = false} : vector<128x64xf32>, vector<128x128xf32>, vector<64x128xf32> -> vector<64x128xf32>
    %reshape3A_885 = vector.shape_cast %dot_general3A_884 : vector<64x128xf32> to vector<8x8x128xf32>
    %swap3A_886 = arith.constant 1 : index
    %swap3A_887 = arith.constant 0 : index
    %swap3A_888 = arith.constant 23 : index
    %swap3A_889 = arith.constant 0 : index
    %swap3A_890 = arith.constant 0 : index
    %swap3A_891 = vector.load %arg2[%swap3A_886, %swap3A_887, %swap3A_888, %swap3A_889, %swap3A_890] : memref<4x8x32x8x128xf32, #tpu.memory_space<vmem>>, vector<1x8x1x8x128xf32>
    %swap3A_892 = vector.shape_cast %swap3A_891 : vector<1x8x1x8x128xf32> to vector<8x8x128xf32>
    %swap3A_893 = vector.shape_cast %reshape3A_885 : vector<8x8x128xf32> to vector<1x8x1x8x128xf32>
    tpu.vector_store %arg2[%swap3A_886, %swap3A_887, %swap3A_888, %swap3A_889, %swap3A_890], %swap3A_893 {strides = array<i32>} : memref<4x8x32x8x128xf32, #tpu.memory_space<vmem>>, vector<1x8x1x8x128xf32>,
    %get3A_894 = arith.constant 1 : index
    %get3A_895 = arith.constant 3072 : index
    %get3A_896 = arith.constant 0 : index
    %get3A_897 = vector.load %arg1[%get3A_894, %get3A_895, %get3A_896] : memref<4x4096x128xf32, #tpu.memory_space<vmem>>, vector<1x128x64xf32>
    %get3A_898 = vector.shape_cast %get3A_897 : vector<1x128x64xf32> to vector<128x64xf32>
    %dot_general3A_899 = arith.constant dense<0.000000e+00> : vector<64x128xf32>
    %dot_general3A_900 = tpu.matmul %get3A_898, %convert_element_type3A_1, %dot_general3A_899 {dimension_numbers = #tpu.dot_dimension_numbers<[0], [0], [1], [1], [0, 1, 1, 1], [], []>, transpose_lhs_hint = false} : vector<128x64xf32>, vector<128x128xf32>, vector<64x128xf32> -> vector<64x128xf32>
    %reshape3A_901 = vector.shape_cast %dot_general3A_900 : vector<64x128xf32> to vector<8x8x128xf32>
    %swap3A_902 = arith.constant 1 : index
    %swap3A_903 = arith.constant 0 : index
    %swap3A_904 = arith.constant 24 : index
    %swap3A_905 = arith.constant 0 : index
    %swap3A_906 = arith.constant 0 : index
    %swap3A_907 = vector.load %arg2[%swap3A_902, %swap3A_903, %swap3A_904, %swap3A_905, %swap3A_906] : memref<4x8x32x8x128xf32, #tpu.memory_space<vmem>>, vector<1x8x1x8x128xf32>
    %swap3A_908 = vector.shape_cast %swap3A_907 : vector<1x8x1x8x128xf32> to vector<8x8x128xf32>
    %swap3A_909 = vector.shape_cast %reshape3A_901 : vector<8x8x128xf32> to vector<1x8x1x8x128xf32>
    tpu.vector_store %arg2[%swap3A_902, %swap3A_903, %swap3A_904, %swap3A_905, %swap3A_906], %swap3A_909 {strides = array<i32>} : memref<4x8x32x8x128xf32, #tpu.memory_space<vmem>>, vector<1x8x1x8x128xf32>,
    %get3A_910 = arith.constant 1 : index
    %get3A_911 = arith.constant 3200 : index
    %get3A_912 = arith.constant 0 : index
    %get3A_913 = vector.load %arg1[%get3A_910, %get3A_911, %get3A_912] : memref<4x4096x128xf32, #tpu.memory_space<vmem>>, vector<1x128x64xf32>
    %get3A_914 = vector.shape_cast %get3A_913 : vector<1x128x64xf32> to vector<128x64xf32>
    %dot_general3A_915 = arith.constant dense<0.000000e+00> : vector<64x128xf32>
    %dot_general3A_916 = tpu.matmul %get3A_914, %convert_element_type3A_1, %dot_general3A_915 {dimension_numbers = #tpu.dot_dimension_numbers<[0], [0], [1], [1], [0, 1, 1, 1], [], []>, transpose_lhs_hint = false} : vector<128x64xf32>, vector<128x128xf32>, vector<64x128xf32> -> vector<64x128xf32>
    %reshape3A_917 = vector.shape_cast %dot_general3A_916 : vector<64x128xf32> to vector<8x8x128xf32>
    %swap3A_918 = arith.constant 1 : index
    %swap3A_919 = arith.constant 0 : index
    %swap3A_920 = arith.constant 25 : index
    %swap3A_921 = arith.constant 0 : index
    %swap3A_922 = arith.constant 0 : index
    %swap3A_923 = vector.load %arg2[%swap3A_918, %swap3A_919, %swap3A_920, %swap3A_921, %swap3A_922] : memref<4x8x32x8x128xf32, #tpu.memory_space<vmem>>, vector<1x8x1x8x128xf32>
    %swap3A_924 = vector.shape_cast %swap3A_923 : vector<1x8x1x8x128xf32> to vector<8x8x128xf32>
    %swap3A_925 = vector.shape_cast %reshape3A_917 : vector<8x8x128xf32> to vector<1x8x1x8x128xf32>
    tpu.vector_store %arg2[%swap3A_918, %swap3A_919, %swap3A_920, %swap3A_921, %swap3A_922], %swap3A_925 {strides = array<i32>} : memref<4x8x32x8x128xf32, #tpu.memory_space<vmem>>, vector<1x8x1x8x128xf32>,
    %get3A_926 = arith.constant 1 : index
    %get3A_927 = arith.constant 3328 : index
    %get3A_928 = arith.constant 0 : index
    %get3A_929 = vector.load %arg1[%get3A_926, %get3A_927, %get3A_928] : memref<4x4096x128xf32, #tpu.memory_space<vmem>>, vector<1x128x64xf32>
    %get3A_930 = vector.shape_cast %get3A_929 : vector<1x128x64xf32> to vector<128x64xf32>
    %dot_general3A_931 = arith.constant dense<0.000000e+00> : vector<64x128xf32>
    %dot_general3A_932 = tpu.matmul %get3A_930, %convert_element_type3A_1, %dot_general3A_931 {dimension_numbers = #tpu.dot_dimension_numbers<[0], [0], [1], [1], [0, 1, 1, 1], [], []>, transpose_lhs_hint = false} : vector<128x64xf32>, vector<128x128xf32>, vector<64x128xf32> -> vector<64x128xf32>
    %reshape3A_933 = vector.shape_cast %dot_general3A_932 : vector<64x128xf32> to vector<8x8x128xf32>
    %swap3A_934 = arith.constant 1 : index
    %swap3A_935 = arith.constant 0 : index
    %swap3A_936 = arith.constant 26 : index
    %swap3A_937 = arith.constant 0 : index
    %swap3A_938 = arith.constant 0 : index
    %swap3A_939 = vector.load %arg2[%swap3A_934, %swap3A_935, %swap3A_936, %swap3A_937, %swap3A_938] : memref<4x8x32x8x128xf32, #tpu.memory_space<vmem>>, vector<1x8x1x8x128xf32>
    %swap3A_940 = vector.shape_cast %swap3A_939 : vector<1x8x1x8x128xf32> to vector<8x8x128xf32>
    %swap3A_941 = vector.shape_cast %reshape3A_933 : vector<8x8x128xf32> to vector<1x8x1x8x128xf32>
    tpu.vector_store %arg2[%swap3A_934, %swap3A_935, %swap3A_936, %swap3A_937, %swap3A_938], %swap3A_941 {strides = array<i32>} : memref<4x8x32x8x128xf32, #tpu.memory_space<vmem>>, vector<1x8x1x8x128xf32>,
    %get3A_942 = arith.constant 1 : index
    %get3A_943 = arith.constant 3456 : index
    %get3A_944 = arith.constant 0 : index
    %get3A_945 = vector.load %arg1[%get3A_942, %get3A_943, %get3A_944] : memref<4x4096x128xf32, #tpu.memory_space<vmem>>, vector<1x128x64xf32>
    %get3A_946 = vector.shape_cast %get3A_945 : vector<1x128x64xf32> to vector<128x64xf32>
    %dot_general3A_947 = arith.constant dense<0.000000e+00> : vector<64x128xf32>
    %dot_general3A_948 = tpu.matmul %get3A_946, %convert_element_type3A_1, %dot_general3A_947 {dimension_numbers = #tpu.dot_dimension_numbers<[0], [0], [1], [1], [0, 1, 1, 1], [], []>, transpose_lhs_hint = false} : vector<128x64xf32>, vector<128x128xf32>, vector<64x128xf32> -> vector<64x128xf32>
    %reshape3A_949 = vector.shape_cast %dot_general3A_948 : vector<64x128xf32> to vector<8x8x128xf32>
    %swap3A_950 = arith.constant 1 : index
    %swap3A_951 = arith.constant 0 : index
    %swap3A_952 = arith.constant 27 : index
    %swap3A_953 = arith.constant 0 : index
    %swap3A_954 = arith.constant 0 : index
    %swap3A_955 = vector.load %arg2[%swap3A_950, %swap3A_951, %swap3A_952, %swap3A_953, %swap3A_954] : memref<4x8x32x8x128xf32, #tpu.memory_space<vmem>>, vector<1x8x1x8x128xf32>
    %swap3A_956 = vector.shape_cast %swap3A_955 : vector<1x8x1x8x128xf32> to vector<8x8x128xf32>
    %swap3A_957 = vector.shape_cast %reshape3A_949 : vector<8x8x128xf32> to vector<1x8x1x8x128xf32>
    tpu.vector_store %arg2[%swap3A_950, %swap3A_951, %swap3A_952, %swap3A_953, %swap3A_954], %swap3A_957 {strides = array<i32>} : memref<4x8x32x8x128xf32, #tpu.memory_space<vmem>>, vector<1x8x1x8x128xf32>,
    %get3A_958 = arith.constant 1 : index
    %get3A_959 = arith.constant 3584 : index
    %get3A_960 = arith.constant 0 : index
    %get3A_961 = vector.load %arg1[%get3A_958, %get3A_959, %get3A_960] : memref<4x4096x128xf32, #tpu.memory_space<vmem>>, vector<1x128x64xf32>
    %get3A_962 = vector.shape_cast %get3A_961 : vector<1x128x64xf32> to vector<128x64xf32>
    %dot_general3A_963 = arith.constant dense<0.000000e+00> : vector<64x128xf32>
    %dot_general3A_964 = tpu.matmul %get3A_962, %convert_element_type3A_1, %dot_general3A_963 {dimension_numbers = #tpu.dot_dimension_numbers<[0], [0], [1], [1], [0, 1, 1, 1], [], []>, transpose_lhs_hint = false} : vector<128x64xf32>, vector<128x128xf32>, vector<64x128xf32> -> vector<64x128xf32>
    %reshape3A_965 = vector.shape_cast %dot_general3A_964 : vector<64x128xf32> to vector<8x8x128xf32>
    %swap3A_966 = arith.constant 1 : index
    %swap3A_967 = arith.constant 0 : index
    %swap3A_968 = arith.constant 28 : index
    %swap3A_969 = arith.constant 0 : index
    %swap3A_970 = arith.constant 0 : index
    %swap3A_971 = vector.load %arg2[%swap3A_966, %swap3A_967, %swap3A_968, %swap3A_969, %swap3A_970] : memref<4x8x32x8x128xf32, #tpu.memory_space<vmem>>, vector<1x8x1x8x128xf32>
    %swap3A_972 = vector.shape_cast %swap3A_971 : vector<1x8x1x8x128xf32> to vector<8x8x128xf32>
    %swap3A_973 = vector.shape_cast %reshape3A_965 : vector<8x8x128xf32> to vector<1x8x1x8x128xf32>
    tpu.vector_store %arg2[%swap3A_966, %swap3A_967, %swap3A_968, %swap3A_969, %swap3A_970], %swap3A_973 {strides = array<i32>} : memref<4x8x32x8x128xf32, #tpu.memory_space<vmem>>, vector<1x8x1x8x128xf32>,
    %get3A_974 = arith.constant 1 : index
    %get3A_975 = arith.constant 3712 : index
    %get3A_976 = arith.constant 0 : index
    %get3A_977 = vector.load %arg1[%get3A_974, %get3A_975, %get3A_976] : memref<4x4096x128xf32, #tpu.memory_space<vmem>>, vector<1x128x64xf32>
    %get3A_978 = vector.shape_cast %get3A_977 : vector<1x128x64xf32> to vector<128x64xf32>
    %dot_general3A_979 = arith.constant dense<0.000000e+00> : vector<64x128xf32>
    %dot_general3A_980 = tpu.matmul %get3A_978, %convert_element_type3A_1, %dot_general3A_979 {dimension_numbers = #tpu.dot_dimension_numbers<[0], [0], [1], [1], [0, 1, 1, 1], [], []>, transpose_lhs_hint = false} : vector<128x64xf32>, vector<128x128xf32>, vector<64x128xf32> -> vector<64x128xf32>
    %reshape3A_981 = vector.shape_cast %dot_general3A_980 : vector<64x128xf32> to vector<8x8x128xf32>
    %swap3A_982 = arith.constant 1 : index
    %swap3A_983 = arith.constant 0 : index
    %swap3A_984 = arith.constant 29 : index
    %swap3A_985 = arith.constant 0 : index
    %swap3A_986 = arith.constant 0 : index
    %swap3A_987 = vector.load %arg2[%swap3A_982, %swap3A_983, %swap3A_984, %swap3A_985, %swap3A_986] : memref<4x8x32x8x128xf32, #tpu.memory_space<vmem>>, vector<1x8x1x8x128xf32>
    %swap3A_988 = vector.shape_cast %swap3A_987 : vector<1x8x1x8x128xf32> to vector<8x8x128xf32>
    %swap3A_989 = vector.shape_cast %reshape3A_981 : vector<8x8x128xf32> to vector<1x8x1x8x128xf32>
    tpu.vector_store %arg2[%swap3A_982, %swap3A_983, %swap3A_984, %swap3A_985, %swap3A_986], %swap3A_989 {strides = array<i32>} : memref<4x8x32x8x128xf32, #tpu.memory_space<vmem>>, vector<1x8x1x8x128xf32>,
    %get3A_990 = arith.constant 1 : index
    %get3A_991 = arith.constant 3840 : index
    %get3A_992 = arith.constant 0 : index
    %get3A_993 = vector.load %arg1[%get3A_990, %get3A_991, %get3A_992] : memref<4x4096x128xf32, #tpu.memory_space<vmem>>, vector<1x128x64xf32>
    %get3A_994 = vector.shape_cast %get3A_993 : vector<1x128x64xf32> to vector<128x64xf32>
    %dot_general3A_995 = arith.constant dense<0.000000e+00> : vector<64x128xf32>
    %dot_general3A_996 = tpu.matmul %get3A_994, %convert_element_type3A_1, %dot_general3A_995 {dimension_numbers = #tpu.dot_dimension_numbers<[0], [0], [1], [1], [0, 1, 1, 1], [], []>, transpose_lhs_hint = false} : vector<128x64xf32>, vector<128x128xf32>, vector<64x128xf32> -> vector<64x128xf32>
    %reshape3A_997 = vector.shape_cast %dot_general3A_996 : vector<64x128xf32> to vector<8x8x128xf32>
    %swap3A_998 = arith.constant 1 : index
    %swap3A_999 = arith.constant 0 : index
    %swap3A_1000 = arith.constant 30 : index
    %swap3A_1001 = arith.constant 0 : index
    %swap3A_1002 = arith.constant 0 : index
    %swap3A_1003 = vector.load %arg2[%swap3A_998, %swap3A_999, %swap3A_1000, %swap3A_1001, %swap3A_1002] : memref<4x8x32x8x128xf32, #tpu.memory_space<vmem>>, vector<1x8x1x8x128xf32>
    %swap3A_1004 = vector.shape_cast %swap3A_1003 : vector<1x8x1x8x128xf32> to vector<8x8x128xf32>
    %swap3A_1005 = vector.shape_cast %reshape3A_997 : vector<8x8x128xf32> to vector<1x8x1x8x128xf32>
    tpu.vector_store %arg2[%swap3A_998, %swap3A_999, %swap3A_1000, %swap3A_1001, %swap3A_1002], %swap3A_1005 {strides = array<i32>} : memref<4x8x32x8x128xf32, #tpu.memory_space<vmem>>, vector<1x8x1x8x128xf32>,
    %get3A_1006 = arith.constant 1 : index
    %get3A_1007 = arith.constant 3968 : index
    %get3A_1008 = arith.constant 0 : index
    %get3A_1009 = vector.load %arg1[%get3A_1006, %get3A_1007, %get3A_1008] : memref<4x4096x128xf32, #tpu.memory_space<vmem>>, vector<1x128x64xf32>
    %get3A_1010 = vector.shape_cast %get3A_1009 : vector<1x128x64xf32> to vector<128x64xf32>
    %dot_general3A_1011 = arith.constant dense<0.000000e+00> : vector<64x128xf32>
    %dot_general3A_1012 = tpu.matmul %get3A_1010, %convert_element_type3A_1, %dot_general3A_1011 {dimension_numbers = #tpu.dot_dimension_numbers<[0], [0], [1], [1], [0, 1, 1, 1], [], []>, transpose_lhs_hint = false} : vector<128x64xf32>, vector<128x128xf32>, vector<64x128xf32> -> vector<64x128xf32>
    %reshape3A_1013 = vector.shape_cast %dot_general3A_1012 : vector<64x128xf32> to vector<8x8x128xf32>
    %swap3A_1014 = arith.constant 1 : index
    %swap3A_1015 = arith.constant 0 : index
    %swap3A_1016 = arith.constant 31 : index
    %swap3A_1017 = arith.constant 0 : index
    %swap3A_1018 = arith.constant 0 : index
    %swap3A_1019 = vector.load %arg2[%swap3A_1014, %swap3A_1015, %swap3A_1016, %swap3A_1017, %swap3A_1018] : memref<4x8x32x8x128xf32, #tpu.memory_space<vmem>>, vector<1x8x1x8x128xf32>
    %swap3A_1020 = vector.shape_cast %swap3A_1019 : vector<1x8x1x8x128xf32> to vector<8x8x128xf32>
    %swap3A_1021 = vector.shape_cast %reshape3A_1013 : vector<8x8x128xf32> to vector<1x8x1x8x128xf32>
    tpu.vector_store %arg2[%swap3A_1014, %swap3A_1015, %swap3A_1016, %swap3A_1017, %swap3A_1018], %swap3A_1021 {strides = array<i32>} : memref<4x8x32x8x128xf32, #tpu.memory_space<vmem>>, vector<1x8x1x8x128xf32>,
    %get3A_1022 = arith.constant 2 : index
    %get3A_1023 = arith.constant 0 : index
    %get3A_1024 = arith.constant 0 : index
    %get3A_1025 = vector.load %arg1[%get3A_1022, %get3A_1023, %get3A_1024] : memref<4x4096x128xf32, #tpu.memory_space<vmem>>, vector<1x128x64xf32>
    %get3A_1026 = vector.shape_cast %get3A_1025 : vector<1x128x64xf32> to vector<128x64xf32>
    %dot_general3A_1027 = arith.constant dense<0.000000e+00> : vector<64x128xf32>
    %dot_general3A_1028 = tpu.matmul %get3A_1026, %convert_element_type3A_1, %dot_general3A_1027 {dimension_numbers = #tpu.dot_dimension_numbers<[0], [0], [1], [1], [0, 1, 1, 1], [], []>, transpose_lhs_hint = false} : vector<128x64xf32>, vector<128x128xf32>, vector<64x128xf32> -> vector<64x128xf32>
    %reshape3A_1029 = vector.shape_cast %dot_general3A_1028 : vector<64x128xf32> to vector<8x8x128xf32>
    %swap3A_1030 = arith.constant 2 : index
    %swap3A_1031 = arith.constant 0 : index
    %swap3A_1032 = arith.constant 0 : index
    %swap3A_1033 = arith.constant 0 : index
    %swap3A_1034 = arith.constant 0 : index
    %swap3A_1035 = vector.load %arg2[%swap3A_1030, %swap3A_1031, %swap3A_1032, %swap3A_1033, %swap3A_1034] : memref<4x8x32x8x128xf32, #tpu.memory_space<vmem>>, vector<1x8x1x8x128xf32>
    %swap3A_1036 = vector.shape_cast %swap3A_1035 : vector<1x8x1x8x128xf32> to vector<8x8x128xf32>
    %swap3A_1037 = vector.shape_cast %reshape3A_1029 : vector<8x8x128xf32> to vector<1x8x1x8x128xf32>
    tpu.vector_store %arg2[%swap3A_1030, %swap3A_1031, %swap3A_1032, %swap3A_1033, %swap3A_1034], %swap3A_1037 {strides = array<i32>} : memref<4x8x32x8x128xf32, #tpu.memory_space<vmem>>, vector<1x8x1x8x128xf32>,
    %get3A_1038 = arith.constant 2 : index
    %get3A_1039 = arith.constant 128 : index
    %get3A_1040 = arith.constant 0 : index
    %get3A_1041 = vector.load %arg1[%get3A_1038, %get3A_1039, %get3A_1040] : memref<4x4096x128xf32, #tpu.memory_space<vmem>>, vector<1x128x64xf32>
    %get3A_1042 = vector.shape_cast %get3A_1041 : vector<1x128x64xf32> to vector<128x64xf32>
    %dot_general3A_1043 = arith.constant dense<0.000000e+00> : vector<64x128xf32>
    %dot_general3A_1044 = tpu.matmul %get3A_1042, %convert_element_type3A_1, %dot_general3A_1043 {dimension_numbers = #tpu.dot_dimension_numbers<[0], [0], [1], [1], [0, 1, 1, 1], [], []>, transpose_lhs_hint = false} : vector<128x64xf32>, vector<128x128xf32>, vector<64x128xf32> -> vector<64x128xf32>
    %reshape3A_1045 = vector.shape_cast %dot_general3A_1044 : vector<64x128xf32> to vector<8x8x128xf32>
    %swap3A_1046 = arith.constant 2 : index
    %swap3A_1047 = arith.constant 0 : index
    %swap3A_1048 = arith.constant 1 : index
    %swap3A_1049 = arith.constant 0 : index
    %swap3A_1050 = arith.constant 0 : index
    %swap3A_1051 = vector.load %arg2[%swap3A_1046, %swap3A_1047, %swap3A_1048, %swap3A_1049, %swap3A_1050] : memref<4x8x32x8x128xf32, #tpu.memory_space<vmem>>, vector<1x8x1x8x128xf32>
    %swap3A_1052 = vector.shape_cast %swap3A_1051 : vector<1x8x1x8x128xf32> to vector<8x8x128xf32>
    %swap3A_1053 = vector.shape_cast %reshape3A_1045 : vector<8x8x128xf32> to vector<1x8x1x8x128xf32>
    tpu.vector_store %arg2[%swap3A_1046, %swap3A_1047, %swap3A_1048, %swap3A_1049, %swap3A_1050], %swap3A_1053 {strides = array<i32>} : memref<4x8x32x8x128xf32, #tpu.memory_space<vmem>>, vector<1x8x1x8x128xf32>,
    %get3A_1054 = arith.constant 2 : index
    %get3A_1055 = arith.constant 256 : index
    %get3A_1056 = arith.constant 0 : index
    %get3A_1057 = vector.load %arg1[%get3A_1054, %get3A_1055, %get3A_1056] : memref<4x4096x128xf32, #tpu.memory_space<vmem>>, vector<1x128x64xf32>
    %get3A_1058 = vector.shape_cast %get3A_1057 : vector<1x128x64xf32> to vector<128x64xf32>
    %dot_general3A_1059 = arith.constant dense<0.000000e+00> : vector<64x128xf32>
    %dot_general3A_1060 = tpu.matmul %get3A_1058, %convert_element_type3A_1, %dot_general3A_1059 {dimension_numbers = #tpu.dot_dimension_numbers<[0], [0], [1], [1], [0, 1, 1, 1], [], []>, transpose_lhs_hint = false} : vector<128x64xf32>, vector<128x128xf32>, vector<64x128xf32> -> vector<64x128xf32>
    %reshape3A_1061 = vector.shape_cast %dot_general3A_1060 : vector<64x128xf32> to vector<8x8x128xf32>
    %swap3A_1062 = arith.constant 2 : index
    %swap3A_1063 = arith.constant 0 : index
    %swap3A_1064 = arith.constant 2 : index
    %swap3A_1065 = arith.constant 0 : index
    %swap3A_1066 = arith.constant 0 : index
    %swap3A_1067 = vector.load %arg2[%swap3A_1062, %swap3A_1063, %swap3A_1064, %swap3A_1065, %swap3A_1066] : memref<4x8x32x8x128xf32, #tpu.memory_space<vmem>>, vector<1x8x1x8x128xf32>
    %swap3A_1068 = vector.shape_cast %swap3A_1067 : vector<1x8x1x8x128xf32> to vector<8x8x128xf32>
    %swap3A_1069 = vector.shape_cast %reshape3A_1061 : vector<8x8x128xf32> to vector<1x8x1x8x128xf32>
    tpu.vector_store %arg2[%swap3A_1062, %swap3A_1063, %swap3A_1064, %swap3A_1065, %swap3A_1066], %swap3A_1069 {strides = array<i32>} : memref<4x8x32x8x128xf32, #tpu.memory_space<vmem>>, vector<1x8x1x8x128xf32>,
    %get3A_1070 = arith.constant 2 : index
    %get3A_1071 = arith.constant 384 : index
    %get3A_1072 = arith.constant 0 : index
    %get3A_1073 = vector.load %arg1[%get3A_1070, %get3A_1071, %get3A_1072] : memref<4x4096x128xf32, #tpu.memory_space<vmem>>, vector<1x128x64xf32>
    %get3A_1074 = vector.shape_cast %get3A_1073 : vector<1x128x64xf32> to vector<128x64xf32>
    %dot_general3A_1075 = arith.constant dense<0.000000e+00> : vector<64x128xf32>
    %dot_general3A_1076 = tpu.matmul %get3A_1074, %convert_element_type3A_1, %dot_general3A_1075 {dimension_numbers = #tpu.dot_dimension_numbers<[0], [0], [1], [1], [0, 1, 1, 1], [], []>, transpose_lhs_hint = false} : vector<128x64xf32>, vector<128x128xf32>, vector<64x128xf32> -> vector<64x128xf32>
    %reshape3A_1077 = vector.shape_cast %dot_general3A_1076 : vector<64x128xf32> to vector<8x8x128xf32>
    %swap3A_1078 = arith.constant 2 : index
    %swap3A_1079 = arith.constant 0 : index
    %swap3A_1080 = arith.constant 3 : index
    %swap3A_1081 = arith.constant 0 : index
    %swap3A_1082 = arith.constant 0 : index
    %swap3A_1083 = vector.load %arg2[%swap3A_1078, %swap3A_1079, %swap3A_1080, %swap3A_1081, %swap3A_1082] : memref<4x8x32x8x128xf32, #tpu.memory_space<vmem>>, vector<1x8x1x8x128xf32>
    %swap3A_1084 = vector.shape_cast %swap3A_1083 : vector<1x8x1x8x128xf32> to vector<8x8x128xf32>
    %swap3A_1085 = vector.shape_cast %reshape3A_1077 : vector<8x8x128xf32> to vector<1x8x1x8x128xf32>
    tpu.vector_store %arg2[%swap3A_1078, %swap3A_1079, %swap3A_1080, %swap3A_1081, %swap3A_1082], %swap3A_1085 {strides = array<i32>} : memref<4x8x32x8x128xf32, #tpu.memory_space<vmem>>, vector<1x8x1x8x128xf32>,
    %get3A_1086 = arith.constant 2 : index
    %get3A_1087 = arith.constant 512 : index
    %get3A_1088 = arith.constant 0 : index
    %get3A_1089 = vector.load %arg1[%get3A_1086, %get3A_1087, %get3A_1088] : memref<4x4096x128xf32, #tpu.memory_space<vmem>>, vector<1x128x64xf32>
    %get3A_1090 = vector.shape_cast %get3A_1089 : vector<1x128x64xf32> to vector<128x64xf32>
    %dot_general3A_1091 = arith.constant dense<0.000000e+00> : vector<64x128xf32>
    %dot_general3A_1092 = tpu.matmul %get3A_1090, %convert_element_type3A_1, %dot_general3A_1091 {dimension_numbers = #tpu.dot_dimension_numbers<[0], [0], [1], [1], [0, 1, 1, 1], [], []>, transpose_lhs_hint = false} : vector<128x64xf32>, vector<128x128xf32>, vector<64x128xf32> -> vector<64x128xf32>
    %reshape3A_1093 = vector.shape_cast %dot_general3A_1092 : vector<64x128xf32> to vector<8x8x128xf32>
    %swap3A_1094 = arith.constant 2 : index
    %swap3A_1095 = arith.constant 0 : index
    %swap3A_1096 = arith.constant 4 : index
    %swap3A_1097 = arith.constant 0 : index
    %swap3A_1098 = arith.constant 0 : index
    %swap3A_1099 = vector.load %arg2[%swap3A_1094, %swap3A_1095, %swap3A_1096, %swap3A_1097, %swap3A_1098] : memref<4x8x32x8x128xf32, #tpu.memory_space<vmem>>, vector<1x8x1x8x128xf32>
    %swap3A_1100 = vector.shape_cast %swap3A_1099 : vector<1x8x1x8x128xf32> to vector<8x8x128xf32>
    %swap3A_1101 = vector.shape_cast %reshape3A_1093 : vector<8x8x128xf32> to vector<1x8x1x8x128xf32>
    tpu.vector_store %arg2[%swap3A_1094, %swap3A_1095, %swap3A_1096, %swap3A_1097, %swap3A_1098], %swap3A_1101 {strides = array<i32>} : memref<4x8x32x8x128xf32, #tpu.memory_space<vmem>>, vector<1x8x1x8x128xf32>,
    %get3A_1102 = arith.constant 2 : index
    %get3A_1103 = arith.constant 640 : index
    %get3A_1104 = arith.constant 0 : index
    %get3A_1105 = vector.load %arg1[%get3A_1102, %get3A_1103, %get3A_1104] : memref<4x4096x128xf32, #tpu.memory_space<vmem>>, vector<1x128x64xf32>
    %get3A_1106 = vector.shape_cast %get3A_1105 : vector<1x128x64xf32> to vector<128x64xf32>
    %dot_general3A_1107 = arith.constant dense<0.000000e+00> : vector<64x128xf32>
    %dot_general3A_1108 = tpu.matmul %get3A_1106, %convert_element_type3A_1, %dot_general3A_1107 {dimension_numbers = #tpu.dot_dimension_numbers<[0], [0], [1], [1], [0, 1, 1, 1], [], []>, transpose_lhs_hint = false} : vector<128x64xf32>, vector<128x128xf32>, vector<64x128xf32> -> vector<64x128xf32>
    %reshape3A_1109 = vector.shape_cast %dot_general3A_1108 : vector<64x128xf32> to vector<8x8x128xf32>
    %swap3A_1110 = arith.constant 2 : index
    %swap3A_1111 = arith.constant 0 : index
    %swap3A_1112 = arith.constant 5 : index
    %swap3A_1113 = arith.constant 0 : index
    %swap3A_1114 = arith.constant 0 : index
    %swap3A_1115 = vector.load %arg2[%swap3A_1110, %swap3A_1111, %swap3A_1112, %swap3A_1113, %swap3A_1114] : memref<4x8x32x8x128xf32, #tpu.memory_space<vmem>>, vector<1x8x1x8x128xf32>
    %swap3A_1116 = vector.shape_cast %swap3A_1115 : vector<1x8x1x8x128xf32> to vector<8x8x128xf32>
    %swap3A_1117 = vector.shape_cast %reshape3A_1109 : vector<8x8x128xf32> to vector<1x8x1x8x128xf32>
    tpu.vector_store %arg2[%swap3A_1110, %swap3A_1111, %swap3A_1112, %swap3A_1113, %swap3A_1114], %swap3A_1117 {strides = array<i32>} : memref<4x8x32x8x128xf32, #tpu.memory_space<vmem>>, vector<1x8x1x8x128xf32>,
    %get3A_1118 = arith.constant 2 : index
    %get3A_1119 = arith.constant 768 : index
    %get3A_1120 = arith.constant 0 : index
    %get3A_1121 = vector.load %arg1[%get3A_1118, %get3A_1119, %get3A_1120] : memref<4x4096x128xf32, #tpu.memory_space<vmem>>, vector<1x128x64xf32>
    %get3A_1122 = vector.shape_cast %get3A_1121 : vector<1x128x64xf32> to vector<128x64xf32>
    %dot_general3A_1123 = arith.constant dense<0.000000e+00> : vector<64x128xf32>
    %dot_general3A_1124 = tpu.matmul %get3A_1122, %convert_element_type3A_1, %dot_general3A_1123 {dimension_numbers = #tpu.dot_dimension_numbers<[0], [0], [1], [1], [0, 1, 1, 1], [], []>, transpose_lhs_hint = false} : vector<128x64xf32>, vector<128x128xf32>, vector<64x128xf32> -> vector<64x128xf32>
    %reshape3A_1125 = vector.shape_cast %dot_general3A_1124 : vector<64x128xf32> to vector<8x8x128xf32>
    %swap3A_1126 = arith.constant 2 : index
    %swap3A_1127 = arith.constant 0 : index
    %swap3A_1128 = arith.constant 6 : index
    %swap3A_1129 = arith.constant 0 : index
    %swap3A_1130 = arith.constant 0 : index
    %swap3A_1131 = vector.load %arg2[%swap3A_1126, %swap3A_1127, %swap3A_1128, %swap3A_1129, %swap3A_1130] : memref<4x8x32x8x128xf32, #tpu.memory_space<vmem>>, vector<1x8x1x8x128xf32>
    %swap3A_1132 = vector.shape_cast %swap3A_1131 : vector<1x8x1x8x128xf32> to vector<8x8x128xf32>
    %swap3A_1133 = vector.shape_cast %reshape3A_1125 : vector<8x8x128xf32> to vector<1x8x1x8x128xf32>
    tpu.vector_store %arg2[%swap3A_1126, %swap3A_1127, %swap3A_1128, %swap3A_1129, %swap3A_1130], %swap3A_1133 {strides = array<i32>} : memref<4x8x32x8x128xf32, #tpu.memory_space<vmem>>, vector<1x8x1x8x128xf32>,
    %get3A_1134 = arith.constant 2 : index
    %get3A_1135 = arith.constant 896 : index
    %get3A_1136 = arith.constant 0 : index
    %get3A_1137 = vector.load %arg1[%get3A_1134, %get3A_1135, %get3A_1136] : memref<4x4096x128xf32, #tpu.memory_space<vmem>>, vector<1x128x64xf32>
    %get3A_1138 = vector.shape_cast %get3A_1137 : vector<1x128x64xf32> to vector<128x64xf32>
    %dot_general3A_1139 = arith.constant dense<0.000000e+00> : vector<64x128xf32>
    %dot_general3A_1140 = tpu.matmul %get3A_1138, %convert_element_type3A_1, %dot_general3A_1139 {dimension_numbers = #tpu.dot_dimension_numbers<[0], [0], [1], [1], [0, 1, 1, 1], [], []>, transpose_lhs_hint = false} : vector<128x64xf32>, vector<128x128xf32>, vector<64x128xf32> -> vector<64x128xf32>
    %reshape3A_1141 = vector.shape_cast %dot_general3A_1140 : vector<64x128xf32> to vector<8x8x128xf32>
    %swap3A_1142 = arith.constant 2 : index
    %swap3A_1143 = arith.constant 0 : index
    %swap3A_1144 = arith.constant 7 : index
    %swap3A_1145 = arith.constant 0 : index
    %swap3A_1146 = arith.constant 0 : index
    %swap3A_1147 = vector.load %arg2[%swap3A_1142, %swap3A_1143, %swap3A_1144, %swap3A_1145, %swap3A_1146] : memref<4x8x32x8x128xf32, #tpu.memory_space<vmem>>, vector<1x8x1x8x128xf32>
    %swap3A_1148 = vector.shape_cast %swap3A_1147 : vector<1x8x1x8x128xf32> to vector<8x8x128xf32>
    %swap3A_1149 = vector.shape_cast %reshape3A_1141 : vector<8x8x128xf32> to vector<1x8x1x8x128xf32>
    tpu.vector_store %arg2[%swap3A_1142, %swap3A_1143, %swap3A_1144, %swap3A_1145, %swap3A_1146], %swap3A_1149 {strides = array<i32>} : memref<4x8x32x8x128xf32, #tpu.memory_space<vmem>>, vector<1x8x1x8x128xf32>,
    %get3A_1150 = arith.constant 2 : index
    %get3A_1151 = arith.constant 1024 : index
    %get3A_1152 = arith.constant 0 : index
    %get3A_1153 = vector.load %arg1[%get3A_1150, %get3A_1151, %get3A_1152] : memref<4x4096x128xf32, #tpu.memory_space<vmem>>, vector<1x128x64xf32>
    %get3A_1154 = vector.shape_cast %get3A_1153 : vector<1x128x64xf32> to vector<128x64xf32>
    %dot_general3A_1155 = arith.constant dense<0.000000e+00> : vector<64x128xf32>
    %dot_general3A_1156 = tpu.matmul %get3A_1154, %convert_element_type3A_1, %dot_general3A_1155 {dimension_numbers = #tpu.dot_dimension_numbers<[0], [0], [1], [1], [0, 1, 1, 1], [], []>, transpose_lhs_hint = false} : vector<128x64xf32>, vector<128x128xf32>, vector<64x128xf32> -> vector<64x128xf32>
    %reshape3A_1157 = vector.shape_cast %dot_general3A_1156 : vector<64x128xf32> to vector<8x8x128xf32>
    %swap3A_1158 = arith.constant 2 : index
    %swap3A_1159 = arith.constant 0 : index
    %swap3A_1160 = arith.constant 8 : index
    %swap3A_1161 = arith.constant 0 : index
    %swap3A_1162 = arith.constant 0 : index
    %swap3A_1163 = vector.load %arg2[%swap3A_1158, %swap3A_1159, %swap3A_1160, %swap3A_1161, %swap3A_1162] : memref<4x8x32x8x128xf32, #tpu.memory_space<vmem>>, vector<1x8x1x8x128xf32>
    %swap3A_1164 = vector.shape_cast %swap3A_1163 : vector<1x8x1x8x128xf32> to vector<8x8x128xf32>
    %swap3A_1165 = vector.shape_cast %reshape3A_1157 : vector<8x8x128xf32> to vector<1x8x1x8x128xf32>
    tpu.vector_store %arg2[%swap3A_1158, %swap3A_1159, %swap3A_1160, %swap3A_1161, %swap3A_1162], %swap3A_1165 {strides = array<i32>} : memref<4x8x32x8x128xf32, #tpu.memory_space<vmem>>, vector<1x8x1x8x128xf32>,
    %get3A_1166 = arith.constant 2 : index
    %get3A_1167 = arith.constant 1152 : index
    %get3A_1168 = arith.constant 0 : index
    %get3A_1169 = vector.load %arg1[%get3A_1166, %get3A_1167, %get3A_1168] : memref<4x4096x128xf32, #tpu.memory_space<vmem>>, vector<1x128x64xf32>
    %get3A_1170 = vector.shape_cast %get3A_1169 : vector<1x128x64xf32> to vector<128x64xf32>
    %dot_general3A_1171 = arith.constant dense<0.000000e+00> : vector<64x128xf32>
    %dot_general3A_1172 = tpu.matmul %get3A_1170, %convert_element_type3A_1, %dot_general3A_1171 {dimension_numbers = #tpu.dot_dimension_numbers<[0], [0], [1], [1], [0, 1, 1, 1], [], []>, transpose_lhs_hint = false} : vector<128x64xf32>, vector<128x128xf32>, vector<64x128xf32> -> vector<64x128xf32>
    %reshape3A_1173 = vector.shape_cast %dot_general3A_1172 : vector<64x128xf32> to vector<8x8x128xf32>
    %swap3A_1174 = arith.constant 2 : index
    %swap3A_1175 = arith.constant 0 : index
    %swap3A_1176 = arith.constant 9 : index
    %swap3A_1177 = arith.constant 0 : index
    %swap3A_1178 = arith.constant 0 : index
    %swap3A_1179 = vector.load %arg2[%swap3A_1174, %swap3A_1175, %swap3A_1176, %swap3A_1177, %swap3A_1178] : memref<4x8x32x8x128xf32, #tpu.memory_space<vmem>>, vector<1x8x1x8x128xf32>
    %swap3A_1180 = vector.shape_cast %swap3A_1179 : vector<1x8x1x8x128xf32> to vector<8x8x128xf32>
    %swap3A_1181 = vector.shape_cast %reshape3A_1173 : vector<8x8x128xf32> to vector<1x8x1x8x128xf32>
    tpu.vector_store %arg2[%swap3A_1174, %swap3A_1175, %swap3A_1176, %swap3A_1177, %swap3A_1178], %swap3A_1181 {strides = array<i32>} : memref<4x8x32x8x128xf32, #tpu.memory_space<vmem>>, vector<1x8x1x8x128xf32>,
    %get3A_1182 = arith.constant 2 : index
    %get3A_1183 = arith.constant 1280 : index
    %get3A_1184 = arith.constant 0 : index
    %get3A_1185 = vector.load %arg1[%get3A_1182, %get3A_1183, %get3A_1184] : memref<4x4096x128xf32, #tpu.memory_space<vmem>>, vector<1x128x64xf32>
    %get3A_1186 = vector.shape_cast %get3A_1185 : vector<1x128x64xf32> to vector<128x64xf32>
    %dot_general3A_1187 = arith.constant dense<0.000000e+00> : vector<64x128xf32>
    %dot_general3A_1188 = tpu.matmul %get3A_1186, %convert_element_type3A_1, %dot_general3A_1187 {dimension_numbers = #tpu.dot_dimension_numbers<[0], [0], [1], [1], [0, 1, 1, 1], [], []>, transpose_lhs_hint = false} : vector<128x64xf32>, vector<128x128xf32>, vector<64x128xf32> -> vector<64x128xf32>
    %reshape3A_1189 = vector.shape_cast %dot_general3A_1188 : vector<64x128xf32> to vector<8x8x128xf32>
    %swap3A_1190 = arith.constant 2 : index
    %swap3A_1191 = arith.constant 0 : index
    %swap3A_1192 = arith.constant 10 : index
    %swap3A_1193 = arith.constant 0 : index
    %swap3A_1194 = arith.constant 0 : index
    %swap3A_1195 = vector.load %arg2[%swap3A_1190, %swap3A_1191, %swap3A_1192, %swap3A_1193, %swap3A_1194] : memref<4x8x32x8x128xf32, #tpu.memory_space<vmem>>, vector<1x8x1x8x128xf32>
    %swap3A_1196 = vector.shape_cast %swap3A_1195 : vector<1x8x1x8x128xf32> to vector<8x8x128xf32>
    %swap3A_1197 = vector.shape_cast %reshape3A_1189 : vector<8x8x128xf32> to vector<1x8x1x8x128xf32>
    tpu.vector_store %arg2[%swap3A_1190, %swap3A_1191, %swap3A_1192, %swap3A_1193, %swap3A_1194], %swap3A_1197 {strides = array<i32>} : memref<4x8x32x8x128xf32, #tpu.memory_space<vmem>>, vector<1x8x1x8x128xf32>,
    %get3A_1198 = arith.constant 2 : index
    %get3A_1199 = arith.constant 1408 : index
    %get3A_1200 = arith.constant 0 : index
    %get3A_1201 = vector.load %arg1[%get3A_1198, %get3A_1199, %get3A_1200] : memref<4x4096x128xf32, #tpu.memory_space<vmem>>, vector<1x128x64xf32>
    %get3A_1202 = vector.shape_cast %get3A_1201 : vector<1x128x64xf32> to vector<128x64xf32>
    %dot_general3A_1203 = arith.constant dense<0.000000e+00> : vector<64x128xf32>
    %dot_general3A_1204 = tpu.matmul %get3A_1202, %convert_element_type3A_1, %dot_general3A_1203 {dimension_numbers = #tpu.dot_dimension_numbers<[0], [0], [1], [1], [0, 1, 1, 1], [], []>, transpose_lhs_hint = false} : vector<128x64xf32>, vector<128x128xf32>, vector<64x128xf32> -> vector<64x128xf32>
    %reshape3A_1205 = vector.shape_cast %dot_general3A_1204 : vector<64x128xf32> to vector<8x8x128xf32>
    %swap3A_1206 = arith.constant 2 : index
    %swap3A_1207 = arith.constant 0 : index
    %swap3A_1208 = arith.constant 11 : index
    %swap3A_1209 = arith.constant 0 : index
    %swap3A_1210 = arith.constant 0 : index
    %swap3A_1211 = vector.load %arg2[%swap3A_1206, %swap3A_1207, %swap3A_1208, %swap3A_1209, %swap3A_1210] : memref<4x8x32x8x128xf32, #tpu.memory_space<vmem>>, vector<1x8x1x8x128xf32>
    %swap3A_1212 = vector.shape_cast %swap3A_1211 : vector<1x8x1x8x128xf32> to vector<8x8x128xf32>
    %swap3A_1213 = vector.shape_cast %reshape3A_1205 : vector<8x8x128xf32> to vector<1x8x1x8x128xf32>
    tpu.vector_store %arg2[%swap3A_1206, %swap3A_1207, %swap3A_1208, %swap3A_1209, %swap3A_1210], %swap3A_1213 {strides = array<i32>} : memref<4x8x32x8x128xf32, #tpu.memory_space<vmem>>, vector<1x8x1x8x128xf32>,
    %get3A_1214 = arith.constant 2 : index
    %get3A_1215 = arith.constant 1536 : index
    %get3A_1216 = arith.constant 0 : index
    %get3A_1217 = vector.load %arg1[%get3A_1214, %get3A_1215, %get3A_1216] : memref<4x4096x128xf32, #tpu.memory_space<vmem>>, vector<1x128x64xf32>
    %get3A_1218 = vector.shape_cast %get3A_1217 : vector<1x128x64xf32> to vector<128x64xf32>
    %dot_general3A_1219 = arith.constant dense<0.000000e+00> : vector<64x128xf32>
    %dot_general3A_1220 = tpu.matmul %get3A_1218, %convert_element_type3A_1, %dot_general3A_1219 {dimension_numbers = #tpu.dot_dimension_numbers<[0], [0], [1], [1], [0, 1, 1, 1], [], []>, transpose_lhs_hint = false} : vector<128x64xf32>, vector<128x128xf32>, vector<64x128xf32> -> vector<64x128xf32>
    %reshape3A_1221 = vector.shape_cast %dot_general3A_1220 : vector<64x128xf32> to vector<8x8x128xf32>
    %swap3A_1222 = arith.constant 2 : index
    %swap3A_1223 = arith.constant 0 : index
    %swap3A_1224 = arith.constant 12 : index
    %swap3A_1225 = arith.constant 0 : index
    %swap3A_1226 = arith.constant 0 : index
    %swap3A_1227 = vector.load %arg2[%swap3A_1222, %swap3A_1223, %swap3A_1224, %swap3A_1225, %swap3A_1226] : memref<4x8x32x8x128xf32, #tpu.memory_space<vmem>>, vector<1x8x1x8x128xf32>
    %swap3A_1228 = vector.shape_cast %swap3A_1227 : vector<1x8x1x8x128xf32> to vector<8x8x128xf32>
    %swap3A_1229 = vector.shape_cast %reshape3A_1221 : vector<8x8x128xf32> to vector<1x8x1x8x128xf32>
    tpu.vector_store %arg2[%swap3A_1222, %swap3A_1223, %swap3A_1224, %swap3A_1225, %swap3A_1226], %swap3A_1229 {strides = array<i32>} : memref<4x8x32x8x128xf32, #tpu.memory_space<vmem>>, vector<1x8x1x8x128xf32>,
    %get3A_1230 = arith.constant 2 : index
    %get3A_1231 = arith.constant 1664 : index
    %get3A_1232 = arith.constant 0 : index
    %get3A_1233 = vector.load %arg1[%get3A_1230, %get3A_1231, %get3A_1232] : memref<4x4096x128xf32, #tpu.memory_space<vmem>>, vector<1x128x64xf32>
    %get3A_1234 = vector.shape_cast %get3A_1233 : vector<1x128x64xf32> to vector<128x64xf32>
    %dot_general3A_1235 = arith.constant dense<0.000000e+00> : vector<64x128xf32>
    %dot_general3A_1236 = tpu.matmul %get3A_1234, %convert_element_type3A_1, %dot_general3A_1235 {dimension_numbers = #tpu.dot_dimension_numbers<[0], [0], [1], [1], [0, 1, 1, 1], [], []>, transpose_lhs_hint = false} : vector<128x64xf32>, vector<128x128xf32>, vector<64x128xf32> -> vector<64x128xf32>
    %reshape3A_1237 = vector.shape_cast %dot_general3A_1236 : vector<64x128xf32> to vector<8x8x128xf32>
    %swap3A_1238 = arith.constant 2 : index
    %swap3A_1239 = arith.constant 0 : index
    %swap3A_1240 = arith.constant 13 : index
    %swap3A_1241 = arith.constant 0 : index
    %swap3A_1242 = arith.constant 0 : index
    %swap3A_1243 = vector.load %arg2[%swap3A_1238, %swap3A_1239, %swap3A_1240, %swap3A_1241, %swap3A_1242] : memref<4x8x32x8x128xf32, #tpu.memory_space<vmem>>, vector<1x8x1x8x128xf32>
    %swap3A_1244 = vector.shape_cast %swap3A_1243 : vector<1x8x1x8x128xf32> to vector<8x8x128xf32>
    %swap3A_1245 = vector.shape_cast %reshape3A_1237 : vector<8x8x128xf32> to vector<1x8x1x8x128xf32>
    tpu.vector_store %arg2[%swap3A_1238, %swap3A_1239, %swap3A_1240, %swap3A_1241, %swap3A_1242], %swap3A_1245 {strides = array<i32>} : memref<4x8x32x8x128xf32, #tpu.memory_space<vmem>>, vector<1x8x1x8x128xf32>,
    %get3A_1246 = arith.constant 2 : index
    %get3A_1247 = arith.constant 1792 : index
    %get3A_1248 = arith.constant 0 : index
    %get3A_1249 = vector.load %arg1[%get3A_1246, %get3A_1247, %get3A_1248] : memref<4x4096x128xf32, #tpu.memory_space<vmem>>, vector<1x128x64xf32>
    %get3A_1250 = vector.shape_cast %get3A_1249 : vector<1x128x64xf32> to vector<128x64xf32>
    %dot_general3A_1251 = arith.constant dense<0.000000e+00> : vector<64x128xf32>
    %dot_general3A_1252 = tpu.matmul %get3A_1250, %convert_element_type3A_1, %dot_general3A_1251 {dimension_numbers = #tpu.dot_dimension_numbers<[0], [0], [1], [1], [0, 1, 1, 1], [], []>, transpose_lhs_hint = false} : vector<128x64xf32>, vector<128x128xf32>, vector<64x128xf32> -> vector<64x128xf32>
    %reshape3A_1253 = vector.shape_cast %dot_general3A_1252 : vector<64x128xf32> to vector<8x8x128xf32>
    %swap3A_1254 = arith.constant 2 : index
    %swap3A_1255 = arith.constant 0 : index
    %swap3A_1256 = arith.constant 14 : index
    %swap3A_1257 = arith.constant 0 : index
    %swap3A_1258 = arith.constant 0 : index
    %swap3A_1259 = vector.load %arg2[%swap3A_1254, %swap3A_1255, %swap3A_1256, %swap3A_1257, %swap3A_1258] : memref<4x8x32x8x128xf32, #tpu.memory_space<vmem>>, vector<1x8x1x8x128xf32>
    %swap3A_1260 = vector.shape_cast %swap3A_1259 : vector<1x8x1x8x128xf32> to vector<8x8x128xf32>
    %swap3A_1261 = vector.shape_cast %reshape3A_1253 : vector<8x8x128xf32> to vector<1x8x1x8x128xf32>
    tpu.vector_store %arg2[%swap3A_1254, %swap3A_1255, %swap3A_1256, %swap3A_1257, %swap3A_1258], %swap3A_1261 {strides = array<i32>} : memref<4x8x32x8x128xf32, #tpu.memory_space<vmem>>, vector<1x8x1x8x128xf32>,
    %get3A_1262 = arith.constant 2 : index
    %get3A_1263 = arith.constant 1920 : index
    %get3A_1264 = arith.constant 0 : index
    %get3A_1265 = vector.load %arg1[%get3A_1262, %get3A_1263, %get3A_1264] : memref<4x4096x128xf32, #tpu.memory_space<vmem>>, vector<1x128x64xf32>
    %get3A_1266 = vector.shape_cast %get3A_1265 : vector<1x128x64xf32> to vector<128x64xf32>
    %dot_general3A_1267 = arith.constant dense<0.000000e+00> : vector<64x128xf32>
    %dot_general3A_1268 = tpu.matmul %get3A_1266, %convert_element_type3A_1, %dot_general3A_1267 {dimension_numbers = #tpu.dot_dimension_numbers<[0], [0], [1], [1], [0, 1, 1, 1], [], []>, transpose_lhs_hint = false} : vector<128x64xf32>, vector<128x128xf32>, vector<64x128xf32> -> vector<64x128xf32>
    %reshape3A_1269 = vector.shape_cast %dot_general3A_1268 : vector<64x128xf32> to vector<8x8x128xf32>
    %swap3A_1270 = arith.constant 2 : index
    %swap3A_1271 = arith.constant 0 : index
    %swap3A_1272 = arith.constant 15 : index
    %swap3A_1273 = arith.constant 0 : index
    %swap3A_1274 = arith.constant 0 : index
    %swap3A_1275 = vector.load %arg2[%swap3A_1270, %swap3A_1271, %swap3A_1272, %swap3A_1273, %swap3A_1274] : memref<4x8x32x8x128xf32, #tpu.memory_space<vmem>>, vector<1x8x1x8x128xf32>
    %swap3A_1276 = vector.shape_cast %swap3A_1275 : vector<1x8x1x8x128xf32> to vector<8x8x128xf32>
    %swap3A_1277 = vector.shape_cast %reshape3A_1269 : vector<8x8x128xf32> to vector<1x8x1x8x128xf32>
    tpu.vector_store %arg2[%swap3A_1270, %swap3A_1271, %swap3A_1272, %swap3A_1273, %swap3A_1274], %swap3A_1277 {strides = array<i32>} : memref<4x8x32x8x128xf32, #tpu.memory_space<vmem>>, vector<1x8x1x8x128xf32>,
    %get3A_1278 = arith.constant 2 : index
    %get3A_1279 = arith.constant 2048 : index
    %get3A_1280 = arith.constant 0 : index
    %get3A_1281 = vector.load %arg1[%get3A_1278, %get3A_1279, %get3A_1280] : memref<4x4096x128xf32, #tpu.memory_space<vmem>>, vector<1x128x64xf32>
    %get3A_1282 = vector.shape_cast %get3A_1281 : vector<1x128x64xf32> to vector<128x64xf32>
    %dot_general3A_1283 = arith.constant dense<0.000000e+00> : vector<64x128xf32>
    %dot_general3A_1284 = tpu.matmul %get3A_1282, %convert_element_type3A_1, %dot_general3A_1283 {dimension_numbers = #tpu.dot_dimension_numbers<[0], [0], [1], [1], [0, 1, 1, 1], [], []>, transpose_lhs_hint = false} : vector<128x64xf32>, vector<128x128xf32>, vector<64x128xf32> -> vector<64x128xf32>
    %reshape3A_1285 = vector.shape_cast %dot_general3A_1284 : vector<64x128xf32> to vector<8x8x128xf32>
    %swap3A_1286 = arith.constant 2 : index
    %swap3A_1287 = arith.constant 0 : index
    %swap3A_1288 = arith.constant 16 : index
    %swap3A_1289 = arith.constant 0 : index
    %swap3A_1290 = arith.constant 0 : index
    %swap3A_1291 = vector.load %arg2[%swap3A_1286, %swap3A_1287, %swap3A_1288, %swap3A_1289, %swap3A_1290] : memref<4x8x32x8x128xf32, #tpu.memory_space<vmem>>, vector<1x8x1x8x128xf32>
    %swap3A_1292 = vector.shape_cast %swap3A_1291 : vector<1x8x1x8x128xf32> to vector<8x8x128xf32>
    %swap3A_1293 = vector.shape_cast %reshape3A_1285 : vector<8x8x128xf32> to vector<1x8x1x8x128xf32>
    tpu.vector_store %arg2[%swap3A_1286, %swap3A_1287, %swap3A_1288, %swap3A_1289, %swap3A_1290], %swap3A_1293 {strides = array<i32>} : memref<4x8x32x8x128xf32, #tpu.memory_space<vmem>>, vector<1x8x1x8x128xf32>,
    %get3A_1294 = arith.constant 2 : index
    %get3A_1295 = arith.constant 2176 : index
    %get3A_1296 = arith.constant 0 : index
    %get3A_1297 = vector.load %arg1[%get3A_1294, %get3A_1295, %get3A_1296] : memref<4x4096x128xf32, #tpu.memory_space<vmem>>, vector<1x128x64xf32>
    %get3A_1298 = vector.shape_cast %get3A_1297 : vector<1x128x64xf32> to vector<128x64xf32>
    %dot_general3A_1299 = arith.constant dense<0.000000e+00> : vector<64x128xf32>
    %dot_general3A_1300 = tpu.matmul %get3A_1298, %convert_element_type3A_1, %dot_general3A_1299 {dimension_numbers = #tpu.dot_dimension_numbers<[0], [0], [1], [1], [0, 1, 1, 1], [], []>, transpose_lhs_hint = false} : vector<128x64xf32>, vector<128x128xf32>, vector<64x128xf32> -> vector<64x128xf32>
    %reshape3A_1301 = vector.shape_cast %dot_general3A_1300 : vector<64x128xf32> to vector<8x8x128xf32>
    %swap3A_1302 = arith.constant 2 : index
    %swap3A_1303 = arith.constant 0 : index
    %swap3A_1304 = arith.constant 17 : index
    %swap3A_1305 = arith.constant 0 : index
    %swap3A_1306 = arith.constant 0 : index
    %swap3A_1307 = vector.load %arg2[%swap3A_1302, %swap3A_1303, %swap3A_1304, %swap3A_1305, %swap3A_1306] : memref<4x8x32x8x128xf32, #tpu.memory_space<vmem>>, vector<1x8x1x8x128xf32>
    %swap3A_1308 = vector.shape_cast %swap3A_1307 : vector<1x8x1x8x128xf32> to vector<8x8x128xf32>
    %swap3A_1309 = vector.shape_cast %reshape3A_1301 : vector<8x8x128xf32> to vector<1x8x1x8x128xf32>
    tpu.vector_store %arg2[%swap3A_1302, %swap3A_1303, %swap3A_1304, %swap3A_1305, %swap3A_1306], %swap3A_1309 {strides = array<i32>} : memref<4x8x32x8x128xf32, #tpu.memory_space<vmem>>, vector<1x8x1x8x128xf32>,
    %get3A_1310 = arith.constant 2 : index
    %get3A_1311 = arith.constant 2304 : index
    %get3A_1312 = arith.constant 0 : index
    %get3A_1313 = vector.load %arg1[%get3A_1310, %get3A_1311, %get3A_1312] : memref<4x4096x128xf32, #tpu.memory_space<vmem>>, vector<1x128x64xf32>
    %get3A_1314 = vector.shape_cast %get3A_1313 : vector<1x128x64xf32> to vector<128x64xf32>
    %dot_general3A_1315 = arith.constant dense<0.000000e+00> : vector<64x128xf32>
    %dot_general3A_1316 = tpu.matmul %get3A_1314, %convert_element_type3A_1, %dot_general3A_1315 {dimension_numbers = #tpu.dot_dimension_numbers<[0], [0], [1], [1], [0, 1, 1, 1], [], []>, transpose_lhs_hint = false} : vector<128x64xf32>, vector<128x128xf32>, vector<64x128xf32> -> vector<64x128xf32>
    %reshape3A_1317 = vector.shape_cast %dot_general3A_1316 : vector<64x128xf32> to vector<8x8x128xf32>
    %swap3A_1318 = arith.constant 2 : index
    %swap3A_1319 = arith.constant 0 : index
    %swap3A_1320 = arith.constant 18 : index
    %swap3A_1321 = arith.constant 0 : index
    %swap3A_1322 = arith.constant 0 : index
    %swap3A_1323 = vector.load %arg2[%swap3A_1318, %swap3A_1319, %swap3A_1320, %swap3A_1321, %swap3A_1322] : memref<4x8x32x8x128xf32, #tpu.memory_space<vmem>>, vector<1x8x1x8x128xf32>
    %swap3A_1324 = vector.shape_cast %swap3A_1323 : vector<1x8x1x8x128xf32> to vector<8x8x128xf32>
    %swap3A_1325 = vector.shape_cast %reshape3A_1317 : vector<8x8x128xf32> to vector<1x8x1x8x128xf32>
    tpu.vector_store %arg2[%swap3A_1318, %swap3A_1319, %swap3A_1320, %swap3A_1321, %swap3A_1322], %swap3A_1325 {strides = array<i32>} : memref<4x8x32x8x128xf32, #tpu.memory_space<vmem>>, vector<1x8x1x8x128xf32>,
    %get3A_1326 = arith.constant 2 : index
    %get3A_1327 = arith.constant 2432 : index
    %get3A_1328 = arith.constant 0 : index
    %get3A_1329 = vector.load %arg1[%get3A_1326, %get3A_1327, %get3A_1328] : memref<4x4096x128xf32, #tpu.memory_space<vmem>>, vector<1x128x64xf32>
    %get3A_1330 = vector.shape_cast %get3A_1329 : vector<1x128x64xf32> to vector<128x64xf32>
    %dot_general3A_1331 = arith.constant dense<0.000000e+00> : vector<64x128xf32>
    %dot_general3A_1332 = tpu.matmul %get3A_1330, %convert_element_type3A_1, %dot_general3A_1331 {dimension_numbers = #tpu.dot_dimension_numbers<[0], [0], [1], [1], [0, 1, 1, 1], [], []>, transpose_lhs_hint = false} : vector<128x64xf32>, vector<128x128xf32>, vector<64x128xf32> -> vector<64x128xf32>
    %reshape3A_1333 = vector.shape_cast %dot_general3A_1332 : vector<64x128xf32> to vector<8x8x128xf32>
    %swap3A_1334 = arith.constant 2 : index
    %swap3A_1335 = arith.constant 0 : index
    %swap3A_1336 = arith.constant 19 : index
    %swap3A_1337 = arith.constant 0 : index
    %swap3A_1338 = arith.constant 0 : index
    %swap3A_1339 = vector.load %arg2[%swap3A_1334, %swap3A_1335, %swap3A_1336, %swap3A_1337, %swap3A_1338] : memref<4x8x32x8x128xf32, #tpu.memory_space<vmem>>, vector<1x8x1x8x128xf32>
    %swap3A_1340 = vector.shape_cast %swap3A_1339 : vector<1x8x1x8x128xf32> to vector<8x8x128xf32>
    %swap3A_1341 = vector.shape_cast %reshape3A_1333 : vector<8x8x128xf32> to vector<1x8x1x8x128xf32>
    tpu.vector_store %arg2[%swap3A_1334, %swap3A_1335, %swap3A_1336, %swap3A_1337, %swap3A_1338], %swap3A_1341 {strides = array<i32>} : memref<4x8x32x8x128xf32, #tpu.memory_space<vmem>>, vector<1x8x1x8x128xf32>,
    %get3A_1342 = arith.constant 2 : index
    %get3A_1343 = arith.constant 2560 : index
    %get3A_1344 = arith.constant 0 : index
    %get3A_1345 = vector.load %arg1[%get3A_1342, %get3A_1343, %get3A_1344] : memref<4x4096x128xf32, #tpu.memory_space<vmem>>, vector<1x128x64xf32>
    %get3A_1346 = vector.shape_cast %get3A_1345 : vector<1x128x64xf32> to vector<128x64xf32>
    %dot_general3A_1347 = arith.constant dense<0.000000e+00> : vector<64x128xf32>
    %dot_general3A_1348 = tpu.matmul %get3A_1346, %convert_element_type3A_1, %dot_general3A_1347 {dimension_numbers = #tpu.dot_dimension_numbers<[0], [0], [1], [1], [0, 1, 1, 1], [], []>, transpose_lhs_hint = false} : vector<128x64xf32>, vector<128x128xf32>, vector<64x128xf32> -> vector<64x128xf32>
    %reshape3A_1349 = vector.shape_cast %dot_general3A_1348 : vector<64x128xf32> to vector<8x8x128xf32>
    %swap3A_1350 = arith.constant 2 : index
    %swap3A_1351 = arith.constant 0 : index
    %swap3A_1352 = arith.constant 20 : index
    %swap3A_1353 = arith.constant 0 : index
    %swap3A_1354 = arith.constant 0 : index
    %swap3A_1355 = vector.load %arg2[%swap3A_1350, %swap3A_1351, %swap3A_1352, %swap3A_1353, %swap3A_1354] : memref<4x8x32x8x128xf32, #tpu.memory_space<vmem>>, vector<1x8x1x8x128xf32>
    %swap3A_1356 = vector.shape_cast %swap3A_1355 : vector<1x8x1x8x128xf32> to vector<8x8x128xf32>
    %swap3A_1357 = vector.shape_cast %reshape3A_1349 : vector<8x8x128xf32> to vector<1x8x1x8x128xf32>
    tpu.vector_store %arg2[%swap3A_1350, %swap3A_1351, %swap3A_1352, %swap3A_1353, %swap3A_1354], %swap3A_1357 {strides = array<i32>} : memref<4x8x32x8x128xf32, #tpu.memory_space<vmem>>, vector<1x8x1x8x128xf32>,
    %get3A_1358 = arith.constant 2 : index
    %get3A_1359 = arith.constant 2688 : index
    %get3A_1360 = arith.constant 0 : index
    %get3A_1361 = vector.load %arg1[%get3A_1358, %get3A_1359, %get3A_1360] : memref<4x4096x128xf32, #tpu.memory_space<vmem>>, vector<1x128x64xf32>
    %get3A_1362 = vector.shape_cast %get3A_1361 : vector<1x128x64xf32> to vector<128x64xf32>
    %dot_general3A_1363 = arith.constant dense<0.000000e+00> : vector<64x128xf32>
    %dot_general3A_1364 = tpu.matmul %get3A_1362, %convert_element_type3A_1, %dot_general3A_1363 {dimension_numbers = #tpu.dot_dimension_numbers<[0], [0], [1], [1], [0, 1, 1, 1], [], []>, transpose_lhs_hint = false} : vector<128x64xf32>, vector<128x128xf32>, vector<64x128xf32> -> vector<64x128xf32>
    %reshape3A_1365 = vector.shape_cast %dot_general3A_1364 : vector<64x128xf32> to vector<8x8x128xf32>
    %swap3A_1366 = arith.constant 2 : index
    %swap3A_1367 = arith.constant 0 : index
    %swap3A_1368 = arith.constant 21 : index
    %swap3A_1369 = arith.constant 0 : index
    %swap3A_1370 = arith.constant 0 : index
    %swap3A_1371 = vector.load %arg2[%swap3A_1366, %swap3A_1367, %swap3A_1368, %swap3A_1369, %swap3A_1370] : memref<4x8x32x8x128xf32, #tpu.memory_space<vmem>>, vector<1x8x1x8x128xf32>
    %swap3A_1372 = vector.shape_cast %swap3A_1371 : vector<1x8x1x8x128xf32> to vector<8x8x128xf32>
    %swap3A_1373 = vector.shape_cast %reshape3A_1365 : vector<8x8x128xf32> to vector<1x8x1x8x128xf32>
    tpu.vector_store %arg2[%swap3A_1366, %swap3A_1367, %swap3A_1368, %swap3A_1369, %swap3A_1370], %swap3A_1373 {strides = array<i32>} : memref<4x8x32x8x128xf32, #tpu.memory_space<vmem>>, vector<1x8x1x8x128xf32>,
    %get3A_1374 = arith.constant 2 : index
    %get3A_1375 = arith.constant 2816 : index
    %get3A_1376 = arith.constant 0 : index
    %get3A_1377 = vector.load %arg1[%get3A_1374, %get3A_1375, %get3A_1376] : memref<4x4096x128xf32, #tpu.memory_space<vmem>>, vector<1x128x64xf32>
    %get3A_1378 = vector.shape_cast %get3A_1377 : vector<1x128x64xf32> to vector<128x64xf32>
    %dot_general3A_1379 = arith.constant dense<0.000000e+00> : vector<64x128xf32>
    %dot_general3A_1380 = tpu.matmul %get3A_1378, %convert_element_type3A_1, %dot_general3A_1379 {dimension_numbers = #tpu.dot_dimension_numbers<[0], [0], [1], [1], [0, 1, 1, 1], [], []>, transpose_lhs_hint = false} : vector<128x64xf32>, vector<128x128xf32>, vector<64x128xf32> -> vector<64x128xf32>
    %reshape3A_1381 = vector.shape_cast %dot_general3A_1380 : vector<64x128xf32> to vector<8x8x128xf32>
    %swap3A_1382 = arith.constant 2 : index
    %swap3A_1383 = arith.constant 0 : index
    %swap3A_1384 = arith.constant 22 : index
    %swap3A_1385 = arith.constant 0 : index
    %swap3A_1386 = arith.constant 0 : index
    %swap3A_1387 = vector.load %arg2[%swap3A_1382, %swap3A_1383, %swap3A_1384, %swap3A_1385, %swap3A_1386] : memref<4x8x32x8x128xf32, #tpu.memory_space<vmem>>, vector<1x8x1x8x128xf32>
    %swap3A_1388 = vector.shape_cast %swap3A_1387 : vector<1x8x1x8x128xf32> to vector<8x8x128xf32>
    %swap3A_1389 = vector.shape_cast %reshape3A_1381 : vector<8x8x128xf32> to vector<1x8x1x8x128xf32>
    tpu.vector_store %arg2[%swap3A_1382, %swap3A_1383, %swap3A_1384, %swap3A_1385, %swap3A_1386], %swap3A_1389 {strides = array<i32>} : memref<4x8x32x8x128xf32, #tpu.memory_space<vmem>>, vector<1x8x1x8x128xf32>,
    %get3A_1390 = arith.constant 2 : index
    %get3A_1391 = arith.constant 2944 : index
    %get3A_1392 = arith.constant 0 : index
    %get3A_1393 = vector.load %arg1[%get3A_1390, %get3A_1391, %get3A_1392] : memref<4x4096x128xf32, #tpu.memory_space<vmem>>, vector<1x128x64xf32>
    %get3A_1394 = vector.shape_cast %get3A_1393 : vector<1x128x64xf32> to vector<128x64xf32>
    %dot_general3A_1395 = arith.constant dense<0.000000e+00> : vector<64x128xf32>
    %dot_general3A_1396 = tpu.matmul %get3A_1394, %convert_element_type3A_1, %dot_general3A_1395 {dimension_numbers = #tpu.dot_dimension_numbers<[0], [0], [1], [1], [0, 1, 1, 1], [], []>, transpose_lhs_hint = false} : vector<128x64xf32>, vector<128x128xf32>, vector<64x128xf32> -> vector<64x128xf32>
    %reshape3A_1397 = vector.shape_cast %dot_general3A_1396 : vector<64x128xf32> to vector<8x8x128xf32>
    %swap3A_1398 = arith.constant 2 : index
    %swap3A_1399 = arith.constant 0 : index
    %swap3A_1400 = arith.constant 23 : index
    %swap3A_1401 = arith.constant 0 : index
    %swap3A_1402 = arith.constant 0 : index
    %swap3A_1403 = vector.load %arg2[%swap3A_1398, %swap3A_1399, %swap3A_1400, %swap3A_1401, %swap3A_1402] : memref<4x8x32x8x128xf32, #tpu.memory_space<vmem>>, vector<1x8x1x8x128xf32>
    %swap3A_1404 = vector.shape_cast %swap3A_1403 : vector<1x8x1x8x128xf32> to vector<8x8x128xf32>
    %swap3A_1405 = vector.shape_cast %reshape3A_1397 : vector<8x8x128xf32> to vector<1x8x1x8x128xf32>
    tpu.vector_store %arg2[%swap3A_1398, %swap3A_1399, %swap3A_1400, %swap3A_1401, %swap3A_1402], %swap3A_1405 {strides = array<i32>} : memref<4x8x32x8x128xf32, #tpu.memory_space<vmem>>, vector<1x8x1x8x128xf32>,
    %get3A_1406 = arith.constant 2 : index
    %get3A_1407 = arith.constant 3072 : index
    %get3A_1408 = arith.constant 0 : index
    %get3A_1409 = vector.load %arg1[%get3A_1406, %get3A_1407, %get3A_1408] : memref<4x4096x128xf32, #tpu.memory_space<vmem>>, vector<1x128x64xf32>
    %get3A_1410 = vector.shape_cast %get3A_1409 : vector<1x128x64xf32> to vector<128x64xf32>
    %dot_general3A_1411 = arith.constant dense<0.000000e+00> : vector<64x128xf32>
    %dot_general3A_1412 = tpu.matmul %get3A_1410, %convert_element_type3A_1, %dot_general3A_1411 {dimension_numbers = #tpu.dot_dimension_numbers<[0], [0], [1], [1], [0, 1, 1, 1], [], []>, transpose_lhs_hint = false} : vector<128x64xf32>, vector<128x128xf32>, vector<64x128xf32> -> vector<64x128xf32>
    %reshape3A_1413 = vector.shape_cast %dot_general3A_1412 : vector<64x128xf32> to vector<8x8x128xf32>
    %swap3A_1414 = arith.constant 2 : index
    %swap3A_1415 = arith.constant 0 : index
    %swap3A_1416 = arith.constant 24 : index
    %swap3A_1417 = arith.constant 0 : index
    %swap3A_1418 = arith.constant 0 : index
    %swap3A_1419 = vector.load %arg2[%swap3A_1414, %swap3A_1415, %swap3A_1416, %swap3A_1417, %swap3A_1418] : memref<4x8x32x8x128xf32, #tpu.memory_space<vmem>>, vector<1x8x1x8x128xf32>
    %swap3A_1420 = vector.shape_cast %swap3A_1419 : vector<1x8x1x8x128xf32> to vector<8x8x128xf32>
    %swap3A_1421 = vector.shape_cast %reshape3A_1413 : vector<8x8x128xf32> to vector<1x8x1x8x128xf32>
    tpu.vector_store %arg2[%swap3A_1414, %swap3A_1415, %swap3A_1416, %swap3A_1417, %swap3A_1418], %swap3A_1421 {strides = array<i32>} : memref<4x8x32x8x128xf32, #tpu.memory_space<vmem>>, vector<1x8x1x8x128xf32>,
    %get3A_1422 = arith.constant 2 : index
    %get3A_1423 = arith.constant 3200 : index
    %get3A_1424 = arith.constant 0 : index
    %get3A_1425 = vector.load %arg1[%get3A_1422, %get3A_1423, %get3A_1424] : memref<4x4096x128xf32, #tpu.memory_space<vmem>>, vector<1x128x64xf32>
    %get3A_1426 = vector.shape_cast %get3A_1425 : vector<1x128x64xf32> to vector<128x64xf32>
    %dot_general3A_1427 = arith.constant dense<0.000000e+00> : vector<64x128xf32>
    %dot_general3A_1428 = tpu.matmul %get3A_1426, %convert_element_type3A_1, %dot_general3A_1427 {dimension_numbers = #tpu.dot_dimension_numbers<[0], [0], [1], [1], [0, 1, 1, 1], [], []>, transpose_lhs_hint = false} : vector<128x64xf32>, vector<128x128xf32>, vector<64x128xf32> -> vector<64x128xf32>
    %reshape3A_1429 = vector.shape_cast %dot_general3A_1428 : vector<64x128xf32> to vector<8x8x128xf32>
    %swap3A_1430 = arith.constant 2 : index
    %swap3A_1431 = arith.constant 0 : index
    %swap3A_1432 = arith.constant 25 : index
    %swap3A_1433 = arith.constant 0 : index
    %swap3A_1434 = arith.constant 0 : index
    %swap3A_1435 = vector.load %arg2[%swap3A_1430, %swap3A_1431, %swap3A_1432, %swap3A_1433, %swap3A_1434] : memref<4x8x32x8x128xf32, #tpu.memory_space<vmem>>, vector<1x8x1x8x128xf32>
    %swap3A_1436 = vector.shape_cast %swap3A_1435 : vector<1x8x1x8x128xf32> to vector<8x8x128xf32>
    %swap3A_1437 = vector.shape_cast %reshape3A_1429 : vector<8x8x128xf32> to vector<1x8x1x8x128xf32>
    tpu.vector_store %arg2[%swap3A_1430, %swap3A_1431, %swap3A_1432, %swap3A_1433, %swap3A_1434], %swap3A_1437 {strides = array<i32>} : memref<4x8x32x8x128xf32, #tpu.memory_space<vmem>>, vector<1x8x1x8x128xf32>,
    %get3A_1438 = arith.constant 2 : index
    %get3A_1439 = arith.constant 3328 : index
    %get3A_1440 = arith.constant 0 : index
    %get3A_1441 = vector.load %arg1[%get3A_1438, %get3A_1439, %get3A_1440] : memref<4x4096x128xf32, #tpu.memory_space<vmem>>, vector<1x128x64xf32>
    %get3A_1442 = vector.shape_cast %get3A_1441 : vector<1x128x64xf32> to vector<128x64xf32>
    %dot_general3A_1443 = arith.constant dense<0.000000e+00> : vector<64x128xf32>
    %dot_general3A_1444 = tpu.matmul %get3A_1442, %convert_element_type3A_1, %dot_general3A_1443 {dimension_numbers = #tpu.dot_dimension_numbers<[0], [0], [1], [1], [0, 1, 1, 1], [], []>, transpose_lhs_hint = false} : vector<128x64xf32>, vector<128x128xf32>, vector<64x128xf32> -> vector<64x128xf32>
    %reshape3A_1445 = vector.shape_cast %dot_general3A_1444 : vector<64x128xf32> to vector<8x8x128xf32>
    %swap3A_1446 = arith.constant 2 : index
    %swap3A_1447 = arith.constant 0 : index
    %swap3A_1448 = arith.constant 26 : index
    %swap3A_1449 = arith.constant 0 : index
    %swap3A_1450 = arith.constant 0 : index
    %swap3A_1451 = vector.load %arg2[%swap3A_1446, %swap3A_1447, %swap3A_1448, %swap3A_1449, %swap3A_1450] : memref<4x8x32x8x128xf32, #tpu.memory_space<vmem>>, vector<1x8x1x8x128xf32>
    %swap3A_1452 = vector.shape_cast %swap3A_1451 : vector<1x8x1x8x128xf32> to vector<8x8x128xf32>
    %swap3A_1453 = vector.shape_cast %reshape3A_1445 : vector<8x8x128xf32> to vector<1x8x1x8x128xf32>
    tpu.vector_store %arg2[%swap3A_1446, %swap3A_1447, %swap3A_1448, %swap3A_1449, %swap3A_1450], %swap3A_1453 {strides = array<i32>} : memref<4x8x32x8x128xf32, #tpu.memory_space<vmem>>, vector<1x8x1x8x128xf32>,
    %get3A_1454 = arith.constant 2 : index
    %get3A_1455 = arith.constant 3456 : index
    %get3A_1456 = arith.constant 0 : index
    %get3A_1457 = vector.load %arg1[%get3A_1454, %get3A_1455, %get3A_1456] : memref<4x4096x128xf32, #tpu.memory_space<vmem>>, vector<1x128x64xf32>
    %get3A_1458 = vector.shape_cast %get3A_1457 : vector<1x128x64xf32> to vector<128x64xf32>
    %dot_general3A_1459 = arith.constant dense<0.000000e+00> : vector<64x128xf32>
    %dot_general3A_1460 = tpu.matmul %get3A_1458, %convert_element_type3A_1, %dot_general3A_1459 {dimension_numbers = #tpu.dot_dimension_numbers<[0], [0], [1], [1], [0, 1, 1, 1], [], []>, transpose_lhs_hint = false} : vector<128x64xf32>, vector<128x128xf32>, vector<64x128xf32> -> vector<64x128xf32>
    %reshape3A_1461 = vector.shape_cast %dot_general3A_1460 : vector<64x128xf32> to vector<8x8x128xf32>
    %swap3A_1462 = arith.constant 2 : index
    %swap3A_1463 = arith.constant 0 : index
    %swap3A_1464 = arith.constant 27 : index
    %swap3A_1465 = arith.constant 0 : index
    %swap3A_1466 = arith.constant 0 : index
    %swap3A_1467 = vector.load %arg2[%swap3A_1462, %swap3A_1463, %swap3A_1464, %swap3A_1465, %swap3A_1466] : memref<4x8x32x8x128xf32, #tpu.memory_space<vmem>>, vector<1x8x1x8x128xf32>
    %swap3A_1468 = vector.shape_cast %swap3A_1467 : vector<1x8x1x8x128xf32> to vector<8x8x128xf32>
    %swap3A_1469 = vector.shape_cast %reshape3A_1461 : vector<8x8x128xf32> to vector<1x8x1x8x128xf32>
    tpu.vector_store %arg2[%swap3A_1462, %swap3A_1463, %swap3A_1464, %swap3A_1465, %swap3A_1466], %swap3A_1469 {strides = array<i32>} : memref<4x8x32x8x128xf32, #tpu.memory_space<vmem>>, vector<1x8x1x8x128xf32>,
    %get3A_1470 = arith.constant 2 : index
    %get3A_1471 = arith.constant 3584 : index
    %get3A_1472 = arith.constant 0 : index
    %get3A_1473 = vector.load %arg1[%get3A_1470, %get3A_1471, %get3A_1472] : memref<4x4096x128xf32, #tpu.memory_space<vmem>>, vector<1x128x64xf32>
    %get3A_1474 = vector.shape_cast %get3A_1473 : vector<1x128x64xf32> to vector<128x64xf32>
    %dot_general3A_1475 = arith.constant dense<0.000000e+00> : vector<64x128xf32>
    %dot_general3A_1476 = tpu.matmul %get3A_1474, %convert_element_type3A_1, %dot_general3A_1475 {dimension_numbers = #tpu.dot_dimension_numbers<[0], [0], [1], [1], [0, 1, 1, 1], [], []>, transpose_lhs_hint = false} : vector<128x64xf32>, vector<128x128xf32>, vector<64x128xf32> -> vector<64x128xf32>
    %reshape3A_1477 = vector.shape_cast %dot_general3A_1476 : vector<64x128xf32> to vector<8x8x128xf32>
    %swap3A_1478 = arith.constant 2 : index
    %swap3A_1479 = arith.constant 0 : index
    %swap3A_1480 = arith.constant 28 : index
    %swap3A_1481 = arith.constant 0 : index
    %swap3A_1482 = arith.constant 0 : index
    %swap3A_1483 = vector.load %arg2[%swap3A_1478, %swap3A_1479, %swap3A_1480, %swap3A_1481, %swap3A_1482] : memref<4x8x32x8x128xf32, #tpu.memory_space<vmem>>, vector<1x8x1x8x128xf32>
    %swap3A_1484 = vector.shape_cast %swap3A_1483 : vector<1x8x1x8x128xf32> to vector<8x8x128xf32>
    %swap3A_1485 = vector.shape_cast %reshape3A_1477 : vector<8x8x128xf32> to vector<1x8x1x8x128xf32>
    tpu.vector_store %arg2[%swap3A_1478, %swap3A_1479, %swap3A_1480, %swap3A_1481, %swap3A_1482], %swap3A_1485 {strides = array<i32>} : memref<4x8x32x8x128xf32, #tpu.memory_space<vmem>>, vector<1x8x1x8x128xf32>,
    %get3A_1486 = arith.constant 2 : index
    %get3A_1487 = arith.constant 3712 : index
    %get3A_1488 = arith.constant 0 : index
    %get3A_1489 = vector.load %arg1[%get3A_1486, %get3A_1487, %get3A_1488] : memref<4x4096x128xf32, #tpu.memory_space<vmem>>, vector<1x128x64xf32>
    %get3A_1490 = vector.shape_cast %get3A_1489 : vector<1x128x64xf32> to vector<128x64xf32>
    %dot_general3A_1491 = arith.constant dense<0.000000e+00> : vector<64x128xf32>
    %dot_general3A_1492 = tpu.matmul %get3A_1490, %convert_element_type3A_1, %dot_general3A_1491 {dimension_numbers = #tpu.dot_dimension_numbers<[0], [0], [1], [1], [0, 1, 1, 1], [], []>, transpose_lhs_hint = false} : vector<128x64xf32>, vector<128x128xf32>, vector<64x128xf32> -> vector<64x128xf32>
    %reshape3A_1493 = vector.shape_cast %dot_general3A_1492 : vector<64x128xf32> to vector<8x8x128xf32>
    %swap3A_1494 = arith.constant 2 : index
    %swap3A_1495 = arith.constant 0 : index
    %swap3A_1496 = arith.constant 29 : index
    %swap3A_1497 = arith.constant 0 : index
    %swap3A_1498 = arith.constant 0 : index
    %swap3A_1499 = vector.load %arg2[%swap3A_1494, %swap3A_1495, %swap3A_1496, %swap3A_1497, %swap3A_1498] : memref<4x8x32x8x128xf32, #tpu.memory_space<vmem>>, vector<1x8x1x8x128xf32>
    %swap3A_1500 = vector.shape_cast %swap3A_1499 : vector<1x8x1x8x128xf32> to vector<8x8x128xf32>
    %swap3A_1501 = vector.shape_cast %reshape3A_1493 : vector<8x8x128xf32> to vector<1x8x1x8x128xf32>
    tpu.vector_store %arg2[%swap3A_1494, %swap3A_1495, %swap3A_1496, %swap3A_1497, %swap3A_1498], %swap3A_1501 {strides = array<i32>} : memref<4x8x32x8x128xf32, #tpu.memory_space<vmem>>, vector<1x8x1x8x128xf32>,
    %get3A_1502 = arith.constant 2 : index
    %get3A_1503 = arith.constant 3840 : index
    %get3A_1504 = arith.constant 0 : index
    %get3A_1505 = vector.load %arg1[%get3A_1502, %get3A_1503, %get3A_1504] : memref<4x4096x128xf32, #tpu.memory_space<vmem>>, vector<1x128x64xf32>
    %get3A_1506 = vector.shape_cast %get3A_1505 : vector<1x128x64xf32> to vector<128x64xf32>
    %dot_general3A_1507 = arith.constant dense<0.000000e+00> : vector<64x128xf32>
    %dot_general3A_1508 = tpu.matmul %get3A_1506, %convert_element_type3A_1, %dot_general3A_1507 {dimension_numbers = #tpu.dot_dimension_numbers<[0], [0], [1], [1], [0, 1, 1, 1], [], []>, transpose_lhs_hint = false} : vector<128x64xf32>, vector<128x128xf32>, vector<64x128xf32> -> vector<64x128xf32>
    %reshape3A_1509 = vector.shape_cast %dot_general3A_1508 : vector<64x128xf32> to vector<8x8x128xf32>
    %swap3A_1510 = arith.constant 2 : index
    %swap3A_1511 = arith.constant 0 : index
    %swap3A_1512 = arith.constant 30 : index
    %swap3A_1513 = arith.constant 0 : index
    %swap3A_1514 = arith.constant 0 : index
    %swap3A_1515 = vector.load %arg2[%swap3A_1510, %swap3A_1511, %swap3A_1512, %swap3A_1513, %swap3A_1514] : memref<4x8x32x8x128xf32, #tpu.memory_space<vmem>>, vector<1x8x1x8x128xf32>
    %swap3A_1516 = vector.shape_cast %swap3A_1515 : vector<1x8x1x8x128xf32> to vector<8x8x128xf32>
    %swap3A_1517 = vector.shape_cast %reshape3A_1509 : vector<8x8x128xf32> to vector<1x8x1x8x128xf32>
    tpu.vector_store %arg2[%swap3A_1510, %swap3A_1511, %swap3A_1512, %swap3A_1513, %swap3A_1514], %swap3A_1517 {strides = array<i32>} : memref<4x8x32x8x128xf32, #tpu.memory_space<vmem>>, vector<1x8x1x8x128xf32>,
    %get3A_1518 = arith.constant 2 : index
    %get3A_1519 = arith.constant 3968 : index
    %get3A_1520 = arith.constant 0 : index
    %get3A_1521 = vector.load %arg1[%get3A_1518, %get3A_1519, %get3A_1520] : memref<4x4096x128xf32, #tpu.memory_space<vmem>>, vector<1x128x64xf32>
    %get3A_1522 = vector.shape_cast %get3A_1521 : vector<1x128x64xf32> to vector<128x64xf32>
    %dot_general3A_1523 = arith.constant dense<0.000000e+00> : vector<64x128xf32>
    %dot_general3A_1524 = tpu.matmul %get3A_1522, %convert_element_type3A_1, %dot_general3A_1523 {dimension_numbers = #tpu.dot_dimension_numbers<[0], [0], [1], [1], [0, 1, 1, 1], [], []>, transpose_lhs_hint = false} : vector<128x64xf32>, vector<128x128xf32>, vector<64x128xf32> -> vector<64x128xf32>
    %reshape3A_1525 = vector.shape_cast %dot_general3A_1524 : vector<64x128xf32> to vector<8x8x128xf32>
    %swap3A_1526 = arith.constant 2 : index
    %swap3A_1527 = arith.constant 0 : index
    %swap3A_1528 = arith.constant 31 : index
    %swap3A_1529 = arith.constant 0 : index
    %swap3A_1530 = arith.constant 0 : index
    %swap3A_1531 = vector.load %arg2[%swap3A_1526, %swap3A_1527, %swap3A_1528, %swap3A_1529, %swap3A_1530] : memref<4x8x32x8x128xf32, #tpu.memory_space<vmem>>, vector<1x8x1x8x128xf32>
    %swap3A_1532 = vector.shape_cast %swap3A_1531 : vector<1x8x1x8x128xf32> to vector<8x8x128xf32>
    %swap3A_1533 = vector.shape_cast %reshape3A_1525 : vector<8x8x128xf32> to vector<1x8x1x8x128xf32>
    tpu.vector_store %arg2[%swap3A_1526, %swap3A_1527, %swap3A_1528, %swap3A_1529, %swap3A_1530], %swap3A_1533 {strides = array<i32>} : memref<4x8x32x8x128xf32, #tpu.memory_space<vmem>>, vector<1x8x1x8x128xf32>,
    %get3A_1534 = arith.constant 3 : index
    %get3A_1535 = arith.constant 0 : index
    %get3A_1536 = arith.constant 0 : index
    %get3A_1537 = vector.load %arg1[%get3A_1534, %get3A_1535, %get3A_1536] : memref<4x4096x128xf32, #tpu.memory_space<vmem>>, vector<1x128x64xf32>
    %get3A_1538 = vector.shape_cast %get3A_1537 : vector<1x128x64xf32> to vector<128x64xf32>
    %dot_general3A_1539 = arith.constant dense<0.000000e+00> : vector<64x128xf32>
    %dot_general3A_1540 = tpu.matmul %get3A_1538, %convert_element_type3A_1, %dot_general3A_1539 {dimension_numbers = #tpu.dot_dimension_numbers<[0], [0], [1], [1], [0, 1, 1, 1], [], []>, transpose_lhs_hint = false} : vector<128x64xf32>, vector<128x128xf32>, vector<64x128xf32> -> vector<64x128xf32>
    %reshape3A_1541 = vector.shape_cast %dot_general3A_1540 : vector<64x128xf32> to vector<8x8x128xf32>
    %swap3A_1542 = arith.constant 3 : index
    %swap3A_1543 = arith.constant 0 : index
    %swap3A_1544 = arith.constant 0 : index
    %swap3A_1545 = arith.constant 0 : index
    %swap3A_1546 = arith.constant 0 : index
    %swap3A_1547 = vector.load %arg2[%swap3A_1542, %swap3A_1543, %swap3A_1544, %swap3A_1545, %swap3A_1546] : memref<4x8x32x8x128xf32, #tpu.memory_space<vmem>>, vector<1x8x1x8x128xf32>
    %swap3A_1548 = vector.shape_cast %swap3A_1547 : vector<1x8x1x8x128xf32> to vector<8x8x128xf32>
    %swap3A_1549 = vector.shape_cast %reshape3A_1541 : vector<8x8x128xf32> to vector<1x8x1x8x128xf32>
    tpu.vector_store %arg2[%swap3A_1542, %swap3A_1543, %swap3A_1544, %swap3A_1545, %swap3A_1546], %swap3A_1549 {strides = array<i32>} : memref<4x8x32x8x128xf32, #tpu.memory_space<vmem>>, vector<1x8x1x8x128xf32>,
    %get3A_1550 = arith.constant 3 : index
    %get3A_1551 = arith.constant 128 : index
    %get3A_1552 = arith.constant 0 : index
    %get3A_1553 = vector.load %arg1[%get3A_1550, %get3A_1551, %get3A_1552] : memref<4x4096x128xf32, #tpu.memory_space<vmem>>, vector<1x128x64xf32>
    %get3A_1554 = vector.shape_cast %get3A_1553 : vector<1x128x64xf32> to vector<128x64xf32>
    %dot_general3A_1555 = arith.constant dense<0.000000e+00> : vector<64x128xf32>
    %dot_general3A_1556 = tpu.matmul %get3A_1554, %convert_element_type3A_1, %dot_general3A_1555 {dimension_numbers = #tpu.dot_dimension_numbers<[0], [0], [1], [1], [0, 1, 1, 1], [], []>, transpose_lhs_hint = false} : vector<128x64xf32>, vector<128x128xf32>, vector<64x128xf32> -> vector<64x128xf32>
    %reshape3A_1557 = vector.shape_cast %dot_general3A_1556 : vector<64x128xf32> to vector<8x8x128xf32>
    %swap3A_1558 = arith.constant 3 : index
    %swap3A_1559 = arith.constant 0 : index
    %swap3A_1560 = arith.constant 1 : index
    %swap3A_1561 = arith.constant 0 : index
    %swap3A_1562 = arith.constant 0 : index
    %swap3A_1563 = vector.load %arg2[%swap3A_1558, %swap3A_1559, %swap3A_1560, %swap3A_1561, %swap3A_1562] : memref<4x8x32x8x128xf32, #tpu.memory_space<vmem>>, vector<1x8x1x8x128xf32>
    %swap3A_1564 = vector.shape_cast %swap3A_1563 : vector<1x8x1x8x128xf32> to vector<8x8x128xf32>
    %swap3A_1565 = vector.shape_cast %reshape3A_1557 : vector<8x8x128xf32> to vector<1x8x1x8x128xf32>
    tpu.vector_store %arg2[%swap3A_1558, %swap3A_1559, %swap3A_1560, %swap3A_1561, %swap3A_1562], %swap3A_1565 {strides = array<i32>} : memref<4x8x32x8x128xf32, #tpu.memory_space<vmem>>, vector<1x8x1x8x128xf32>,
    %get3A_1566 = arith.constant 3 : index
    %get3A_1567 = arith.constant 256 : index
    %get3A_1568 = arith.constant 0 : index
    %get3A_1569 = vector.load %arg1[%get3A_1566, %get3A_1567, %get3A_1568] : memref<4x4096x128xf32, #tpu.memory_space<vmem>>, vector<1x128x64xf32>
    %get3A_1570 = vector.shape_cast %get3A_1569 : vector<1x128x64xf32> to vector<128x64xf32>
    %dot_general3A_1571 = arith.constant dense<0.000000e+00> : vector<64x128xf32>
    %dot_general3A_1572 = tpu.matmul %get3A_1570, %convert_element_type3A_1, %dot_general3A_1571 {dimension_numbers = #tpu.dot_dimension_numbers<[0], [0], [1], [1], [0, 1, 1, 1], [], []>, transpose_lhs_hint = false} : vector<128x64xf32>, vector<128x128xf32>, vector<64x128xf32> -> vector<64x128xf32>
    %reshape3A_1573 = vector.shape_cast %dot_general3A_1572 : vector<64x128xf32> to vector<8x8x128xf32>
    %swap3A_1574 = arith.constant 3 : index
    %swap3A_1575 = arith.constant 0 : index
    %swap3A_1576 = arith.constant 2 : index
    %swap3A_1577 = arith.constant 0 : index
    %swap3A_1578 = arith.constant 0 : index
    %swap3A_1579 = vector.load %arg2[%swap3A_1574, %swap3A_1575, %swap3A_1576, %swap3A_1577, %swap3A_1578] : memref<4x8x32x8x128xf32, #tpu.memory_space<vmem>>, vector<1x8x1x8x128xf32>
    %swap3A_1580 = vector.shape_cast %swap3A_1579 : vector<1x8x1x8x128xf32> to vector<8x8x128xf32>
    %swap3A_1581 = vector.shape_cast %reshape3A_1573 : vector<8x8x128xf32> to vector<1x8x1x8x128xf32>
    tpu.vector_store %arg2[%swap3A_1574, %swap3A_1575, %swap3A_1576, %swap3A_1577, %swap3A_1578], %swap3A_1581 {strides = array<i32>} : memref<4x8x32x8x128xf32, #tpu.memory_space<vmem>>, vector<1x8x1x8x128xf32>,
    %get3A_1582 = arith.constant 3 : index
    %get3A_1583 = arith.constant 384 : index
    %get3A_1584 = arith.constant 0 : index
    %get3A_1585 = vector.load %arg1[%get3A_1582, %get3A_1583, %get3A_1584] : memref<4x4096x128xf32, #tpu.memory_space<vmem>>, vector<1x128x64xf32>
    %get3A_1586 = vector.shape_cast %get3A_1585 : vector<1x128x64xf32> to vector<128x64xf32>
    %dot_general3A_1587 = arith.constant dense<0.000000e+00> : vector<64x128xf32>
    %dot_general3A_1588 = tpu.matmul %get3A_1586, %convert_element_type3A_1, %dot_general3A_1587 {dimension_numbers = #tpu.dot_dimension_numbers<[0], [0], [1], [1], [0, 1, 1, 1], [], []>, transpose_lhs_hint = false} : vector<128x64xf32>, vector<128x128xf32>, vector<64x128xf32> -> vector<64x128xf32>
    %reshape3A_1589 = vector.shape_cast %dot_general3A_1588 : vector<64x128xf32> to vector<8x8x128xf32>
    %swap3A_1590 = arith.constant 3 : index
    %swap3A_1591 = arith.constant 0 : index
    %swap3A_1592 = arith.constant 3 : index
    %swap3A_1593 = arith.constant 0 : index
    %swap3A_1594 = arith.constant 0 : index
    %swap3A_1595 = vector.load %arg2[%swap3A_1590, %swap3A_1591, %swap3A_1592, %swap3A_1593, %swap3A_1594] : memref<4x8x32x8x128xf32, #tpu.memory_space<vmem>>, vector<1x8x1x8x128xf32>
    %swap3A_1596 = vector.shape_cast %swap3A_1595 : vector<1x8x1x8x128xf32> to vector<8x8x128xf32>
    %swap3A_1597 = vector.shape_cast %reshape3A_1589 : vector<8x8x128xf32> to vector<1x8x1x8x128xf32>
    tpu.vector_store %arg2[%swap3A_1590, %swap3A_1591, %swap3A_1592, %swap3A_1593, %swap3A_1594], %swap3A_1597 {strides = array<i32>} : memref<4x8x32x8x128xf32, #tpu.memory_space<vmem>>, vector<1x8x1x8x128xf32>,
    %get3A_1598 = arith.constant 3 : index
    %get3A_1599 = arith.constant 512 : index
    %get3A_1600 = arith.constant 0 : index
    %get3A_1601 = vector.load %arg1[%get3A_1598, %get3A_1599, %get3A_1600] : memref<4x4096x128xf32, #tpu.memory_space<vmem>>, vector<1x128x64xf32>
    %get3A_1602 = vector.shape_cast %get3A_1601 : vector<1x128x64xf32> to vector<128x64xf32>
    %dot_general3A_1603 = arith.constant dense<0.000000e+00> : vector<64x128xf32>
    %dot_general3A_1604 = tpu.matmul %get3A_1602, %convert_element_type3A_1, %dot_general3A_1603 {dimension_numbers = #tpu.dot_dimension_numbers<[0], [0], [1], [1], [0, 1, 1, 1], [], []>, transpose_lhs_hint = false} : vector<128x64xf32>, vector<128x128xf32>, vector<64x128xf32> -> vector<64x128xf32>
    %reshape3A_1605 = vector.shape_cast %dot_general3A_1604 : vector<64x128xf32> to vector<8x8x128xf32>
    %swap3A_1606 = arith.constant 3 : index
    %swap3A_1607 = arith.constant 0 : index
    %swap3A_1608 = arith.constant 4 : index
    %swap3A_1609 = arith.constant 0 : index
    %swap3A_1610 = arith.constant 0 : index
    %swap3A_1611 = vector.load %arg2[%swap3A_1606, %swap3A_1607, %swap3A_1608, %swap3A_1609, %swap3A_1610] : memref<4x8x32x8x128xf32, #tpu.memory_space<vmem>>, vector<1x8x1x8x128xf32>
    %swap3A_1612 = vector.shape_cast %swap3A_1611 : vector<1x8x1x8x128xf32> to vector<8x8x128xf32>
    %swap3A_1613 = vector.shape_cast %reshape3A_1605 : vector<8x8x128xf32> to vector<1x8x1x8x128xf32>
    tpu.vector_store %arg2[%swap3A_1606, %swap3A_1607, %swap3A_1608, %swap3A_1609, %swap3A_1610], %swap3A_1613 {strides = array<i32>} : memref<4x8x32x8x128xf32, #tpu.memory_space<vmem>>, vector<1x8x1x8x128xf32>,
    %get3A_1614 = arith.constant 3 : index
    %get3A_1615 = arith.constant 640 : index
    %get3A_1616 = arith.constant 0 : index
    %get3A_1617 = vector.load %arg1[%get3A_1614, %get3A_1615, %get3A_1616] : memref<4x4096x128xf32, #tpu.memory_space<vmem>>, vector<1x128x64xf32>
    %get3A_1618 = vector.shape_cast %get3A_1617 : vector<1x128x64xf32> to vector<128x64xf32>
    %dot_general3A_1619 = arith.constant dense<0.000000e+00> : vector<64x128xf32>
    %dot_general3A_1620 = tpu.matmul %get3A_1618, %convert_element_type3A_1, %dot_general3A_1619 {dimension_numbers = #tpu.dot_dimension_numbers<[0], [0], [1], [1], [0, 1, 1, 1], [], []>, transpose_lhs_hint = false} : vector<128x64xf32>, vector<128x128xf32>, vector<64x128xf32> -> vector<64x128xf32>
    %reshape3A_1621 = vector.shape_cast %dot_general3A_1620 : vector<64x128xf32> to vector<8x8x128xf32>
    %swap3A_1622 = arith.constant 3 : index
    %swap3A_1623 = arith.constant 0 : index
    %swap3A_1624 = arith.constant 5 : index
    %swap3A_1625 = arith.constant 0 : index
    %swap3A_1626 = arith.constant 0 : index
    %swap3A_1627 = vector.load %arg2[%swap3A_1622, %swap3A_1623, %swap3A_1624, %swap3A_1625, %swap3A_1626] : memref<4x8x32x8x128xf32, #tpu.memory_space<vmem>>, vector<1x8x1x8x128xf32>
    %swap3A_1628 = vector.shape_cast %swap3A_1627 : vector<1x8x1x8x128xf32> to vector<8x8x128xf32>
    %swap3A_1629 = vector.shape_cast %reshape3A_1621 : vector<8x8x128xf32> to vector<1x8x1x8x128xf32>
    tpu.vector_store %arg2[%swap3A_1622, %swap3A_1623, %swap3A_1624, %swap3A_1625, %swap3A_1626], %swap3A_1629 {strides = array<i32>} : memref<4x8x32x8x128xf32, #tpu.memory_space<vmem>>, vector<1x8x1x8x128xf32>,
    %get3A_1630 = arith.constant 3 : index
    %get3A_1631 = arith.constant 768 : index
    %get3A_1632 = arith.constant 0 : index
    %get3A_1633 = vector.load %arg1[%get3A_1630, %get3A_1631, %get3A_1632] : memref<4x4096x128xf32, #tpu.memory_space<vmem>>, vector<1x128x64xf32>
    %get3A_1634 = vector.shape_cast %get3A_1633 : vector<1x128x64xf32> to vector<128x64xf32>
    %dot_general3A_1635 = arith.constant dense<0.000000e+00> : vector<64x128xf32>
    %dot_general3A_1636 = tpu.matmul %get3A_1634, %convert_element_type3A_1, %dot_general3A_1635 {dimension_numbers = #tpu.dot_dimension_numbers<[0], [0], [1], [1], [0, 1, 1, 1], [], []>, transpose_lhs_hint = false} : vector<128x64xf32>, vector<128x128xf32>, vector<64x128xf32> -> vector<64x128xf32>
    %reshape3A_1637 = vector.shape_cast %dot_general3A_1636 : vector<64x128xf32> to vector<8x8x128xf32>
    %swap3A_1638 = arith.constant 3 : index
    %swap3A_1639 = arith.constant 0 : index
    %swap3A_1640 = arith.constant 6 : index
    %swap3A_1641 = arith.constant 0 : index
    %swap3A_1642 = arith.constant 0 : index
    %swap3A_1643 = vector.load %arg2[%swap3A_1638, %swap3A_1639, %swap3A_1640, %swap3A_1641, %swap3A_1642] : memref<4x8x32x8x128xf32, #tpu.memory_space<vmem>>, vector<1x8x1x8x128xf32>
    %swap3A_1644 = vector.shape_cast %swap3A_1643 : vector<1x8x1x8x128xf32> to vector<8x8x128xf32>
    %swap3A_1645 = vector.shape_cast %reshape3A_1637 : vector<8x8x128xf32> to vector<1x8x1x8x128xf32>
    tpu.vector_store %arg2[%swap3A_1638, %swap3A_1639, %swap3A_1640, %swap3A_1641, %swap3A_1642], %swap3A_1645 {strides = array<i32>} : memref<4x8x32x8x128xf32, #tpu.memory_space<vmem>>, vector<1x8x1x8x128xf32>,
    %get3A_1646 = arith.constant 3 : index
    %get3A_1647 = arith.constant 896 : index
    %get3A_1648 = arith.constant 0 : index
    %get3A_1649 = vector.load %arg1[%get3A_1646, %get3A_1647, %get3A_1648] : memref<4x4096x128xf32, #tpu.memory_space<vmem>>, vector<1x128x64xf32>
    %get3A_1650 = vector.shape_cast %get3A_1649 : vector<1x128x64xf32> to vector<128x64xf32>
    %dot_general3A_1651 = arith.constant dense<0.000000e+00> : vector<64x128xf32>
    %dot_general3A_1652 = tpu.matmul %get3A_1650, %convert_element_type3A_1, %dot_general3A_1651 {dimension_numbers = #tpu.dot_dimension_numbers<[0], [0], [1], [1], [0, 1, 1, 1], [], []>, transpose_lhs_hint = false} : vector<128x64xf32>, vector<128x128xf32>, vector<64x128xf32> -> vector<64x128xf32>
    %reshape3A_1653 = vector.shape_cast %dot_general3A_1652 : vector<64x128xf32> to vector<8x8x128xf32>
    %swap3A_1654 = arith.constant 3 : index
    %swap3A_1655 = arith.constant 0 : index
    %swap3A_1656 = arith.constant 7 : index
    %swap3A_1657 = arith.constant 0 : index
    %swap3A_1658 = arith.constant 0 : index
    %swap3A_1659 = vector.load %arg2[%swap3A_1654, %swap3A_1655, %swap3A_1656, %swap3A_1657, %swap3A_1658] : memref<4x8x32x8x128xf32, #tpu.memory_space<vmem>>, vector<1x8x1x8x128xf32>
    %swap3A_1660 = vector.shape_cast %swap3A_1659 : vector<1x8x1x8x128xf32> to vector<8x8x128xf32>
    %swap3A_1661 = vector.shape_cast %reshape3A_1653 : vector<8x8x128xf32> to vector<1x8x1x8x128xf32>
    tpu.vector_store %arg2[%swap3A_1654, %swap3A_1655, %swap3A_1656, %swap3A_1657, %swap3A_1658], %swap3A_1661 {strides = array<i32>} : memref<4x8x32x8x128xf32, #tpu.memory_space<vmem>>, vector<1x8x1x8x128xf32>,
    %get3A_1662 = arith.constant 3 : index
    %get3A_1663 = arith.constant 1024 : index
    %get3A_1664 = arith.constant 0 : index
    %get3A_1665 = vector.load %arg1[%get3A_1662, %get3A_1663, %get3A_1664] : memref<4x4096x128xf32, #tpu.memory_space<vmem>>, vector<1x128x64xf32>
    %get3A_1666 = vector.shape_cast %get3A_1665 : vector<1x128x64xf32> to vector<128x64xf32>
    %dot_general3A_1667 = arith.constant dense<0.000000e+00> : vector<64x128xf32>
    %dot_general3A_1668 = tpu.matmul %get3A_1666, %convert_element_type3A_1, %dot_general3A_1667 {dimension_numbers = #tpu.dot_dimension_numbers<[0], [0], [1], [1], [0, 1, 1, 1], [], []>, transpose_lhs_hint = false} : vector<128x64xf32>, vector<128x128xf32>, vector<64x128xf32> -> vector<64x128xf32>
    %reshape3A_1669 = vector.shape_cast %dot_general3A_1668 : vector<64x128xf32> to vector<8x8x128xf32>
    %swap3A_1670 = arith.constant 3 : index
    %swap3A_1671 = arith.constant 0 : index
    %swap3A_1672 = arith.constant 8 : index
    %swap3A_1673 = arith.constant 0 : index
    %swap3A_1674 = arith.constant 0 : index
    %swap3A_1675 = vector.load %arg2[%swap3A_1670, %swap3A_1671, %swap3A_1672, %swap3A_1673, %swap3A_1674] : memref<4x8x32x8x128xf32, #tpu.memory_space<vmem>>, vector<1x8x1x8x128xf32>
    %swap3A_1676 = vector.shape_cast %swap3A_1675 : vector<1x8x1x8x128xf32> to vector<8x8x128xf32>
    %swap3A_1677 = vector.shape_cast %reshape3A_1669 : vector<8x8x128xf32> to vector<1x8x1x8x128xf32>
    tpu.vector_store %arg2[%swap3A_1670, %swap3A_1671, %swap3A_1672, %swap3A_1673, %swap3A_1674], %swap3A_1677 {strides = array<i32>} : memref<4x8x32x8x128xf32, #tpu.memory_space<vmem>>, vector<1x8x1x8x128xf32>,
    %get3A_1678 = arith.constant 3 : index
    %get3A_1679 = arith.constant 1152 : index
    %get3A_1680 = arith.constant 0 : index
    %get3A_1681 = vector.load %arg1[%get3A_1678, %get3A_1679, %get3A_1680] : memref<4x4096x128xf32, #tpu.memory_space<vmem>>, vector<1x128x64xf32>
    %get3A_1682 = vector.shape_cast %get3A_1681 : vector<1x128x64xf32> to vector<128x64xf32>
    %dot_general3A_1683 = arith.constant dense<0.000000e+00> : vector<64x128xf32>
    %dot_general3A_1684 = tpu.matmul %get3A_1682, %convert_element_type3A_1, %dot_general3A_1683 {dimension_numbers = #tpu.dot_dimension_numbers<[0], [0], [1], [1], [0, 1, 1, 1], [], []>, transpose_lhs_hint = false} : vector<128x64xf32>, vector<128x128xf32>, vector<64x128xf32> -> vector<64x128xf32>
    %reshape3A_1685 = vector.shape_cast %dot_general3A_1684 : vector<64x128xf32> to vector<8x8x128xf32>
    %swap3A_1686 = arith.constant 3 : index
    %swap3A_1687 = arith.constant 0 : index
    %swap3A_1688 = arith.constant 9 : index
    %swap3A_1689 = arith.constant 0 : index
    %swap3A_1690 = arith.constant 0 : index
    %swap3A_1691 = vector.load %arg2[%swap3A_1686, %swap3A_1687, %swap3A_1688, %swap3A_1689, %swap3A_1690] : memref<4x8x32x8x128xf32, #tpu.memory_space<vmem>>, vector<1x8x1x8x128xf32>
    %swap3A_1692 = vector.shape_cast %swap3A_1691 : vector<1x8x1x8x128xf32> to vector<8x8x128xf32>
    %swap3A_1693 = vector.shape_cast %reshape3A_1685 : vector<8x8x128xf32> to vector<1x8x1x8x128xf32>
    tpu.vector_store %arg2[%swap3A_1686, %swap3A_1687, %swap3A_1688, %swap3A_1689, %swap3A_1690], %swap3A_1693 {strides = array<i32>} : memref<4x8x32x8x128xf32, #tpu.memory_space<vmem>>, vector<1x8x1x8x128xf32>,
    %get3A_1694 = arith.constant 3 : index
    %get3A_1695 = arith.constant 1280 : index
    %get3A_1696 = arith.constant 0 : index
    %get3A_1697 = vector.load %arg1[%get3A_1694, %get3A_1695, %get3A_1696] : memref<4x4096x128xf32, #tpu.memory_space<vmem>>, vector<1x128x64xf32>
    %get3A_1698 = vector.shape_cast %get3A_1697 : vector<1x128x64xf32> to vector<128x64xf32>
    %dot_general3A_1699 = arith.constant dense<0.000000e+00> : vector<64x128xf32>
    %dot_general3A_1700 = tpu.matmul %get3A_1698, %convert_element_type3A_1, %dot_general3A_1699 {dimension_numbers = #tpu.dot_dimension_numbers<[0], [0], [1], [1], [0, 1, 1, 1], [], []>, transpose_lhs_hint = false} : vector<128x64xf32>, vector<128x128xf32>, vector<64x128xf32> -> vector<64x128xf32>
    %reshape3A_1701 = vector.shape_cast %dot_general3A_1700 : vector<64x128xf32> to vector<8x8x128xf32>
    %swap3A_1702 = arith.constant 3 : index
    %swap3A_1703 = arith.constant 0 : index
    %swap3A_1704 = arith.constant 10 : index
    %swap3A_1705 = arith.constant 0 : index
    %swap3A_1706 = arith.constant 0 : index
    %swap3A_1707 = vector.load %arg2[%swap3A_1702, %swap3A_1703, %swap3A_1704, %swap3A_1705, %swap3A_1706] : memref<4x8x32x8x128xf32, #tpu.memory_space<vmem>>, vector<1x8x1x8x128xf32>
    %swap3A_1708 = vector.shape_cast %swap3A_1707 : vector<1x8x1x8x128xf32> to vector<8x8x128xf32>
    %swap3A_1709 = vector.shape_cast %reshape3A_1701 : vector<8x8x128xf32> to vector<1x8x1x8x128xf32>
    tpu.vector_store %arg2[%swap3A_1702, %swap3A_1703, %swap3A_1704, %swap3A_1705, %swap3A_1706], %swap3A_1709 {strides = array<i32>} : memref<4x8x32x8x128xf32, #tpu.memory_space<vmem>>, vector<1x8x1x8x128xf32>,
    %get3A_1710 = arith.constant 3 : index
    %get3A_1711 = arith.constant 1408 : index
    %get3A_1712 = arith.constant 0 : index
    %get3A_1713 = vector.load %arg1[%get3A_1710, %get3A_1711, %get3A_1712] : memref<4x4096x128xf32, #tpu.memory_space<vmem>>, vector<1x128x64xf32>
    %get3A_1714 = vector.shape_cast %get3A_1713 : vector<1x128x64xf32> to vector<128x64xf32>
    %dot_general3A_1715 = arith.constant dense<0.000000e+00> : vector<64x128xf32>
    %dot_general3A_1716 = tpu.matmul %get3A_1714, %convert_element_type3A_1, %dot_general3A_1715 {dimension_numbers = #tpu.dot_dimension_numbers<[0], [0], [1], [1], [0, 1, 1, 1], [], []>, transpose_lhs_hint = false} : vector<128x64xf32>, vector<128x128xf32>, vector<64x128xf32> -> vector<64x128xf32>
    %reshape3A_1717 = vector.shape_cast %dot_general3A_1716 : vector<64x128xf32> to vector<8x8x128xf32>
    %swap3A_1718 = arith.constant 3 : index
    %swap3A_1719 = arith.constant 0 : index
    %swap3A_1720 = arith.constant 11 : index
    %swap3A_1721 = arith.constant 0 : index
    %swap3A_1722 = arith.constant 0 : index
    %swap3A_1723 = vector.load %arg2[%swap3A_1718, %swap3A_1719, %swap3A_1720, %swap3A_1721, %swap3A_1722] : memref<4x8x32x8x128xf32, #tpu.memory_space<vmem>>, vector<1x8x1x8x128xf32>
    %swap3A_1724 = vector.shape_cast %swap3A_1723 : vector<1x8x1x8x128xf32> to vector<8x8x128xf32>
    %swap3A_1725 = vector.shape_cast %reshape3A_1717 : vector<8x8x128xf32> to vector<1x8x1x8x128xf32>
    tpu.vector_store %arg2[%swap3A_1718, %swap3A_1719, %swap3A_1720, %swap3A_1721, %swap3A_1722], %swap3A_1725 {strides = array<i32>} : memref<4x8x32x8x128xf32, #tpu.memory_space<vmem>>, vector<1x8x1x8x128xf32>,
    %get3A_1726 = arith.constant 3 : index
    %get3A_1727 = arith.constant 1536 : index
    %get3A_1728 = arith.constant 0 : index
    %get3A_1729 = vector.load %arg1[%get3A_1726, %get3A_1727, %get3A_1728] : memref<4x4096x128xf32, #tpu.memory_space<vmem>>, vector<1x128x64xf32>
    %get3A_1730 = vector.shape_cast %get3A_1729 : vector<1x128x64xf32> to vector<128x64xf32>
    %dot_general3A_1731 = arith.constant dense<0.000000e+00> : vector<64x128xf32>
    %dot_general3A_1732 = tpu.matmul %get3A_1730, %convert_element_type3A_1, %dot_general3A_1731 {dimension_numbers = #tpu.dot_dimension_numbers<[0], [0], [1], [1], [0, 1, 1, 1], [], []>, transpose_lhs_hint = false} : vector<128x64xf32>, vector<128x128xf32>, vector<64x128xf32> -> vector<64x128xf32>
    %reshape3A_1733 = vector.shape_cast %dot_general3A_1732 : vector<64x128xf32> to vector<8x8x128xf32>
    %swap3A_1734 = arith.constant 3 : index
    %swap3A_1735 = arith.constant 0 : index
    %swap3A_1736 = arith.constant 12 : index
    %swap3A_1737 = arith.constant 0 : index
    %swap3A_1738 = arith.constant 0 : index
    %swap3A_1739 = vector.load %arg2[%swap3A_1734, %swap3A_1735, %swap3A_1736, %swap3A_1737, %swap3A_1738] : memref<4x8x32x8x128xf32, #tpu.memory_space<vmem>>, vector<1x8x1x8x128xf32>
    %swap3A_1740 = vector.shape_cast %swap3A_1739 : vector<1x8x1x8x128xf32> to vector<8x8x128xf32>
    %swap3A_1741 = vector.shape_cast %reshape3A_1733 : vector<8x8x128xf32> to vector<1x8x1x8x128xf32>
    tpu.vector_store %arg2[%swap3A_1734, %swap3A_1735, %swap3A_1736, %swap3A_1737, %swap3A_1738], %swap3A_1741 {strides = array<i32>} : memref<4x8x32x8x128xf32, #tpu.memory_space<vmem>>, vector<1x8x1x8x128xf32>,
    %get3A_1742 = arith.constant 3 : index
    %get3A_1743 = arith.constant 1664 : index
    %get3A_1744 = arith.constant 0 : index
    %get3A_1745 = vector.load %arg1[%get3A_1742, %get3A_1743, %get3A_1744] : memref<4x4096x128xf32, #tpu.memory_space<vmem>>, vector<1x128x64xf32>
    %get3A_1746 = vector.shape_cast %get3A_1745 : vector<1x128x64xf32> to vector<128x64xf32>
    %dot_general3A_1747 = arith.constant dense<0.000000e+00> : vector<64x128xf32>
    %dot_general3A_1748 = tpu.matmul %get3A_1746, %convert_element_type3A_1, %dot_general3A_1747 {dimension_numbers = #tpu.dot_dimension_numbers<[0], [0], [1], [1], [0, 1, 1, 1], [], []>, transpose_lhs_hint = false} : vector<128x64xf32>, vector<128x128xf32>, vector<64x128xf32> -> vector<64x128xf32>
    %reshape3A_1749 = vector.shape_cast %dot_general3A_1748 : vector<64x128xf32> to vector<8x8x128xf32>
    %swap3A_1750 = arith.constant 3 : index
    %swap3A_1751 = arith.constant 0 : index
    %swap3A_1752 = arith.constant 13 : index
    %swap3A_1753 = arith.constant 0 : index
    %swap3A_1754 = arith.constant 0 : index
    %swap3A_1755 = vector.load %arg2[%swap3A_1750, %swap3A_1751, %swap3A_1752, %swap3A_1753, %swap3A_1754] : memref<4x8x32x8x128xf32, #tpu.memory_space<vmem>>, vector<1x8x1x8x128xf32>
    %swap3A_1756 = vector.shape_cast %swap3A_1755 : vector<1x8x1x8x128xf32> to vector<8x8x128xf32>
    %swap3A_1757 = vector.shape_cast %reshape3A_1749 : vector<8x8x128xf32> to vector<1x8x1x8x128xf32>
    tpu.vector_store %arg2[%swap3A_1750, %swap3A_1751, %swap3A_1752, %swap3A_1753, %swap3A_1754], %swap3A_1757 {strides = array<i32>} : memref<4x8x32x8x128xf32, #tpu.memory_space<vmem>>, vector<1x8x1x8x128xf32>,
    %get3A_1758 = arith.constant 3 : index
    %get3A_1759 = arith.constant 1792 : index
    %get3A_1760 = arith.constant 0 : index
    %get3A_1761 = vector.load %arg1[%get3A_1758, %get3A_1759, %get3A_1760] : memref<4x4096x128xf32, #tpu.memory_space<vmem>>, vector<1x128x64xf32>
    %get3A_1762 = vector.shape_cast %get3A_1761 : vector<1x128x64xf32> to vector<128x64xf32>
    %dot_general3A_1763 = arith.constant dense<0.000000e+00> : vector<64x128xf32>
    %dot_general3A_1764 = tpu.matmul %get3A_1762, %convert_element_type3A_1, %dot_general3A_1763 {dimension_numbers = #tpu.dot_dimension_numbers<[0], [0], [1], [1], [0, 1, 1, 1], [], []>, transpose_lhs_hint = false} : vector<128x64xf32>, vector<128x128xf32>, vector<64x128xf32> -> vector<64x128xf32>
    %reshape3A_1765 = vector.shape_cast %dot_general3A_1764 : vector<64x128xf32> to vector<8x8x128xf32>
    %swap3A_1766 = arith.constant 3 : index
    %swap3A_1767 = arith.constant 0 : index
    %swap3A_1768 = arith.constant 14 : index
    %swap3A_1769 = arith.constant 0 : index
    %swap3A_1770 = arith.constant 0 : index
    %swap3A_1771 = vector.load %arg2[%swap3A_1766, %swap3A_1767, %swap3A_1768, %swap3A_1769, %swap3A_1770] : memref<4x8x32x8x128xf32, #tpu.memory_space<vmem>>, vector<1x8x1x8x128xf32>
    %swap3A_1772 = vector.shape_cast %swap3A_1771 : vector<1x8x1x8x128xf32> to vector<8x8x128xf32>
    %swap3A_1773 = vector.shape_cast %reshape3A_1765 : vector<8x8x128xf32> to vector<1x8x1x8x128xf32>
    tpu.vector_store %arg2[%swap3A_1766, %swap3A_1767, %swap3A_1768, %swap3A_1769, %swap3A_1770], %swap3A_1773 {strides = array<i32>} : memref<4x8x32x8x128xf32, #tpu.memory_space<vmem>>, vector<1x8x1x8x128xf32>,
    %get3A_1774 = arith.constant 3 : index
    %get3A_1775 = arith.constant 1920 : index
    %get3A_1776 = arith.constant 0 : index
    %get3A_1777 = vector.load %arg1[%get3A_1774, %get3A_1775, %get3A_1776] : memref<4x4096x128xf32, #tpu.memory_space<vmem>>, vector<1x128x64xf32>
    %get3A_1778 = vector.shape_cast %get3A_1777 : vector<1x128x64xf32> to vector<128x64xf32>
    %dot_general3A_1779 = arith.constant dense<0.000000e+00> : vector<64x128xf32>
    %dot_general3A_1780 = tpu.matmul %get3A_1778, %convert_element_type3A_1, %dot_general3A_1779 {dimension_numbers = #tpu.dot_dimension_numbers<[0], [0], [1], [1], [0, 1, 1, 1], [], []>, transpose_lhs_hint = false} : vector<128x64xf32>, vector<128x128xf32>, vector<64x128xf32> -> vector<64x128xf32>
    %reshape3A_1781 = vector.shape_cast %dot_general3A_1780 : vector<64x128xf32> to vector<8x8x128xf32>
    %swap3A_1782 = arith.constant 3 : index
    %swap3A_1783 = arith.constant 0 : index
    %swap3A_1784 = arith.constant 15 : index
    %swap3A_1785 = arith.constant 0 : index
    %swap3A_1786 = arith.constant 0 : index
    %swap3A_1787 = vector.load %arg2[%swap3A_1782, %swap3A_1783, %swap3A_1784, %swap3A_1785, %swap3A_1786] : memref<4x8x32x8x128xf32, #tpu.memory_space<vmem>>, vector<1x8x1x8x128xf32>
    %swap3A_1788 = vector.shape_cast %swap3A_1787 : vector<1x8x1x8x128xf32> to vector<8x8x128xf32>
    %swap3A_1789 = vector.shape_cast %reshape3A_1781 : vector<8x8x128xf32> to vector<1x8x1x8x128xf32>
    tpu.vector_store %arg2[%swap3A_1782, %swap3A_1783, %swap3A_1784, %swap3A_1785, %swap3A_1786], %swap3A_1789 {strides = array<i32>} : memref<4x8x32x8x128xf32, #tpu.memory_space<vmem>>, vector<1x8x1x8x128xf32>,
    %get3A_1790 = arith.constant 3 : index
    %get3A_1791 = arith.constant 2048 : index
    %get3A_1792 = arith.constant 0 : index
    %get3A_1793 = vector.load %arg1[%get3A_1790, %get3A_1791, %get3A_1792] : memref<4x4096x128xf32, #tpu.memory_space<vmem>>, vector<1x128x64xf32>
    %get3A_1794 = vector.shape_cast %get3A_1793 : vector<1x128x64xf32> to vector<128x64xf32>
    %dot_general3A_1795 = arith.constant dense<0.000000e+00> : vector<64x128xf32>
    %dot_general3A_1796 = tpu.matmul %get3A_1794, %convert_element_type3A_1, %dot_general3A_1795 {dimension_numbers = #tpu.dot_dimension_numbers<[0], [0], [1], [1], [0, 1, 1, 1], [], []>, transpose_lhs_hint = false} : vector<128x64xf32>, vector<128x128xf32>, vector<64x128xf32> -> vector<64x128xf32>
    %reshape3A_1797 = vector.shape_cast %dot_general3A_1796 : vector<64x128xf32> to vector<8x8x128xf32>
    %swap3A_1798 = arith.constant 3 : index
    %swap3A_1799 = arith.constant 0 : index
    %swap3A_1800 = arith.constant 16 : index
    %swap3A_1801 = arith.constant 0 : index
    %swap3A_1802 = arith.constant 0 : index
    %swap3A_1803 = vector.load %arg2[%swap3A_1798, %swap3A_1799, %swap3A_1800, %swap3A_1801, %swap3A_1802] : memref<4x8x32x8x128xf32, #tpu.memory_space<vmem>>, vector<1x8x1x8x128xf32>
    %swap3A_1804 = vector.shape_cast %swap3A_1803 : vector<1x8x1x8x128xf32> to vector<8x8x128xf32>
    %swap3A_1805 = vector.shape_cast %reshape3A_1797 : vector<8x8x128xf32> to vector<1x8x1x8x128xf32>
    tpu.vector_store %arg2[%swap3A_1798, %swap3A_1799, %swap3A_1800, %swap3A_1801, %swap3A_1802], %swap3A_1805 {strides = array<i32>} : memref<4x8x32x8x128xf32, #tpu.memory_space<vmem>>, vector<1x8x1x8x128xf32>,
    %get3A_1806 = arith.constant 3 : index
    %get3A_1807 = arith.constant 2176 : index
    %get3A_1808 = arith.constant 0 : index
    %get3A_1809 = vector.load %arg1[%get3A_1806, %get3A_1807, %get3A_1808] : memref<4x4096x128xf32, #tpu.memory_space<vmem>>, vector<1x128x64xf32>
    %get3A_1810 = vector.shape_cast %get3A_1809 : vector<1x128x64xf32> to vector<128x64xf32>
    %dot_general3A_1811 = arith.constant dense<0.000000e+00> : vector<64x128xf32>
    %dot_general3A_1812 = tpu.matmul %get3A_1810, %convert_element_type3A_1, %dot_general3A_1811 {dimension_numbers = #tpu.dot_dimension_numbers<[0], [0], [1], [1], [0, 1, 1, 1], [], []>, transpose_lhs_hint = false} : vector<128x64xf32>, vector<128x128xf32>, vector<64x128xf32> -> vector<64x128xf32>
    %reshape3A_1813 = vector.shape_cast %dot_general3A_1812 : vector<64x128xf32> to vector<8x8x128xf32>
    %swap3A_1814 = arith.constant 3 : index
    %swap3A_1815 = arith.constant 0 : index
    %swap3A_1816 = arith.constant 17 : index
    %swap3A_1817 = arith.constant 0 : index
    %swap3A_1818 = arith.constant 0 : index
    %swap3A_1819 = vector.load %arg2[%swap3A_1814, %swap3A_1815, %swap3A_1816, %swap3A_1817, %swap3A_1818] : memref<4x8x32x8x128xf32, #tpu.memory_space<vmem>>, vector<1x8x1x8x128xf32>
    %swap3A_1820 = vector.shape_cast %swap3A_1819 : vector<1x8x1x8x128xf32> to vector<8x8x128xf32>
    %swap3A_1821 = vector.shape_cast %reshape3A_1813 : vector<8x8x128xf32> to vector<1x8x1x8x128xf32>
    tpu.vector_store %arg2[%swap3A_1814, %swap3A_1815, %swap3A_1816, %swap3A_1817, %swap3A_1818], %swap3A_1821 {strides = array<i32>} : memref<4x8x32x8x128xf32, #tpu.memory_space<vmem>>, vector<1x8x1x8x128xf32>,
    %get3A_1822 = arith.constant 3 : index
    %get3A_1823 = arith.constant 2304 : index
    %get3A_1824 = arith.constant 0 : index
    %get3A_1825 = vector.load %arg1[%get3A_1822, %get3A_1823, %get3A_1824] : memref<4x4096x128xf32, #tpu.memory_space<vmem>>, vector<1x128x64xf32>
    %get3A_1826 = vector.shape_cast %get3A_1825 : vector<1x128x64xf32> to vector<128x64xf32>
    %dot_general3A_1827 = arith.constant dense<0.000000e+00> : vector<64x128xf32>
    %dot_general3A_1828 = tpu.matmul %get3A_1826, %convert_element_type3A_1, %dot_general3A_1827 {dimension_numbers = #tpu.dot_dimension_numbers<[0], [0], [1], [1], [0, 1, 1, 1], [], []>, transpose_lhs_hint = false} : vector<128x64xf32>, vector<128x128xf32>, vector<64x128xf32> -> vector<64x128xf32>
    %reshape3A_1829 = vector.shape_cast %dot_general3A_1828 : vector<64x128xf32> to vector<8x8x128xf32>
    %swap3A_1830 = arith.constant 3 : index
    %swap3A_1831 = arith.constant 0 : index
    %swap3A_1832 = arith.constant 18 : index
    %swap3A_1833 = arith.constant 0 : index
    %swap3A_1834 = arith.constant 0 : index
    %swap3A_1835 = vector.load %arg2[%swap3A_1830, %swap3A_1831, %swap3A_1832, %swap3A_1833, %swap3A_1834] : memref<4x8x32x8x128xf32, #tpu.memory_space<vmem>>, vector<1x8x1x8x128xf32>
    %swap3A_1836 = vector.shape_cast %swap3A_1835 : vector<1x8x1x8x128xf32> to vector<8x8x128xf32>
    %swap3A_1837 = vector.shape_cast %reshape3A_1829 : vector<8x8x128xf32> to vector<1x8x1x8x128xf32>
    tpu.vector_store %arg2[%swap3A_1830, %swap3A_1831, %swap3A_1832, %swap3A_1833, %swap3A_1834], %swap3A_1837 {strides = array<i32>} : memref<4x8x32x8x128xf32, #tpu.memory_space<vmem>>, vector<1x8x1x8x128xf32>,
    %get3A_1838 = arith.constant 3 : index
    %get3A_1839 = arith.constant 2432 : index
    %get3A_1840 = arith.constant 0 : index
    %get3A_1841 = vector.load %arg1[%get3A_1838, %get3A_1839, %get3A_1840] : memref<4x4096x128xf32, #tpu.memory_space<vmem>>, vector<1x128x64xf32>
    %get3A_1842 = vector.shape_cast %get3A_1841 : vector<1x128x64xf32> to vector<128x64xf32>
    %dot_general3A_1843 = arith.constant dense<0.000000e+00> : vector<64x128xf32>
    %dot_general3A_1844 = tpu.matmul %get3A_1842, %convert_element_type3A_1, %dot_general3A_1843 {dimension_numbers = #tpu.dot_dimension_numbers<[0], [0], [1], [1], [0, 1, 1, 1], [], []>, transpose_lhs_hint = false} : vector<128x64xf32>, vector<128x128xf32>, vector<64x128xf32> -> vector<64x128xf32>
    %reshape3A_1845 = vector.shape_cast %dot_general3A_1844 : vector<64x128xf32> to vector<8x8x128xf32>
    %swap3A_1846 = arith.constant 3 : index
    %swap3A_1847 = arith.constant 0 : index
    %swap3A_1848 = arith.constant 19 : index
    %swap3A_1849 = arith.constant 0 : index
    %swap3A_1850 = arith.constant 0 : index
    %swap3A_1851 = vector.load %arg2[%swap3A_1846, %swap3A_1847, %swap3A_1848, %swap3A_1849, %swap3A_1850] : memref<4x8x32x8x128xf32, #tpu.memory_space<vmem>>, vector<1x8x1x8x128xf32>
    %swap3A_1852 = vector.shape_cast %swap3A_1851 : vector<1x8x1x8x128xf32> to vector<8x8x128xf32>
    %swap3A_1853 = vector.shape_cast %reshape3A_1845 : vector<8x8x128xf32> to vector<1x8x1x8x128xf32>
    tpu.vector_store %arg2[%swap3A_1846, %swap3A_1847, %swap3A_1848, %swap3A_1849, %swap3A_1850], %swap3A_1853 {strides = array<i32>} : memref<4x8x32x8x128xf32, #tpu.memory_space<vmem>>, vector<1x8x1x8x128xf32>,
    %get3A_1854 = arith.constant 3 : index
    %get3A_1855 = arith.constant 2560 : index
    %get3A_1856 = arith.constant 0 : index
    %get3A_1857 = vector.load %arg1[%get3A_1854, %get3A_1855, %get3A_1856] : memref<4x4096x128xf32, #tpu.memory_space<vmem>>, vector<1x128x64xf32>
    %get3A_1858 = vector.shape_cast %get3A_1857 : vector<1x128x64xf32> to vector<128x64xf32>
    %dot_general3A_1859 = arith.constant dense<0.000000e+00> : vector<64x128xf32>
    %dot_general3A_1860 = tpu.matmul %get3A_1858, %convert_element_type3A_1, %dot_general3A_1859 {dimension_numbers = #tpu.dot_dimension_numbers<[0], [0], [1], [1], [0, 1, 1, 1], [], []>, transpose_lhs_hint = false} : vector<128x64xf32>, vector<128x128xf32>, vector<64x128xf32> -> vector<64x128xf32>
    %reshape3A_1861 = vector.shape_cast %dot_general3A_1860 : vector<64x128xf32> to vector<8x8x128xf32>
    %swap3A_1862 = arith.constant 3 : index
    %swap3A_1863 = arith.constant 0 : index
    %swap3A_1864 = arith.constant 20 : index
    %swap3A_1865 = arith.constant 0 : index
    %swap3A_1866 = arith.constant 0 : index
    %swap3A_1867 = vector.load %arg2[%swap3A_1862, %swap3A_1863, %swap3A_1864, %swap3A_1865, %swap3A_1866] : memref<4x8x32x8x128xf32, #tpu.memory_space<vmem>>, vector<1x8x1x8x128xf32>
    %swap3A_1868 = vector.shape_cast %swap3A_1867 : vector<1x8x1x8x128xf32> to vector<8x8x128xf32>
    %swap3A_1869 = vector.shape_cast %reshape3A_1861 : vector<8x8x128xf32> to vector<1x8x1x8x128xf32>
    tpu.vector_store %arg2[%swap3A_1862, %swap3A_1863, %swap3A_1864, %swap3A_1865, %swap3A_1866], %swap3A_1869 {strides = array<i32>} : memref<4x8x32x8x128xf32, #tpu.memory_space<vmem>>, vector<1x8x1x8x128xf32>,
    %get3A_1870 = arith.constant 3 : index
    %get3A_1871 = arith.constant 2688 : index
    %get3A_1872 = arith.constant 0 : index
    %get3A_1873 = vector.load %arg1[%get3A_1870, %get3A_1871, %get3A_1872] : memref<4x4096x128xf32, #tpu.memory_space<vmem>>, vector<1x128x64xf32>
    %get3A_1874 = vector.shape_cast %get3A_1873 : vector<1x128x64xf32> to vector<128x64xf32>
    %dot_general3A_1875 = arith.constant dense<0.000000e+00> : vector<64x128xf32>
    %dot_general3A_1876 = tpu.matmul %get3A_1874, %convert_element_type3A_1, %dot_general3A_1875 {dimension_numbers = #tpu.dot_dimension_numbers<[0], [0], [1], [1], [0, 1, 1, 1], [], []>, transpose_lhs_hint = false} : vector<128x64xf32>, vector<128x128xf32>, vector<64x128xf32> -> vector<64x128xf32>
    %reshape3A_1877 = vector.shape_cast %dot_general3A_1876 : vector<64x128xf32> to vector<8x8x128xf32>
    %swap3A_1878 = arith.constant 3 : index
    %swap3A_1879 = arith.constant 0 : index
    %swap3A_1880 = arith.constant 21 : index
    %swap3A_1881 = arith.constant 0 : index
    %swap3A_1882 = arith.constant 0 : index
    %swap3A_1883 = vector.load %arg2[%swap3A_1878, %swap3A_1879, %swap3A_1880, %swap3A_1881, %swap3A_1882] : memref<4x8x32x8x128xf32, #tpu.memory_space<vmem>>, vector<1x8x1x8x128xf32>
    %swap3A_1884 = vector.shape_cast %swap3A_1883 : vector<1x8x1x8x128xf32> to vector<8x8x128xf32>
    %swap3A_1885 = vector.shape_cast %reshape3A_1877 : vector<8x8x128xf32> to vector<1x8x1x8x128xf32>
    tpu.vector_store %arg2[%swap3A_1878, %swap3A_1879, %swap3A_1880, %swap3A_1881, %swap3A_1882], %swap3A_1885 {strides = array<i32>} : memref<4x8x32x8x128xf32, #tpu.memory_space<vmem>>, vector<1x8x1x8x128xf32>,
    %get3A_1886 = arith.constant 3 : index
    %get3A_1887 = arith.constant 2816 : index
    %get3A_1888 = arith.constant 0 : index
    %get3A_1889 = vector.load %arg1[%get3A_1886, %get3A_1887, %get3A_1888] : memref<4x4096x128xf32, #tpu.memory_space<vmem>>, vector<1x128x64xf32>
    %get3A_1890 = vector.shape_cast %get3A_1889 : vector<1x128x64xf32> to vector<128x64xf32>
    %dot_general3A_1891 = arith.constant dense<0.000000e+00> : vector<64x128xf32>
    %dot_general3A_1892 = tpu.matmul %get3A_1890, %convert_element_type3A_1, %dot_general3A_1891 {dimension_numbers = #tpu.dot_dimension_numbers<[0], [0], [1], [1], [0, 1, 1, 1], [], []>, transpose_lhs_hint = false} : vector<128x64xf32>, vector<128x128xf32>, vector<64x128xf32> -> vector<64x128xf32>
    %reshape3A_1893 = vector.shape_cast %dot_general3A_1892 : vector<64x128xf32> to vector<8x8x128xf32>
    %swap3A_1894 = arith.constant 3 : index
    %swap3A_1895 = arith.constant 0 : index
    %swap3A_1896 = arith.constant 22 : index
    %swap3A_1897 = arith.constant 0 : index
    %swap3A_1898 = arith.constant 0 : index
    %swap3A_1899 = vector.load %arg2[%swap3A_1894, %swap3A_1895, %swap3A_1896, %swap3A_1897, %swap3A_1898] : memref<4x8x32x8x128xf32, #tpu.memory_space<vmem>>, vector<1x8x1x8x128xf32>
    %swap3A_1900 = vector.shape_cast %swap3A_1899 : vector<1x8x1x8x128xf32> to vector<8x8x128xf32>
    %swap3A_1901 = vector.shape_cast %reshape3A_1893 : vector<8x8x128xf32> to vector<1x8x1x8x128xf32>
    tpu.vector_store %arg2[%swap3A_1894, %swap3A_1895, %swap3A_1896, %swap3A_1897, %swap3A_1898], %swap3A_1901 {strides = array<i32>} : memref<4x8x32x8x128xf32, #tpu.memory_space<vmem>>, vector<1x8x1x8x128xf32>,
    %get3A_1902 = arith.constant 3 : index
    %get3A_1903 = arith.constant 2944 : index
    %get3A_1904 = arith.constant 0 : index
    %get3A_1905 = vector.load %arg1[%get3A_1902, %get3A_1903, %get3A_1904] : memref<4x4096x128xf32, #tpu.memory_space<vmem>>, vector<1x128x64xf32>
    %get3A_1906 = vector.shape_cast %get3A_1905 : vector<1x128x64xf32> to vector<128x64xf32>
    %dot_general3A_1907 = arith.constant dense<0.000000e+00> : vector<64x128xf32>
    %dot_general3A_1908 = tpu.matmul %get3A_1906, %convert_element_type3A_1, %dot_general3A_1907 {dimension_numbers = #tpu.dot_dimension_numbers<[0], [0], [1], [1], [0, 1, 1, 1], [], []>, transpose_lhs_hint = false} : vector<128x64xf32>, vector<128x128xf32>, vector<64x128xf32> -> vector<64x128xf32>
    %reshape3A_1909 = vector.shape_cast %dot_general3A_1908 : vector<64x128xf32> to vector<8x8x128xf32>
    %swap3A_1910 = arith.constant 3 : index
    %swap3A_1911 = arith.constant 0 : index
    %swap3A_1912 = arith.constant 23 : index
    %swap3A_1913 = arith.constant 0 : index
    %swap3A_1914 = arith.constant 0 : index
    %swap3A_1915 = vector.load %arg2[%swap3A_1910, %swap3A_1911, %swap3A_1912, %swap3A_1913, %swap3A_1914] : memref<4x8x32x8x128xf32, #tpu.memory_space<vmem>>, vector<1x8x1x8x128xf32>
    %swap3A_1916 = vector.shape_cast %swap3A_1915 : vector<1x8x1x8x128xf32> to vector<8x8x128xf32>
    %swap3A_1917 = vector.shape_cast %reshape3A_1909 : vector<8x8x128xf32> to vector<1x8x1x8x128xf32>
    tpu.vector_store %arg2[%swap3A_1910, %swap3A_1911, %swap3A_1912, %swap3A_1913, %swap3A_1914], %swap3A_1917 {strides = array<i32>} : memref<4x8x32x8x128xf32, #tpu.memory_space<vmem>>, vector<1x8x1x8x128xf32>,
    %get3A_1918 = arith.constant 3 : index
    %get3A_1919 = arith.constant 3072 : index
    %get3A_1920 = arith.constant 0 : index
    %get3A_1921 = vector.load %arg1[%get3A_1918, %get3A_1919, %get3A_1920] : memref<4x4096x128xf32, #tpu.memory_space<vmem>>, vector<1x128x64xf32>
    %get3A_1922 = vector.shape_cast %get3A_1921 : vector<1x128x64xf32> to vector<128x64xf32>
    %dot_general3A_1923 = arith.constant dense<0.000000e+00> : vector<64x128xf32>
    %dot_general3A_1924 = tpu.matmul %get3A_1922, %convert_element_type3A_1, %dot_general3A_1923 {dimension_numbers = #tpu.dot_dimension_numbers<[0], [0], [1], [1], [0, 1, 1, 1], [], []>, transpose_lhs_hint = false} : vector<128x64xf32>, vector<128x128xf32>, vector<64x128xf32> -> vector<64x128xf32>
    %reshape3A_1925 = vector.shape_cast %dot_general3A_1924 : vector<64x128xf32> to vector<8x8x128xf32>
    %swap3A_1926 = arith.constant 3 : index
    %swap3A_1927 = arith.constant 0 : index
    %swap3A_1928 = arith.constant 24 : index
    %swap3A_1929 = arith.constant 0 : index
    %swap3A_1930 = arith.constant 0 : index
    %swap3A_1931 = vector.load %arg2[%swap3A_1926, %swap3A_1927, %swap3A_1928, %swap3A_1929, %swap3A_1930] : memref<4x8x32x8x128xf32, #tpu.memory_space<vmem>>, vector<1x8x1x8x128xf32>
    %swap3A_1932 = vector.shape_cast %swap3A_1931 : vector<1x8x1x8x128xf32> to vector<8x8x128xf32>
    %swap3A_1933 = vector.shape_cast %reshape3A_1925 : vector<8x8x128xf32> to vector<1x8x1x8x128xf32>
    tpu.vector_store %arg2[%swap3A_1926, %swap3A_1927, %swap3A_1928, %swap3A_1929, %swap3A_1930], %swap3A_1933 {strides = array<i32>} : memref<4x8x32x8x128xf32, #tpu.memory_space<vmem>>, vector<1x8x1x8x128xf32>,
    %get3A_1934 = arith.constant 3 : index
    %get3A_1935 = arith.constant 3200 : index
    %get3A_1936 = arith.constant 0 : index
    %get3A_1937 = vector.load %arg1[%get3A_1934, %get3A_1935, %get3A_1936] : memref<4x4096x128xf32, #tpu.memory_space<vmem>>, vector<1x128x64xf32>
    %get3A_1938 = vector.shape_cast %get3A_1937 : vector<1x128x64xf32> to vector<128x64xf32>
    %dot_general3A_1939 = arith.constant dense<0.000000e+00> : vector<64x128xf32>
    %dot_general3A_1940 = tpu.matmul %get3A_1938, %convert_element_type3A_1, %dot_general3A_1939 {dimension_numbers = #tpu.dot_dimension_numbers<[0], [0], [1], [1], [0, 1, 1, 1], [], []>, transpose_lhs_hint = false} : vector<128x64xf32>, vector<128x128xf32>, vector<64x128xf32> -> vector<64x128xf32>
    %reshape3A_1941 = vector.shape_cast %dot_general3A_1940 : vector<64x128xf32> to vector<8x8x128xf32>
    %swap3A_1942 = arith.constant 3 : index
    %swap3A_1943 = arith.constant 0 : index
    %swap3A_1944 = arith.constant 25 : index
    %swap3A_1945 = arith.constant 0 : index
    %swap3A_1946 = arith.constant 0 : index
    %swap3A_1947 = vector.load %arg2[%swap3A_1942, %swap3A_1943, %swap3A_1944, %swap3A_1945, %swap3A_1946] : memref<4x8x32x8x128xf32, #tpu.memory_space<vmem>>, vector<1x8x1x8x128xf32>
    %swap3A_1948 = vector.shape_cast %swap3A_1947 : vector<1x8x1x8x128xf32> to vector<8x8x128xf32>
    %swap3A_1949 = vector.shape_cast %reshape3A_1941 : vector<8x8x128xf32> to vector<1x8x1x8x128xf32>
    tpu.vector_store %arg2[%swap3A_1942, %swap3A_1943, %swap3A_1944, %swap3A_1945, %swap3A_1946], %swap3A_1949 {strides = array<i32>} : memref<4x8x32x8x128xf32, #tpu.memory_space<vmem>>, vector<1x8x1x8x128xf32>,
    %get3A_1950 = arith.constant 3 : index
    %get3A_1951 = arith.constant 3328 : index
    %get3A_1952 = arith.constant 0 : index
    %get3A_1953 = vector.load %arg1[%get3A_1950, %get3A_1951, %get3A_1952] : memref<4x4096x128xf32, #tpu.memory_space<vmem>>, vector<1x128x64xf32>
    %get3A_1954 = vector.shape_cast %get3A_1953 : vector<1x128x64xf32> to vector<128x64xf32>
    %dot_general3A_1955 = arith.constant dense<0.000000e+00> : vector<64x128xf32>
    %dot_general3A_1956 = tpu.matmul %get3A_1954, %convert_element_type3A_1, %dot_general3A_1955 {dimension_numbers = #tpu.dot_dimension_numbers<[0], [0], [1], [1], [0, 1, 1, 1], [], []>, transpose_lhs_hint = false} : vector<128x64xf32>, vector<128x128xf32>, vector<64x128xf32> -> vector<64x128xf32>
    %reshape3A_1957 = vector.shape_cast %dot_general3A_1956 : vector<64x128xf32> to vector<8x8x128xf32>
    %swap3A_1958 = arith.constant 3 : index
    %swap3A_1959 = arith.constant 0 : index
    %swap3A_1960 = arith.constant 26 : index
    %swap3A_1961 = arith.constant 0 : index
    %swap3A_1962 = arith.constant 0 : index
    %swap3A_1963 = vector.load %arg2[%swap3A_1958, %swap3A_1959, %swap3A_1960, %swap3A_1961, %swap3A_1962] : memref<4x8x32x8x128xf32, #tpu.memory_space<vmem>>, vector<1x8x1x8x128xf32>
    %swap3A_1964 = vector.shape_cast %swap3A_1963 : vector<1x8x1x8x128xf32> to vector<8x8x128xf32>
    %swap3A_1965 = vector.shape_cast %reshape3A_1957 : vector<8x8x128xf32> to vector<1x8x1x8x128xf32>
    tpu.vector_store %arg2[%swap3A_1958, %swap3A_1959, %swap3A_1960, %swap3A_1961, %swap3A_1962], %swap3A_1965 {strides = array<i32>} : memref<4x8x32x8x128xf32, #tpu.memory_space<vmem>>, vector<1x8x1x8x128xf32>,
    %get3A_1966 = arith.constant 3 : index
    %get3A_1967 = arith.constant 3456 : index
    %get3A_1968 = arith.constant 0 : index
    %get3A_1969 = vector.load %arg1[%get3A_1966, %get3A_1967, %get3A_1968] : memref<4x4096x128xf32, #tpu.memory_space<vmem>>, vector<1x128x64xf32>
    %get3A_1970 = vector.shape_cast %get3A_1969 : vector<1x128x64xf32> to vector<128x64xf32>
    %dot_general3A_1971 = arith.constant dense<0.000000e+00> : vector<64x128xf32>
    %dot_general3A_1972 = tpu.matmul %get3A_1970, %convert_element_type3A_1, %dot_general3A_1971 {dimension_numbers = #tpu.dot_dimension_numbers<[0], [0], [1], [1], [0, 1, 1, 1], [], []>, transpose_lhs_hint = false} : vector<128x64xf32>, vector<128x128xf32>, vector<64x128xf32> -> vector<64x128xf32>
    %reshape3A_1973 = vector.shape_cast %dot_general3A_1972 : vector<64x128xf32> to vector<8x8x128xf32>
    %swap3A_1974 = arith.constant 3 : index
    %swap3A_1975 = arith.constant 0 : index
    %swap3A_1976 = arith.constant 27 : index
    %swap3A_1977 = arith.constant 0 : index
    %swap3A_1978 = arith.constant 0 : index
    %swap3A_1979 = vector.load %arg2[%swap3A_1974, %swap3A_1975, %swap3A_1976, %swap3A_1977, %swap3A_1978] : memref<4x8x32x8x128xf32, #tpu.memory_space<vmem>>, vector<1x8x1x8x128xf32>
    %swap3A_1980 = vector.shape_cast %swap3A_1979 : vector<1x8x1x8x128xf32> to vector<8x8x128xf32>
    %swap3A_1981 = vector.shape_cast %reshape3A_1973 : vector<8x8x128xf32> to vector<1x8x1x8x128xf32>
    tpu.vector_store %arg2[%swap3A_1974, %swap3A_1975, %swap3A_1976, %swap3A_1977, %swap3A_1978], %swap3A_1981 {strides = array<i32>} : memref<4x8x32x8x128xf32, #tpu.memory_space<vmem>>, vector<1x8x1x8x128xf32>,
    %get3A_1982 = arith.constant 3 : index
    %get3A_1983 = arith.constant 3584 : index
    %get3A_1984 = arith.constant 0 : index
    %get3A_1985 = vector.load %arg1[%get3A_1982, %get3A_1983, %get3A_1984] : memref<4x4096x128xf32, #tpu.memory_space<vmem>>, vector<1x128x64xf32>
    %get3A_1986 = vector.shape_cast %get3A_1985 : vector<1x128x64xf32> to vector<128x64xf32>
    %dot_general3A_1987 = arith.constant dense<0.000000e+00> : vector<64x128xf32>
    %dot_general3A_1988 = tpu.matmul %get3A_1986, %convert_element_type3A_1, %dot_general3A_1987 {dimension_numbers = #tpu.dot_dimension_numbers<[0], [0], [1], [1], [0, 1, 1, 1], [], []>, transpose_lhs_hint = false} : vector<128x64xf32>, vector<128x128xf32>, vector<64x128xf32> -> vector<64x128xf32>
    %reshape3A_1989 = vector.shape_cast %dot_general3A_1988 : vector<64x128xf32> to vector<8x8x128xf32>
    %swap3A_1990 = arith.constant 3 : index
    %swap3A_1991 = arith.constant 0 : index
    %swap3A_1992 = arith.constant 28 : index
    %swap3A_1993 = arith.constant 0 : index
    %swap3A_1994 = arith.constant 0 : index
    %swap3A_1995 = vector.load %arg2[%swap3A_1990, %swap3A_1991, %swap3A_1992, %swap3A_1993, %swap3A_1994] : memref<4x8x32x8x128xf32, #tpu.memory_space<vmem>>, vector<1x8x1x8x128xf32>
    %swap3A_1996 = vector.shape_cast %swap3A_1995 : vector<1x8x1x8x128xf32> to vector<8x8x128xf32>
    %swap3A_1997 = vector.shape_cast %reshape3A_1989 : vector<8x8x128xf32> to vector<1x8x1x8x128xf32>
    tpu.vector_store %arg2[%swap3A_1990, %swap3A_1991, %swap3A_1992, %swap3A_1993, %swap3A_1994], %swap3A_1997 {strides = array<i32>} : memref<4x8x32x8x128xf32, #tpu.memory_space<vmem>>, vector<1x8x1x8x128xf32>,
    %get3A_1998 = arith.constant 3 : index
    %get3A_1999 = arith.constant 3712 : index
    %get3A_2000 = arith.constant 0 : index
    %get3A_2001 = vector.load %arg1[%get3A_1998, %get3A_1999, %get3A_2000] : memref<4x4096x128xf32, #tpu.memory_space<vmem>>, vector<1x128x64xf32>
    %get3A_2002 = vector.shape_cast %get3A_2001 : vector<1x128x64xf32> to vector<128x64xf32>
    %dot_general3A_2003 = arith.constant dense<0.000000e+00> : vector<64x128xf32>
    %dot_general3A_2004 = tpu.matmul %get3A_2002, %convert_element_type3A_1, %dot_general3A_2003 {dimension_numbers = #tpu.dot_dimension_numbers<[0], [0], [1], [1], [0, 1, 1, 1], [], []>, transpose_lhs_hint = false} : vector<128x64xf32>, vector<128x128xf32>, vector<64x128xf32> -> vector<64x128xf32>
    %reshape3A_2005 = vector.shape_cast %dot_general3A_2004 : vector<64x128xf32> to vector<8x8x128xf32>
    %swap3A_2006 = arith.constant 3 : index
    %swap3A_2007 = arith.constant 0 : index
    %swap3A_2008 = arith.constant 29 : index
    %swap3A_2009 = arith.constant 0 : index
    %swap3A_2010 = arith.constant 0 : index
    %swap3A_2011 = vector.load %arg2[%swap3A_2006, %swap3A_2007, %swap3A_2008, %swap3A_2009, %swap3A_2010] : memref<4x8x32x8x128xf32, #tpu.memory_space<vmem>>, vector<1x8x1x8x128xf32>
    %swap3A_2012 = vector.shape_cast %swap3A_2011 : vector<1x8x1x8x128xf32> to vector<8x8x128xf32>
    %swap3A_2013 = vector.shape_cast %reshape3A_2005 : vector<8x8x128xf32> to vector<1x8x1x8x128xf32>
    tpu.vector_store %arg2[%swap3A_2006, %swap3A_2007, %swap3A_2008, %swap3A_2009, %swap3A_2010], %swap3A_2013 {strides = array<i32>} : memref<4x8x32x8x128xf32, #tpu.memory_space<vmem>>, vector<1x8x1x8x128xf32>,
    %get3A_2014 = arith.constant 3 : index
    %get3A_2015 = arith.constant 3840 : index
    %get3A_2016 = arith.constant 0 : index
    %get3A_2017 = vector.load %arg1[%get3A_2014, %get3A_2015, %get3A_2016] : memref<4x4096x128xf32, #tpu.memory_space<vmem>>, vector<1x128x64xf32>
    %get3A_2018 = vector.shape_cast %get3A_2017 : vector<1x128x64xf32> to vector<128x64xf32>
    %dot_general3A_2019 = arith.constant dense<0.000000e+00> : vector<64x128xf32>
    %dot_general3A_2020 = tpu.matmul %get3A_2018, %convert_element_type3A_1, %dot_general3A_2019 {dimension_numbers = #tpu.dot_dimension_numbers<[0], [0], [1], [1], [0, 1, 1, 1], [], []>, transpose_lhs_hint = false} : vector<128x64xf32>, vector<128x128xf32>, vector<64x128xf32> -> vector<64x128xf32>
    %reshape3A_2021 = vector.shape_cast %dot_general3A_2020 : vector<64x128xf32> to vector<8x8x128xf32>
    %swap3A_2022 = arith.constant 3 : index
    %swap3A_2023 = arith.constant 0 : index
    %swap3A_2024 = arith.constant 30 : index
    %swap3A_2025 = arith.constant 0 : index
    %swap3A_2026 = arith.constant 0 : index
    %swap3A_2027 = vector.load %arg2[%swap3A_2022, %swap3A_2023, %swap3A_2024, %swap3A_2025, %swap3A_2026] : memref<4x8x32x8x128xf32, #tpu.memory_space<vmem>>, vector<1x8x1x8x128xf32>
    %swap3A_2028 = vector.shape_cast %swap3A_2027 : vector<1x8x1x8x128xf32> to vector<8x8x128xf32>
    %swap3A_2029 = vector.shape_cast %reshape3A_2021 : vector<8x8x128xf32> to vector<1x8x1x8x128xf32>
    tpu.vector_store %arg2[%swap3A_2022, %swap3A_2023, %swap3A_2024, %swap3A_2025, %swap3A_2026], %swap3A_2029 {strides = array<i32>} : memref<4x8x32x8x128xf32, #tpu.memory_space<vmem>>, vector<1x8x1x8x128xf32>,
    %get3A_2030 = arith.constant 3 : index
    %get3A_2031 = arith.constant 3968 : index
    %get3A_2032 = arith.constant 0 : index
    %get3A_2033 = vector.load %arg1[%get3A_2030, %get3A_2031, %get3A_2032] : memref<4x4096x128xf32, #tpu.memory_space<vmem>>, vector<1x128x64xf32>
    %get3A_2034 = vector.shape_cast %get3A_2033 : vector<1x128x64xf32> to vector<128x64xf32>
    %dot_general3A_2035 = arith.constant dense<0.000000e+00> : vector<64x128xf32>
    %dot_general3A_2036 = tpu.matmul %get3A_2034, %convert_element_type3A_1, %dot_general3A_2035 {dimension_numbers = #tpu.dot_dimension_numbers<[0], [0], [1], [1], [0, 1, 1, 1], [], []>, transpose_lhs_hint = false} : vector<128x64xf32>, vector<128x128xf32>, vector<64x128xf32> -> vector<64x128xf32>
    %reshape3A_2037 = vector.shape_cast %dot_general3A_2036 : vector<64x128xf32> to vector<8x8x128xf32>
    %swap3A_2038 = arith.constant 3 : index
    %swap3A_2039 = arith.constant 0 : index
    %swap3A_2040 = arith.constant 31 : index
    %swap3A_2041 = arith.constant 0 : index
    %swap3A_2042 = arith.constant 0 : index
    %swap3A_2043 = vector.load %arg2[%swap3A_2038, %swap3A_2039, %swap3A_2040, %swap3A_2041, %swap3A_2042] : memref<4x8x32x8x128xf32, #tpu.memory_space<vmem>>, vector<1x8x1x8x128xf32>
    %swap3A_2044 = vector.shape_cast %swap3A_2043 : vector<1x8x1x8x128xf32> to vector<8x8x128xf32>
    %swap3A_2045 = vector.shape_cast %reshape3A_2037 : vector<8x8x128xf32> to vector<1x8x1x8x128xf32>
    tpu.vector_store %arg2[%swap3A_2038, %swap3A_2039, %swap3A_2040, %swap3A_2041, %swap3A_2042], %swap3A_2045 {strides = array<i32>} : memref<4x8x32x8x128xf32, #tpu.memory_space<vmem>>, vector<1x8x1x8x128xf32>,
    return
  }
  func.func @transform_0(%arg0: i32) -> (i32, i32, i32) {
    %c0_i32 = arith.constant 0 : i32
    %c0_i32_0 = arith.constant 0 : i32
    %c0_i32_1 = arith.constant 0 : i32
    return %arg0, %c0_i32, %c0_i32_0 : i32, i32, i32
  }
  func.func @transform_1(%arg0: i32) -> (i32, i32, i32, i32, i32) {
    %c0_i32 = arith.constant 0 : i32
    %c0_i32_0 = arith.constant 0 : i32
    %c0_i32_1 = arith.constant 0 : i32
    %c0_i32_2 = arith.constant 0 : i32
    %c0_i32_3 = arith.constant 0 : i32
    return %arg0, %c0_i32, %c0_i32_0, %c0_i32_1, %c0_i32_2 : i32, i32, i32, i32, i32
  }
}

</mosaic_0001>

<sc_bundles>
// kernel: kernel.5.cloned.1.call-start
scs
__scs_entry_jumppad:
0x0: {  	(pc) =	sbr.rel $0x88, $3  }
0x1: {  	(tag) =	ssettag $0x0;
	lr =	simm.s32 $0x1  }
0x2: {  	[smem:$0x3F9F] =	sst lr;
	_ =	strace $0xD0000000  }
0x3: {  	_ = 	snop  }
0x4: {  	_ = 	snop  }
0x5: {  	_ = 	snop  }
0x6: {  	_ = 	snop  }
0x7: {  	_ = 	snop  }
__scs_overlays_trampoline_lowered:
0x8: {  	[smem:$0x3FAE] =	sst s0  }
0x9: {  	[smem:$0x3FAF] =	sst s1  }
0xa: {  	[smem:$0x3FB0] =	sst s2  }
0xb: {  	[smem:$0x3FB1] =	sst s3  }
0xc: {  	[smem:$0x3FB2] =	sst s4  }
0xd: {  	[smem:$0x3FB3] =	sst s5  }
0xe: {  	[smem:$0x3FB4] =	sst s6  }
0xf: {  	[smem:$0x3FB5] =	sst s7  }
0x10: {  	[smem:$0x3FB6] =	sst s8  }
0x11: {  	[smem:$0x3FB7] =	sst s9;
	s0 =	simm.s32 @!p0 $0x0  }
0x12: {  	s1 =	sld [smem:$0x3F9D];
	s0 =	simm.s32 @p0 $0x1  }
0x13: {  	[smem:$0x3FB8] =	sst s0;
	s0 =	simm.s32 @!p1 $0x0  }
0x14: {  	s2 =	sld [smem:$0x3F9C];
	s0 =	simm.s32 @p1 $0x1  }
0x15: {  	[smem:$0x3FB9] =	sst s0;
	s0 =	simm.s32 @!p2 $0x0  }
0x16: {  	s3 =	sld [smem:$0x3FDB];
	s0 =	simm.s32 @p2 $0x1  }
0x17: {  	s4 =	simm.s32 $0x1BF5;
	[smem:$0x3FBB] =	sst s0  }
0x18: {  	s0 =	sld [smem:$0x3F9E];
	_ =	swait.ge [sflag:s4], $0x0  }
0x19: {  	s7 =	sld [smem:$0x3F9F]  }
0x1a: {  	s8 =	sadd.s32 $0xFFFFE003, lr  }
0x1b: {  	s9 =	sadd.s32 $0xFFFFFEF7, lr;
	s5 =	simm.s32 $0xFFFFFFFF;
	p2 =	slt.u32 s8, $0xFFFFF086  }
0x1c: {  	p1 =	slt.u32 s9, $0xF7A;
	s5 =	simm.s32 @!p2 $0x0  }
0x1d: {  	s5 =	simm.s32 @p1 $0x1;
	p0 =	seq.s32 s7, s2  }
0x1e: {  	s7 =	smul.u32 @!p0 $0xF7A, s2;
	p2 =	seq.s32 @!p0 s5, $0x0  }
0x1f: {  	s9 =	smul.u32 $0xF7A, s1;
	s8 =	simm.s32 @!p0 $0x1BF5;
	p2 =	por !p2, p0  }
0x20: {  	[sflag:s8] =	ssyncset.s32 @!p0 $0xFFFFF086;
	s6 =	sadd.s32 @!p0 s3, s7;
	s7 =	simm.s32 @!p0 $0x108  }
0x21: {  	s3 =	sadd.s32 s3, s9;
	s6 =	sadd.s32 @!p0 $0x88, s6;
	s7 =	simm.s32 @p2 $0x1082  }
0x22: {  	[simem:s7], [sflag:s8] =	dma.local @!p0 [hbm:s6], $0xF7A  }
0x23: {  	s9 =	sor.u32 $0xD0000000, s2;
	s6 =	simm.s32 $0x108;
	_ =	swait.ge @!p0 [sflag:s8], $0x0  }
0x24: {  	s3 =	sadd.s32 $0x88, s3;
	s6 =	simm.s32 @!p1 $0x1082;
	[sflag:s4] =	ssyncset.s32 $0xFFFFF086  }
0x25: {  	[simem:s6], [sflag:s4] =	dma.local [hbm:s3], $0xF7A  }
0x26: {  	[smem:$0x3F9F] =	sst s1;
	(tag) =	ssettag s2;
	_ =	strace s9  }
0x27: {  	s1 =	sld [smem:$0x3FAF]  }
0x28: {  	s2 =	sld [smem:$0x3FB0]  }
0x29: {  	s4 =	sld [smem:$0x3FB2]  }
0x2a: {  	p0 =	seq.s32 s5, $0x0;
	s5 =	sld [smem:$0x3FB3]  }
0x2b: {  	s6 =	sld [smem:$0x3FB4]  }
0x2c: {  	s7 =	sld [smem:$0x3FB5]  }
0x2d: {  	s3 =	simm.s32 $0x108;
	s8 =	sld [smem:$0x3FB6]  }
0x2e: {  	s3 =	simm.s32 @!p0 $0x1082;
	s9 =	sld [smem:$0x3FB7]  }
0x2f: {  	lr =	sadd.s32 s0, s3;
	s0 =	sld [smem:$0x3FAE]  }
0x30: {  	s3 =	sld [smem:$0x3FB1]  }
0x31: {  	[smem:$0x3FBA] =	sst s10  }
0x32: {  	s10 =	sld [smem:$0x3FB8];
	_ =	sdelay $0x3  }
0x33: {  	p0 =	seq.s32 s10, $0x1;
	s10 =	sld [smem:$0x3FBA];
	_ =	sdelay $0x3  }
0x34: {  	[smem:$0x3FBA] =	sst s10  }
0x35: {  	s10 =	sld [smem:$0x3FB9];
	_ =	sdelay $0x3  }
0x36: {  	p1 =	seq.s32 s10, $0x1;
	s10 =	sld [smem:$0x3FBA];
	_ =	sdelay $0x3  }
0x37: {  	[smem:$0x3FBA] =	sst s10  }
0x38: {  	s10 =	sld [smem:$0x3FBB]  }
0x39: {  	_ = 	snop;
	(pc) =	sbr.ind lr, $3  }
0x3a: {  	_ = 	snop  }
0x3b: {  	_ = 	snop  }
0x3c: {  	p2 =	seq.s32 s10, $0x1;
	s10 =	sld [smem:$0x3FBA]  }
0x3d: {  	_ =	shalt  }
0x3e: {  	_ =	shalt  }
0x3f: {  	_ =	shalt  }
0x40: {  	_ =	shalt  }
0x41: {  	_ =	shalt  }
0x42: {  	_ =	shalt  }
0x43: {  	_ =	shalt  }
0x44: {  	_ =	shalt  }
0x45: {  	_ =	shalt  }
0x46: {  	_ =	shalt  }
0x47: {  	_ =	shalt  }
0x48: {  	_ =	shalt  }
0x49: {  	_ =	shalt  }
0x4a: {  	_ =	shalt  }
0x4b: {  	_ =	shalt  }
0x4c: {  	_ =	shalt  }
0x4d: {  	_ =	shalt  }
0x4e: {  	_ =	shalt  }
0x4f: {  	_ =	shalt  }
0x50: {  	_ =	shalt  }
0x51: {  	_ =	shalt  }
0x52: {  	_ =	shalt  }
0x53: {  	_ =	shalt  }
0x54: {  	_ =	shalt  }
0x55: {  	_ =	shalt  }
0x56: {  	_ =	shalt  }
0x57: {  	_ =	shalt  }
0x58: {  	_ =	shalt  }
0x59: {  	_ =	shalt  }
0x5a: {  	_ =	shalt  }
0x5b: {  	_ =	shalt  }
0x5c: {  	_ =	shalt  }
0x5d: {  	_ =	shalt  }
0x5e: {  	_ =	shalt  }
0x5f: {  	_ =	shalt  }
0x60: {  	_ =	shalt  }
0x61: {  	_ =	shalt  }
0x62: {  	_ =	shalt  }
0x63: {  	_ =	shalt  }
0x64: {  	_ =	shalt  }
0x65: {  	_ =	shalt  }
0x66: {  	_ =	shalt  }
0x67: {  	_ =	shalt  }
0x68: {  	_ =	shalt  }
0x69: {  	_ =	shalt  }
0x6a: {  	_ =	shalt  }
0x6b: {  	_ =	shalt  }
0x6c: {  	_ =	shalt  }
0x6d: {  	_ =	shalt  }
0x6e: {  	_ =	shalt  }
0x6f: {  	_ =	shalt  }
0x70: {  	_ =	shalt  }
0x71: {  	_ =	shalt  }
0x72: {  	_ =	shalt  }
0x73: {  	_ =	shalt  }
0x74: {  	_ =	shalt  }
0x75: {  	_ =	shalt  }
0x76: {  	_ =	shalt  }
0x77: {  	_ =	shalt  }
0x78: {  	_ =	shalt  }
0x79: {  	_ =	shalt  }
0x7a: {  	_ =	shalt  }
0x7b: {  	_ =	shalt  }
0x7c: {  	_ =	shalt  }
0x7d: {  	_ =	shalt  }
0x7e: {  	_ =	shalt  }
0x7f: {  	_ =	shalt  }
0x80: {  	_ =	shalt  }
0x81: {  	_ =	shalt  }
0x82: {  	_ =	shalt  }
0x83: {  	_ =	shalt  }
0x84: {  	_ =	shalt  }
0x85: {  	_ =	shalt  }
0x86: {  	_ =	shalt  }
0x87: {  	_ =	shalt  }
.Lfunc_end0:
.L_simem_size_0:
called_computation_lowered:
.L_overlay_start_0:
0x88: {  	s2 =	sld [smem:$0x3FD9]  }
0x89: {  	s3 =	sld [smem:$0x3FFE];
	_ =	sdelay $0x1  }
0x8a: {  	s1 =	srdreg.scid  }
0x8b: {  	s0 =	sand.u32 $0x1, s1  }
0x8c: {  	s17 =	sshll.u32 s0, $0xA;
	s2 =	sadd.s32 s3, s2  }
0x8d: {  	s2 =	sadd.s32 s2, s17  }
0x8e: {  	[smem:$0x3FC6] =	sst s2  }
0x8f: {  	_ = 	snop  }
0x90: {  	s2 =	sld [smem:$0x3FD0];
	(tm) =	ssettm $0x1  }
0x91: {  	s18 =	sld [smem:$0x3FFB];
	_ =	sdelay $0x3  }
0x92: {  	_ =	strace s18  }
0x93: {  	s3 =	sld [smem:$0x3FFC];
	_ =	sdelay $0x3  }
0x94: {  	_ =	strace s3  }
0x95: {  	s3 =	sld [smem:$0x3FFD];
	_ =	sdelay $0x3  }
0x96: {  	_ =	strace s3  }
0x97: {  	_ =	strace $0x8FFFFFFF  }
0x98: {  	s19 =	sld [smem:$0x3FDB];
	_ =	sdelay $0x1  }
0x99: {  	s4 =	simm.s32 $_scs_section_size  }
0x9a: {  	s5 =	simm.s32 $_size__tile_overlayer_lowered;
	s6 =	simm.s32 $_tile_overlayer_lowered  }
0x9b: {  	s22 =	simm.s32 $0x1BFF;
	s21 =	sshll.u32 s6, $0x1;
	s3 =	sadd.s32 s4, s19  }
0x9c: {  	s7 =	simm.s32 $0x0;
	s20 =	sshll.u32 s5, $0x1;
	s5 =	sadd.s32 s21, s3  }
0x9d: {  	[timem:s7], [sflag:s22] =	dma.local [hbm:s5], s20  }
0x9e: {  	_ =	swait.ge [sflag:s22], s20  }
0x9f: {  	s4 =	ssub.s32 $0x0, s20;
	[sflag:s22] =	ssyncset.done $0x0  }
0xa0: {  	[sflag:s22] =	ssyncadd.s32 s4;
	_ =	sdelay $0x1  }
0xa1: {  	s23 =	simm.s32 $0x1B8B  }
0xa2: {  	_ =	swait.ge [sflag:s23], $0x1  }
0xa3: {  	[sflag:s23] =	ssyncset.done $0x0  }
0xa4: {  	s25 =	simm.s32 $0x1B8E;
	s24 =	sld [smem:$0x3FFE];
	[sflag:s23] =	ssyncadd.s32 $0xFFFFFFFF  }
0xa5: {  	s26 =	simm.s32 $execute0_lowered;
	[smem:$0x3FD2] =	sst s25  }
0xa6: {  	s5 =	sshll.u32 s26, $0x1;
	_ =	strace $0x80000046;
	[dreg:$0x1] =	wrdreg $0xFFFFFFFF  }
0xa7: {  	s28 =	simm.s32 $_size_execute0_lowered;
	s3 =	sadd.s32 s3, s5;
	[dreg:$0x0] =	wrdreg $0x0  }
0xa8: {  	s5 =	sshll.u32 s28, $0x1;
	[dreg:$0x2] =	wrdreg s3  }
0xa9: {  	[dreg:$0x3] =	wrdreg s5  }
0xaa: {  	[dreg:$0x4] =	wrdreg $0xC0  }
0xab: {  	_ =	task [dreg:s7], $0x5FFFF  }
0xac: {  	[dreg:$0x1] =	wrdreg $0xFFFFFFFF  }
0xad: {  	[dreg:$0x0] =	wrdreg $0x60  }
0xae: {  	[dreg:$0x2] =	wrdreg s24  }
0xaf: {  	[dreg:$0x3] =	wrdreg s2  }
0xb0: {  	[dreg:$0x4] =	wrdreg $0x9  }
0xb1: {  	_ =	task.clear_ibuf [dreg:s7], $0x5FFFF;
	_ =	strace $0x90000046  }
0xb2: {  	s29 =	simm.s32 $0x9;
	_ =	strace $0x80000048  }
0xb3: {  	_ =	swait.ge [sflag:s29], $0x1  }
0xb4: {  	[sflag:s29] =	ssyncadd.s32 $0xFFFFFFFF  }
0xb5: {  	_ =	strace $0x90000048  }
0xb6: {  	_ =	sfence  }
0xb7: {  	s30 =	sld [smem:$0x0];
	_ =	sdelay $0x2  }
0xb8: {  	s31 =	sshll.u32 s1, $0xD;
	s1 =	sshrl.u32 s1, $0x2  }
0xb9: {  	s3 =	sand.u32 $0x4000, s31;
	s1 =	sadd.s32 s1, s30  }
0xba: {  	s0 =	sor.u32 s3, s0;
	s1 =	sshll.u32 s1, $0x11  }
0xbb: {  	s0 =	sor.u32 s1, s0  }
0xbc: {  	s0 =	sadd.s32 $0x8F2B, s0  }
0xbd: {  	[sflag:s0] =	ssyncadd.remote.s32 $0x1  }
0xbe: {  	_ =	sfence.sel $0xFFFF  }
0xbf: {  	[dreg:$0x0] =	wrdreg $0xFFFFFFFF;
	(pc) =	sbr.abs _section_cstart, $3  }
0xc0: {  	[dreg:$0x1] =	wrdreg $0xFFFFFFFF  }
0xc1: {  	_ =	task.clear_ibuf [dreg:s7], $0x2FFFF;
	_ =	strace $0x9FFFFFFF  }
0xc2: {  	(tm) =	ssettm $0x7FFFFFFF  }
0xc3: {  	_ =	shalt  }
tec
execute0_lowered:
.L_overlay_start_1:
0x0: {  	(tag) =	ssettag $0x1  }
0x1: {  	s4 =	rddreg [dreg:$0x0]  }
0x2: {  	s5 =	rddreg [dreg:$0x1]  }
0x3: {  	s0 =	rddreg [dreg:$0x2];
	s2 =	simm.s32 $0x0  }
0x4: {  	s3 =	srdreg.scid;
	s1 =	stileid.u32;
	s12 =	simm.s32 $0x400  }
0x5: {  	s13 =	simm.s32 $0x1;
	s14 =	simm.s32 $0x6400;
	s15 =	simm.s32 $0x2  }
0x6: {  	s16 =	simm.s32 $0xA400;
	s17 =	simm.s32 $0x3;
	s18 =	simm.s32 $0x4  }
0x7: {  	s19 =	simm.s32 $0x100;
	s20 =	simm.s32 $0x5;
	s21 =	simm.s32 $0x0  }
0x8: {  	[smem:$0x7FF] =	sst s2;
	s6 =	sand.u32 $0x1, s3;
	s28 =	sshll.u32 s1, $0x1  }
0x9: {  	s29 =	sshrl.u32 s1, $0x2;
	s3 =	sadd.s32 $0x600, s4;
	s4 =	sadd.s32 $0xF42A00, s4  }
0xa: {  	s30 =	sshll.u32 s1, $0xF;
	_ =	strace $0x80000047;
	s7 =	sor.u32 s6, s28  }
0xb: {  	s8 =	ssub.s32 $0x2, s6;
	s9 =	smul.u32 $0x32000, s29;
	s6 =	sshll.u32 s6, $0xE  }
0xc: {  	s10 =	sshll.u32 s7, $0x7;
	s11 =	sshrl.u32 s8, $0x1;
	s7 =	sshll.u32 s7, $0xB  }
.Ltmp0:
0xd: {  	s31 =	sor.u32 s6, s30;
	s10 =	sand.u32 $0x380, s10;
	(pc) =	sbr.rel .LBB2_1-.Ltmp0, $4  }
0xe: {  	s8 =	ssub.s32 s8, s11;
	s7 =	sadd.s32 s4, s7;
	s11 =	simm.s32 $0x80  }
0xf: {  	s9 =	sor.u32 s9, s10;
	s6 =	smax.u32 s8, $0x1;
	s10 =	sor.u32 $0x180000, s31  }
0x10: {  	s8 =	sadd.s32 $0x10000, s7;
	s9 =	sshrl.u32 s9, $0x3;
	s10 =	sshrl.u32 s10, $0x3  }
0x11: {  	s5 =	sadd.s32 s5, s9;
	s9 =	sor.u32 $0x100000, s31;
	s10 =	sadd.s32 s10, s4  }
.LBB2_4:
0x12: {  	s21 =	sadd.s32 $0x1, s21  }
0x13: {  	p0 =	sne.s32 s21, s6  }
.Ltmp1:
0x14: {  	_ = 	snop;
	(pc) =	sbr.rel @!p0 .LBB2_5-.Ltmp1, $4  }
0x15: {  	_ = 	snop  }
0x16: {  	_ =	swait.ge [sflag:s20], $0x4000  }
0x17: {  	[sflag:s20] =	ssyncset.done $0x0  }
0x18: {  	[sflag:s20] =	ssyncadd.s32 $0xFFFFC000  }
.LBB2_1:
0x19: {  	[tilespmem:s2], [sflag:$0x1] =	stream.strided.gather [hbm4b:s5+s11], $0x6400, s12, s11, $0x38;
	[tilespmem:$0xE400] =	vst v63  }
0x1a: {  	_ =	swait.ge [sflag:s13], $0x6400  }
0x1b: {  	[sflag:s13] =	ssyncset.done $0x0  }
0x1c: {  	[sflag:s13] =	ssyncadd.s32 $0xFFFF9C00  }
0x1d: {  	[tilespmem:s14], [sflag:$0x2] =	stream.indirect.gather [hbm4b:s3+s11], $0x80, s2, s11, $0xb8;
	[tilespmem:$0xE400] =	vst v63  }
0x1e: {  	_ =	swait.ge [sflag:s15], $0x4000  }
0x1f: {  	[sflag:s15] =	ssyncset.done $0x0  }
0x20: {  	[sflag:s15] =	ssyncadd.s32 $0xFFFFC000  }
0x21: {  	[hbm4b:s7+s2] =	stream.linear.scatter [tilespmem:s14], [sflag:$0x4], $0x4000, $0x38;
	[tilespmem:$0xE400] =	vst v63  }
0x22: {  	_ = 	snop  }
0x23: {  	[tilespmem:s16], [sflag:$0x3] =	stream.indirect.gather [hbm4b:s3+s11], $0x80, s11, s11, $0xb8;
	[tilespmem:$0xE400] =	vst v63  }
0x24: {  	_ =	swait.ge [sflag:s17], $0x4000  }
0x25: {  	[sflag:s17] =	ssyncset.done $0x0  }
0x26: {  	[sflag:s17] =	ssyncadd.s32 $0xFFFFC000  }
0x27: {  	[hbm4b:s8+s2] =	stream.linear.scatter [tilespmem:s16], [sflag:$0x5], $0x4000, $0x38;
	[tilespmem:$0xE400] =	vst v63  }
0x28: {  	_ =	swait.ge [sflag:s18], $0x4000  }
0x29: {  	s22 =	simm.s32 $0x200;
	[sflag:s18] =	ssyncset.done $0x0  }
0x2a: {  	s23 =	simm.s32 $0x0;
	s24 =	smov.u32 s9;
	[sflag:s18] =	ssyncadd.s32 $0xFFFFC000  }
0x2b: {  	[tilespmem:s14], [sflag:$0x2] =	stream.indirect.gather [hbm4b:s3+s11], $0x80, s19, s11, $0xb8;
	[tilespmem:$0xE400] =	vst v63  }
.LBB2_2:
0x2c: {  	_ =	swait.ge [sflag:s15], $0x4000  }
0x2d: {  	s25 =	sshrl.u32 s24, $0x3;
	[sflag:s15] =	ssyncset.done $0x0  }
0x2e: {  	s25 =	sadd.s32 s4, s25;
	[sflag:s15] =	ssyncadd.s32 $0xFFFFC000  }
0x2f: {  	[hbm4b:s25+s2] =	stream.linear.scatter [tilespmem:s14], [sflag:$0x4], $0x4000, $0x38;
	[tilespmem:$0xE400] =	vst v63  }
0x30: {  	_ =	swait.ge [sflag:s20], $0x4000  }
0x31: {  	[sflag:s20] =	ssyncset.done $0x0  }
0x32: {  	s30 =	sadd.s32 $0xFFFFFF80, s22;
	[sflag:s20] =	ssyncadd.s32 $0xFFFFC000  }
0x33: {  	[tilespmem:s16], [sflag:$0x3] =	stream.indirect.gather [hbm4b:s3+s11], $0x80, s30, s11, $0xb8;
	[tilespmem:$0xE400] =	vst v63  }
0x34: {  	_ =	swait.ge [sflag:s17], $0x4000  }
0x35: {  	p0 =	seq.s32 s23, $0xC40000;
	[sflag:s17] =	ssyncset.done $0x0  }
.Ltmp2:
0x36: {  	s31 =	sadd.s32 s23, s10;
	[sflag:s17] =	ssyncadd.s32 $0xFFFFC000;
	(pc) =	sbr.rel @p0 .LBB2_4-.Ltmp2, $4  }
0x37: {  	[hbm4b:s31+s2] =	stream.linear.scatter [tilespmem:s16], [sflag:$0x5], $0x4000, $0x38;
	[tilespmem:$0xE400] =	vst v63  }
0x38: {  	_ =	swait.ge [sflag:s18], $0x4000  }
0x39: {  	[sflag:s18] =	ssyncset.done $0x0  }
0x3a: {  	[sflag:s18] =	ssyncadd.s32 $0xFFFFC000  }
.Ltmp3:
0x3b: {  	(pc) =	sbr.rel .LBB2_2-.Ltmp3, $3  }
0x3c: {  	_ =	sdelay $0x1  }
0x3d: {  	[tilespmem:s14], [sflag:$0x2] =	stream.indirect.gather [hbm4b:s3+s11], $0x80, s22, s11, $0xb8;
	[tilespmem:$0xE400] =	vst v63  }
0x3e: {  	s22 =	sadd.s32 $0x100, s22;
	s24 =	sadd.s32 $0x100000, s24;
	s23 =	sadd.s32 $0x20000, s23  }
.LBB2_5:
0x3f: {  	_ =	sfence.sel $0x180000  }
0x40: {  	[bflag:$0x0] =	sbarrier.arrive $0xFFFF  }
0x41: {  	p0 =	sne.s32 s1, $0x0;
	_ =	strace $0x90000047  }
0x42: {  	s0 =	sadd.s32 @!p0 $0x100000, s0;
	[bflag:$0x2] =	sbarrier.arrive $0xFFFF  }
0x43: {  	[sflag:s0] =	ssyncadd.tile.s32 @!p0 $0x1;
	_ =	shalt  }
.Lfunc_end2:
_tile_overlayer_lowered:
.L_overlay_start_2:
0x44: {  	(tag) =	ssettag $0x2  }
0x45: {  	s0 =	rddreg [dreg:$0x0];
	s2 =	stileid.u32  }
0x46: {  	s1 =	rddreg [dreg:$0x1];
	p0 =	sne.s32 s2, $0x0  }
0x47: {  	s3 =	rddreg [dreg:$0x2];
	[bflag:$0x3] =	sbarrier.arrive $0xFFFF;
	s2 =	simm.s32 @!p0 $0x1C06  }
0x48: {  	[timem:s3], [sflag:s2] =	dma.local @!p0 [hbm:s0], s1  }
0x49: {  	s0 =	simm.s32 @!p0 $0x6  }
0x4a: {  	_ =	swait.ge @!p0 [sflag:s0], s1  }
0x4b: {  	s1 =	ssub.s32 @!p0 $0x0, s1;
	[sflag:s0] =	ssyncset.done @!p0 $0x0  }
0x4c: {  	[sflag:s0] =	ssyncadd.s32 @!p0 s1  }
0x4d: {  	[bflag:$0x3] =	sbarrier.arrive $0xFFFF  }
0x4e: {  	_ =	shalt  }

</sc_bundles>
